<compile_context>
chip_gen: v7x
topology: tpu7x:2x2x1
jax: 0.10.2.dev20260603
libtpu: 0.0.44.dev20260713+nightly
codegen_flags: <defaults>
</compile_context>

<pallas_src>
import functools

import jax
import jax.numpy as jnp
from jax import lax
from jax.experimental import pallas as pl
from jax.experimental.pallas import tpu as pltpu
from jax.experimental.pallas import tpu_sc as plsc

_BATCH = 4096
_SEQ = 50
_D = 32
_V = 1000000
_NC = 2
_NS = 16
_NW = _NC * _NS
_BT = _BATCH // _NW
_L = 1 << 18
_CH = 2048


def _tc_transpose_body(t0, t1, t2, t3, out_ref):
  big = jnp.concatenate([t0[...], t1[...], t2[...], t3[...]], axis=0)
  out_ref[...] = jnp.transpose(big)


def _make_lines_kernel():
  grid = (_V + 4 * _CH - 1) // (4 * _CH)
  last_blk = _V // _CH
  return pl.pallas_call(
      _tc_transpose_body,
      grid=(grid,),
      in_specs=[
          pl.BlockSpec(
              (_D, _CH),
              (lambda j, k=k: (0, jnp.minimum(4 * j + k, last_blk))))
          for k in range(4)
      ],
      out_specs=pl.BlockSpec((_CH, 128), lambda j: (j, 0)),
      out_shape=jax.ShapeDtypeStruct((_L, 128), jnp.float32),
  )


_lines = _make_lines_kernel()


def _make_emb_kernel():
  mesh = plsc.VectorSubcoreMesh(core_axis_name="c", subcore_axis_name="s")

  @functools.partial(
      pl.kernel,
      mesh=mesh,
      out_type=jax.ShapeDtypeStruct((_SEQ, _D // 8, _NW, 8, _BT), jnp.float32),
      compiler_params=pltpu.CompilerParams(
          use_tc_tiling_on_sc=False, needs_layout_passes=False),
      scratch_types=[
          pltpu.VMEM((_SEQ, _BT), jnp.int32),
          pltpu.VMEM((_SEQ, _BT), jnp.int32),
          pltpu.VMEM((_BT, _D), jnp.float32),
          pltpu.VMEM((_BT, _D), jnp.float32),
          pltpu.VMEM((_D // 8, 8, _BT), jnp.float32),
          pltpu.VMEM((_D // 8, 8, _BT), jnp.float32),
          pltpu.SemaphoreType.DMA,
          pltpu.SemaphoreType.DMA,
          pltpu.SemaphoreType.DMA,
          pltpu.SemaphoreType.DMA,
      ],
  )
  def emb(idx_hbm, table_hbm, out_hbm, idx_v, line_v, rows_a, rows_b,
          tbuf_a, tbuf_b, sem_a, sem_b, wsem_a, wsem_b):
    w = lax.axis_index("s") * _NC + lax.axis_index("c")
    pltpu.sync_copy(idx_hbm.at[:, pl.ds(w * _BT, _BT)], idx_v)
    lane = lax.iota(jnp.int32, 16)

    @plsc.parallel_loop(0, _SEQ)
    def _prep(i):
      for bg in range(_BT // 16):
        v = idx_v[i, pl.ds(bg * 16, 16)]
        line_v[i, pl.ds(bg * 16, 16)] = jnp.bitwise_or(
            jnp.bitwise_or(
                jnp.left_shift(jnp.right_shift(v, 13), 13),
                jnp.left_shift(jnp.bitwise_and(v, 2047), 2)),
            jnp.bitwise_and(jnp.right_shift(v, 11), 3))

    def start_gather(s, rows, sem):
      pltpu.async_copy(table_hbm.at[line_v.at[s]], rows, sem)

    def wait_gather(s, rows, sem):
      pltpu.make_async_copy(table_hbm.at[line_v.at[s]], rows, sem).wait()

    def process(s, rows, tbuf):
      @plsc.parallel_loop(0, _BT // 16)
      def _bg(bg):
        row = bg * 16 + lane
        for f in range(_D):
          vec = plsc.load_gather(rows, [row, jnp.full((16,), f, jnp.int32)])
          tbuf[f // 8, f % 8, pl.ds(bg * 16, 16)] = vec

    def start_write(s, tbuf, wsem):
      pltpu.async_copy(tbuf, out_hbm.at[s, :, w], wsem)

    def wait_write(s, tbuf, wsem):
      pltpu.make_async_copy(tbuf, out_hbm.at[s, :, w], wsem).wait()

    start_gather(0, rows_a, sem_a)

    def step(i, _):
      s0 = 2 * i
      start_gather(s0 + 1, rows_b, sem_b)
      wait_gather(s0, rows_a, sem_a)

      @pl.when(s0 >= 2)
      def _():
        wait_write(s0 - 2, tbuf_a, wsem_a)

      process(s0, rows_a, tbuf_a)
      start_write(s0, tbuf_a, wsem_a)

      @pl.when(s0 + 2 < _SEQ)
      def _():
        start_gather(s0 + 2, rows_a, sem_a)

      wait_gather(s0 + 1, rows_b, sem_b)

      @pl.when(s0 >= 2)
      def _():
        wait_write(s0 - 1, tbuf_b, wsem_b)

      process(s0 + 1, rows_b, tbuf_b)
      start_write(s0 + 1, tbuf_b, wsem_b)
      return 0

    lax.fori_loop(0, _SEQ // 2, step, 0)
    wait_write(_SEQ - 2, tbuf_a, wsem_a)
    wait_write(_SEQ - 1, tbuf_b, wsem_b)

  return emb


_emb = _make_emb_kernel()


@jax.jit
def kernel(x, table):
  idx = jnp.transpose(x.astype(jnp.int32))
  tt = jnp.transpose(table)
  lines = _lines(tt, tt, tt, tt)
  rows32 = lines.reshape(_L * 4, _D)
  out5d = _emb(idx, rows32)
  out = jnp.transpose(out5d, (2, 4, 0, 1, 3))
  return out.reshape(_BATCH, _SEQ, _D)

# --- scband reference (transcript-rebuilt; emitter-appended) ---
"""Pipeline reference for scband-token-embedding-71459665871165 (READ-ONLY COPY).

The authoritative reference and input builder live on the scoring server;
editing this copy changes nothing except your own understanding.
"""

import jax, jax.numpy as jnp
import numpy as np

VOCAB = 1000000
DIM = 32
PAD_IDX = 0

def setup_inputs(seed: int = 0) -> dict:
    key = jax.random.key(seed)
    k1, k2 = jax.random.split(key)
    x = jax.random.randint(k1, (4096, 50), 0, VOCAB, dtype=jnp.int64)
    table = jax.random.normal(k2, (VOCAB, DIM), dtype=jnp.float32)
    # nn.Embedding with padding_idx zeros that row at init
    table = table.at[PAD_IDX].set(0.0)
    return {"x": x, "table": table}

def reference(x, table):
    # embedding lookup: gather rows of table by index
    return jnp.take(table, x, axis=0)

if __name__ == "__main__":
    import jax
    _d = setup_inputs()
    print(jax.jit(kernel)(*tuple(_d.values())))

</pallas_src>

<mosaic_0001>
#map = affine_map<(d0, d1) -> (0, 0)>
#map1 = affine_map<(d0, d1) -> (0, 0, 0, 0, 0)>
module attributes {stable_mosaic.version = 14 : i64} {
  func.func @emb(%arg0: i32, %arg1: i32, %arg2: memref<50x4096xi32, #tpu.memory_space<hbm>>, %arg3: memref<1048576x32xf32, #tpu.memory_space<hbm>>, %arg4: memref<50x4x32x8x128xf32, #tpu.memory_space<hbm>>, %arg5: memref<50x128xi32, #tpu.memory_space<vmem>>, %arg6: memref<50x128xi32, #tpu.memory_space<vmem>>, %arg7: memref<128x32xf32, #tpu.memory_space<vmem>>, %arg8: memref<128x32xf32, #tpu.memory_space<vmem>>, %arg9: memref<4x8x128xf32, #tpu.memory_space<vmem>>, %arg10: memref<4x8x128xf32, #tpu.memory_space<vmem>>, %arg11: memref<!tpu.dma_semaphore, #tpu.memory_space<semaphore_mem>>, %arg12: memref<!tpu.dma_semaphore, #tpu.memory_space<semaphore_mem>>, %arg13: memref<!tpu.dma_semaphore, #tpu.memory_space<semaphore_mem>>, %arg14: memref<!tpu.dma_semaphore, #tpu.memory_space<semaphore_mem>>) attributes {dimension_semantics = [#tpu.dimension_semantics<core_parallel>, #tpu.dimension_semantics<subcore_parallel>], iteration_bounds = array<i64: 2, 16>, scalar_prefetch = 0 : i64, scratch_operands = 10 : i64, tpu.core_type = #tpu.core_type<sc_vector_subcore>, window_params = [{transform_indices = #map}, {transform_indices = #map}, {transform_indices = #map1}]} {
    %mul3A = arith.constant 2 : i32
    %mul3A_0 = arith.muli %arg1, %mul3A : i32
    %add3A = arith.addi %mul3A_0, %arg0 : i32
    %mul3A_1 = arith.constant 128 : i32
    %mul3A_2 = arith.muli %add3A, %mul3A_1 : i32
    "tpu.region"() ({
      %run_scoped3A = tpu.sem_alloc : memref<!tpu.dma_semaphore, #tpu.memory_space<semaphore_mem>>
      %dma_start3A_38 = arith.constant 0 : i32
      %dma_start3A_39 = tpu.memref_slice %arg2[%dma_start3A_38, %mul3A_2] : memref<50x4096xi32, #tpu.memory_space<hbm>> -> memref<50x128xi32, #tpu.memory_space<hbm>>
      %dma_start3A_40 = arith.constant 0 : i32
      %dma_start3A_41 = tpu.memref_slice %arg2[%dma_start3A_40, %mul3A_2] : memref<50x4096xi32, #tpu.memory_space<hbm>> -> memref<50x128xi32, #tpu.memory_space<hbm>>
      tpu.enqueue_dma source(%dma_start3A_41 : memref<50x128xi32, #tpu.memory_space<hbm>>) target(%arg5 : memref<50x128xi32, #tpu.memory_space<vmem>>) target_semaphore(%run_scoped3A : memref<!tpu.dma_semaphore, #tpu.memory_space<semaphore_mem>>)
      %dma_wait3A_42 = arith.constant 0 : i32
      %dma_wait3A_43 = tpu.memref_slice %arg2[%dma_wait3A_42, %mul3A_2] : memref<50x4096xi32, #tpu.memory_space<hbm>> -> memref<50x128xi32, #tpu.memory_space<hbm>>
      %dma_wait3A_44 = arith.constant 0 : i32
      %dma_wait3A_45 = tpu.memref_slice %arg2[%dma_wait3A_44, %mul3A_2] : memref<50x4096xi32, #tpu.memory_space<hbm>> -> memref<50x128xi32, #tpu.memory_space<hbm>>
      tpu.wait_dma2 semaphore(%run_scoped3A : memref<!tpu.dma_semaphore, #tpu.memory_space<semaphore_mem>>) src(%dma_wait3A_45 : memref<50x128xi32, #tpu.memory_space<hbm>>) dst(%arg5 : memref<50x128xi32, #tpu.memory_space<vmem>>)
      tpu.yield
    }) : () -> ()
    %iota3A = tpu.iota {dimensions = array<i32: 0>} : vector<16xi32>
    %parallel_loop3A = arith.constant 0 : i32
    %parallel_loop3A_3 = arith.constant 50 : i32
    %parallel_loop3A_4 = arith.constant 1 : i32
    scf.for %parallel_loop3A_38 = %parallel_loop3A to %parallel_loop3A_3 step %parallel_loop3A_4  : i32 {
      %parallel_loop3A_39 = arith.index_cast %parallel_loop3A_38 : i32 to index
      %parallel_loop3A_40 = arith.constant 0 : index
      %parallel_loop3A_41 = tpu.vector_load %arg5[%parallel_loop3A_39, %parallel_loop3A_40] {strides = array<i32>} : memref<50x128xi32, #tpu.memory_space<vmem>>, vector<16xi32>,
      %parallel_loop3A_42 = arith.constant 13 : i32
      %parallel_loop3A_43 = vector.broadcast %parallel_loop3A_42 : i32 to vector<16xi32>
      %parallel_loop3A_44 = arith.shrsi %parallel_loop3A_41, %parallel_loop3A_43 : vector<16xi32>
      %parallel_loop3A_45 = arith.constant 13 : i32
      %parallel_loop3A_46 = vector.broadcast %parallel_loop3A_45 : i32 to vector<16xi32>
      %parallel_loop3A_47 = arith.shli %parallel_loop3A_44, %parallel_loop3A_46 : vector<16xi32>
      %parallel_loop3A_48 = arith.constant 2047 : i32
      %parallel_loop3A_49 = vector.broadcast %parallel_loop3A_48 : i32 to vector<16xi32>
      %parallel_loop3A_50 = arith.andi %parallel_loop3A_41, %parallel_loop3A_49 : vector<16xi32>
      %parallel_loop3A_51 = arith.constant 2 : i32
      %parallel_loop3A_52 = vector.broadcast %parallel_loop3A_51 : i32 to vector<16xi32>
      %parallel_loop3A_53 = arith.shli %parallel_loop3A_50, %parallel_loop3A_52 : vector<16xi32>
      %parallel_loop3A_54 = arith.ori %parallel_loop3A_47, %parallel_loop3A_53 : vector<16xi32>
      %parallel_loop3A_55 = arith.constant 11 : i32
      %parallel_loop3A_56 = vector.broadcast %parallel_loop3A_55 : i32 to vector<16xi32>
      %parallel_loop3A_57 = arith.shrsi %parallel_loop3A_41, %parallel_loop3A_56 : vector<16xi32>
      %parallel_loop3A_58 = arith.constant 3 : i32
      %parallel_loop3A_59 = vector.broadcast %parallel_loop3A_58 : i32 to vector<16xi32>
      %parallel_loop3A_60 = arith.andi %parallel_loop3A_57, %parallel_loop3A_59 : vector<16xi32>
      %parallel_loop3A_61 = arith.ori %parallel_loop3A_54, %parallel_loop3A_60 : vector<16xi32>
      %parallel_loop3A_62 = arith.index_cast %parallel_loop3A_38 : i32 to index
      %parallel_loop3A_63 = arith.constant 0 : index
      %parallel_loop3A_64 = tpu.vector_load %arg6[%parallel_loop3A_62, %parallel_loop3A_63] {strides = array<i32>} : memref<50x128xi32, #tpu.memory_space<vmem>>, vector<16xi32>,
      tpu.vector_store %arg6[%parallel_loop3A_62, %parallel_loop3A_63], %parallel_loop3A_61 {strides = array<i32>} : memref<50x128xi32, #tpu.memory_space<vmem>>, vector<16xi32>,
      %parallel_loop3A_65 = arith.index_cast %parallel_loop3A_38 : i32 to index
      %parallel_loop3A_66 = arith.constant 16 : index
      %parallel_loop3A_67 = tpu.vector_load %arg5[%parallel_loop3A_65, %parallel_loop3A_66] {strides = array<i32>} : memref<50x128xi32, #tpu.memory_space<vmem>>, vector<16xi32>,
      %parallel_loop3A_68 = arith.constant 13 : i32
      %parallel_loop3A_69 = vector.broadcast %parallel_loop3A_68 : i32 to vector<16xi32>
      %parallel_loop3A_70 = arith.shrsi %parallel_loop3A_67, %parallel_loop3A_69 : vector<16xi32>
      %parallel_loop3A_71 = arith.constant 13 : i32
      %parallel_loop3A_72 = vector.broadcast %parallel_loop3A_71 : i32 to vector<16xi32>
      %parallel_loop3A_73 = arith.shli %parallel_loop3A_70, %parallel_loop3A_72 : vector<16xi32>
      %parallel_loop3A_74 = arith.constant 2047 : i32
      %parallel_loop3A_75 = vector.broadcast %parallel_loop3A_74 : i32 to vector<16xi32>
      %parallel_loop3A_76 = arith.andi %parallel_loop3A_67, %parallel_loop3A_75 : vector<16xi32>
      %parallel_loop3A_77 = arith.constant 2 : i32
      %parallel_loop3A_78 = vector.broadcast %parallel_loop3A_77 : i32 to vector<16xi32>
      %parallel_loop3A_79 = arith.shli %parallel_loop3A_76, %parallel_loop3A_78 : vector<16xi32>
      %parallel_loop3A_80 = arith.ori %parallel_loop3A_73, %parallel_loop3A_79 : vector<16xi32>
      %parallel_loop3A_81 = arith.constant 11 : i32
      %parallel_loop3A_82 = vector.broadcast %parallel_loop3A_81 : i32 to vector<16xi32>
      %parallel_loop3A_83 = arith.shrsi %parallel_loop3A_67, %parallel_loop3A_82 : vector<16xi32>
      %parallel_loop3A_84 = arith.constant 3 : i32
      %parallel_loop3A_85 = vector.broadcast %parallel_loop3A_84 : i32 to vector<16xi32>
      %parallel_loop3A_86 = arith.andi %parallel_loop3A_83, %parallel_loop3A_85 : vector<16xi32>
      %parallel_loop3A_87 = arith.ori %parallel_loop3A_80, %parallel_loop3A_86 : vector<16xi32>
      %parallel_loop3A_88 = arith.index_cast %parallel_loop3A_38 : i32 to index
      %parallel_loop3A_89 = arith.constant 16 : index
      %parallel_loop3A_90 = tpu.vector_load %arg6[%parallel_loop3A_88, %parallel_loop3A_89] {strides = array<i32>} : memref<50x128xi32, #tpu.memory_space<vmem>>, vector<16xi32>,
      tpu.vector_store %arg6[%parallel_loop3A_88, %parallel_loop3A_89], %parallel_loop3A_87 {strides = array<i32>} : memref<50x128xi32, #tpu.memory_space<vmem>>, vector<16xi32>,
      %parallel_loop3A_91 = arith.index_cast %parallel_loop3A_38 : i32 to index
      %parallel_loop3A_92 = arith.constant 32 : index
      %parallel_loop3A_93 = tpu.vector_load %arg5[%parallel_loop3A_91, %parallel_loop3A_92] {strides = array<i32>} : memref<50x128xi32, #tpu.memory_space<vmem>>, vector<16xi32>,
      %parallel_loop3A_94 = arith.constant 13 : i32
      %parallel_loop3A_95 = vector.broadcast %parallel_loop3A_94 : i32 to vector<16xi32>
      %parallel_loop3A_96 = arith.shrsi %parallel_loop3A_93, %parallel_loop3A_95 : vector<16xi32>
      %parallel_loop3A_97 = arith.constant 13 : i32
      %parallel_loop3A_98 = vector.broadcast %parallel_loop3A_97 : i32 to vector<16xi32>
      %parallel_loop3A_99 = arith.shli %parallel_loop3A_96, %parallel_loop3A_98 : vector<16xi32>
      %parallel_loop3A_100 = arith.constant 2047 : i32
      %parallel_loop3A_101 = vector.broadcast %parallel_loop3A_100 : i32 to vector<16xi32>
      %parallel_loop3A_102 = arith.andi %parallel_loop3A_93, %parallel_loop3A_101 : vector<16xi32>
      %parallel_loop3A_103 = arith.constant 2 : i32
      %parallel_loop3A_104 = vector.broadcast %parallel_loop3A_103 : i32 to vector<16xi32>
      %parallel_loop3A_105 = arith.shli %parallel_loop3A_102, %parallel_loop3A_104 : vector<16xi32>
      %parallel_loop3A_106 = arith.ori %parallel_loop3A_99, %parallel_loop3A_105 : vector<16xi32>
      %parallel_loop3A_107 = arith.constant 11 : i32
      %parallel_loop3A_108 = vector.broadcast %parallel_loop3A_107 : i32 to vector<16xi32>
      %parallel_loop3A_109 = arith.shrsi %parallel_loop3A_93, %parallel_loop3A_108 : vector<16xi32>
      %parallel_loop3A_110 = arith.constant 3 : i32
      %parallel_loop3A_111 = vector.broadcast %parallel_loop3A_110 : i32 to vector<16xi32>
      %parallel_loop3A_112 = arith.andi %parallel_loop3A_109, %parallel_loop3A_111 : vector<16xi32>
      %parallel_loop3A_113 = arith.ori %parallel_loop3A_106, %parallel_loop3A_112 : vector<16xi32>
      %parallel_loop3A_114 = arith.index_cast %parallel_loop3A_38 : i32 to index
      %parallel_loop3A_115 = arith.constant 32 : index
      %parallel_loop3A_116 = tpu.vector_load %arg6[%parallel_loop3A_114, %parallel_loop3A_115] {strides = array<i32>} : memref<50x128xi32, #tpu.memory_space<vmem>>, vector<16xi32>,
      tpu.vector_store %arg6[%parallel_loop3A_114, %parallel_loop3A_115], %parallel_loop3A_113 {strides = array<i32>} : memref<50x128xi32, #tpu.memory_space<vmem>>, vector<16xi32>,
      %parallel_loop3A_117 = arith.index_cast %parallel_loop3A_38 : i32 to index
      %parallel_loop3A_118 = arith.constant 48 : index
      %parallel_loop3A_119 = tpu.vector_load %arg5[%parallel_loop3A_117, %parallel_loop3A_118] {strides = array<i32>} : memref<50x128xi32, #tpu.memory_space<vmem>>, vector<16xi32>,
      %parallel_loop3A_120 = arith.constant 13 : i32
      %parallel_loop3A_121 = vector.broadcast %parallel_loop3A_120 : i32 to vector<16xi32>
      %parallel_loop3A_122 = arith.shrsi %parallel_loop3A_119, %parallel_loop3A_121 : vector<16xi32>
      %parallel_loop3A_123 = arith.constant 13 : i32
      %parallel_loop3A_124 = vector.broadcast %parallel_loop3A_123 : i32 to vector<16xi32>
      %parallel_loop3A_125 = arith.shli %parallel_loop3A_122, %parallel_loop3A_124 : vector<16xi32>
      %parallel_loop3A_126 = arith.constant 2047 : i32
      %parallel_loop3A_127 = vector.broadcast %parallel_loop3A_126 : i32 to vector<16xi32>
      %parallel_loop3A_128 = arith.andi %parallel_loop3A_119, %parallel_loop3A_127 : vector<16xi32>
      %parallel_loop3A_129 = arith.constant 2 : i32
      %parallel_loop3A_130 = vector.broadcast %parallel_loop3A_129 : i32 to vector<16xi32>
      %parallel_loop3A_131 = arith.shli %parallel_loop3A_128, %parallel_loop3A_130 : vector<16xi32>
      %parallel_loop3A_132 = arith.ori %parallel_loop3A_125, %parallel_loop3A_131 : vector<16xi32>
      %parallel_loop3A_133 = arith.constant 11 : i32
      %parallel_loop3A_134 = vector.broadcast %parallel_loop3A_133 : i32 to vector<16xi32>
      %parallel_loop3A_135 = arith.shrsi %parallel_loop3A_119, %parallel_loop3A_134 : vector<16xi32>
      %parallel_loop3A_136 = arith.constant 3 : i32
      %parallel_loop3A_137 = vector.broadcast %parallel_loop3A_136 : i32 to vector<16xi32>
      %parallel_loop3A_138 = arith.andi %parallel_loop3A_135, %parallel_loop3A_137 : vector<16xi32>
      %parallel_loop3A_139 = arith.ori %parallel_loop3A_132, %parallel_loop3A_138 : vector<16xi32>
      %parallel_loop3A_140 = arith.index_cast %parallel_loop3A_38 : i32 to index
      %parallel_loop3A_141 = arith.constant 48 : index
      %parallel_loop3A_142 = tpu.vector_load %arg6[%parallel_loop3A_140, %parallel_loop3A_141] {strides = array<i32>} : memref<50x128xi32, #tpu.memory_space<vmem>>, vector<16xi32>,
      tpu.vector_store %arg6[%parallel_loop3A_140, %parallel_loop3A_141], %parallel_loop3A_139 {strides = array<i32>} : memref<50x128xi32, #tpu.memory_space<vmem>>, vector<16xi32>,
      %parallel_loop3A_143 = arith.index_cast %parallel_loop3A_38 : i32 to index
      %parallel_loop3A_144 = arith.constant 64 : index
      %parallel_loop3A_145 = tpu.vector_load %arg5[%parallel_loop3A_143, %parallel_loop3A_144] {strides = array<i32>} : memref<50x128xi32, #tpu.memory_space<vmem>>, vector<16xi32>,
      %parallel_loop3A_146 = arith.constant 13 : i32
      %parallel_loop3A_147 = vector.broadcast %parallel_loop3A_146 : i32 to vector<16xi32>
      %parallel_loop3A_148 = arith.shrsi %parallel_loop3A_145, %parallel_loop3A_147 : vector<16xi32>
      %parallel_loop3A_149 = arith.constant 13 : i32
      %parallel_loop3A_150 = vector.broadcast %parallel_loop3A_149 : i32 to vector<16xi32>
      %parallel_loop3A_151 = arith.shli %parallel_loop3A_148, %parallel_loop3A_150 : vector<16xi32>
      %parallel_loop3A_152 = arith.constant 2047 : i32
      %parallel_loop3A_153 = vector.broadcast %parallel_loop3A_152 : i32 to vector<16xi32>
      %parallel_loop3A_154 = arith.andi %parallel_loop3A_145, %parallel_loop3A_153 : vector<16xi32>
      %parallel_loop3A_155 = arith.constant 2 : i32
      %parallel_loop3A_156 = vector.broadcast %parallel_loop3A_155 : i32 to vector<16xi32>
      %parallel_loop3A_157 = arith.shli %parallel_loop3A_154, %parallel_loop3A_156 : vector<16xi32>
      %parallel_loop3A_158 = arith.ori %parallel_loop3A_151, %parallel_loop3A_157 : vector<16xi32>
      %parallel_loop3A_159 = arith.constant 11 : i32
      %parallel_loop3A_160 = vector.broadcast %parallel_loop3A_159 : i32 to vector<16xi32>
      %parallel_loop3A_161 = arith.shrsi %parallel_loop3A_145, %parallel_loop3A_160 : vector<16xi32>
      %parallel_loop3A_162 = arith.constant 3 : i32
      %parallel_loop3A_163 = vector.broadcast %parallel_loop3A_162 : i32 to vector<16xi32>
      %parallel_loop3A_164 = arith.andi %parallel_loop3A_161, %parallel_loop3A_163 : vector<16xi32>
      %parallel_loop3A_165 = arith.ori %parallel_loop3A_158, %parallel_loop3A_164 : vector<16xi32>
      %parallel_loop3A_166 = arith.index_cast %parallel_loop3A_38 : i32 to index
      %parallel_loop3A_167 = arith.constant 64 : index
      %parallel_loop3A_168 = tpu.vector_load %arg6[%parallel_loop3A_166, %parallel_loop3A_167] {strides = array<i32>} : memref<50x128xi32, #tpu.memory_space<vmem>>, vector<16xi32>,
      tpu.vector_store %arg6[%parallel_loop3A_166, %parallel_loop3A_167], %parallel_loop3A_165 {strides = array<i32>} : memref<50x128xi32, #tpu.memory_space<vmem>>, vector<16xi32>,
      %parallel_loop3A_169 = arith.index_cast %parallel_loop3A_38 : i32 to index
      %parallel_loop3A_170 = arith.constant 80 : index
      %parallel_loop3A_171 = tpu.vector_load %arg5[%parallel_loop3A_169, %parallel_loop3A_170] {strides = array<i32>} : memref<50x128xi32, #tpu.memory_space<vmem>>, vector<16xi32>,
      %parallel_loop3A_172 = arith.constant 13 : i32
      %parallel_loop3A_173 = vector.broadcast %parallel_loop3A_172 : i32 to vector<16xi32>
      %parallel_loop3A_174 = arith.shrsi %parallel_loop3A_171, %parallel_loop3A_173 : vector<16xi32>
      %parallel_loop3A_175 = arith.constant 13 : i32
      %parallel_loop3A_176 = vector.broadcast %parallel_loop3A_175 : i32 to vector<16xi32>
      %parallel_loop3A_177 = arith.shli %parallel_loop3A_174, %parallel_loop3A_176 : vector<16xi32>
      %parallel_loop3A_178 = arith.constant 2047 : i32
      %parallel_loop3A_179 = vector.broadcast %parallel_loop3A_178 : i32 to vector<16xi32>
      %parallel_loop3A_180 = arith.andi %parallel_loop3A_171, %parallel_loop3A_179 : vector<16xi32>
      %parallel_loop3A_181 = arith.constant 2 : i32
      %parallel_loop3A_182 = vector.broadcast %parallel_loop3A_181 : i32 to vector<16xi32>
      %parallel_loop3A_183 = arith.shli %parallel_loop3A_180, %parallel_loop3A_182 : vector<16xi32>
      %parallel_loop3A_184 = arith.ori %parallel_loop3A_177, %parallel_loop3A_183 : vector<16xi32>
      %parallel_loop3A_185 = arith.constant 11 : i32
      %parallel_loop3A_186 = vector.broadcast %parallel_loop3A_185 : i32 to vector<16xi32>
      %parallel_loop3A_187 = arith.shrsi %parallel_loop3A_171, %parallel_loop3A_186 : vector<16xi32>
      %parallel_loop3A_188 = arith.constant 3 : i32
      %parallel_loop3A_189 = vector.broadcast %parallel_loop3A_188 : i32 to vector<16xi32>
      %parallel_loop3A_190 = arith.andi %parallel_loop3A_187, %parallel_loop3A_189 : vector<16xi32>
      %parallel_loop3A_191 = arith.ori %parallel_loop3A_184, %parallel_loop3A_190 : vector<16xi32>
      %parallel_loop3A_192 = arith.index_cast %parallel_loop3A_38 : i32 to index
      %parallel_loop3A_193 = arith.constant 80 : index
      %parallel_loop3A_194 = tpu.vector_load %arg6[%parallel_loop3A_192, %parallel_loop3A_193] {strides = array<i32>} : memref<50x128xi32, #tpu.memory_space<vmem>>, vector<16xi32>,
      tpu.vector_store %arg6[%parallel_loop3A_192, %parallel_loop3A_193], %parallel_loop3A_191 {strides = array<i32>} : memref<50x128xi32, #tpu.memory_space<vmem>>, vector<16xi32>,
      %parallel_loop3A_195 = arith.index_cast %parallel_loop3A_38 : i32 to index
      %parallel_loop3A_196 = arith.constant 96 : index
      %parallel_loop3A_197 = tpu.vector_load %arg5[%parallel_loop3A_195, %parallel_loop3A_196] {strides = array<i32>} : memref<50x128xi32, #tpu.memory_space<vmem>>, vector<16xi32>,
      %parallel_loop3A_198 = arith.constant 13 : i32
      %parallel_loop3A_199 = vector.broadcast %parallel_loop3A_198 : i32 to vector<16xi32>
      %parallel_loop3A_200 = arith.shrsi %parallel_loop3A_197, %parallel_loop3A_199 : vector<16xi32>
      %parallel_loop3A_201 = arith.constant 13 : i32
      %parallel_loop3A_202 = vector.broadcast %parallel_loop3A_201 : i32 to vector<16xi32>
      %parallel_loop3A_203 = arith.shli %parallel_loop3A_200, %parallel_loop3A_202 : vector<16xi32>
      %parallel_loop3A_204 = arith.constant 2047 : i32
      %parallel_loop3A_205 = vector.broadcast %parallel_loop3A_204 : i32 to vector<16xi32>
      %parallel_loop3A_206 = arith.andi %parallel_loop3A_197, %parallel_loop3A_205 : vector<16xi32>
      %parallel_loop3A_207 = arith.constant 2 : i32
      %parallel_loop3A_208 = vector.broadcast %parallel_loop3A_207 : i32 to vector<16xi32>
      %parallel_loop3A_209 = arith.shli %parallel_loop3A_206, %parallel_loop3A_208 : vector<16xi32>
      %parallel_loop3A_210 = arith.ori %parallel_loop3A_203, %parallel_loop3A_209 : vector<16xi32>
      %parallel_loop3A_211 = arith.constant 11 : i32
      %parallel_loop3A_212 = vector.broadcast %parallel_loop3A_211 : i32 to vector<16xi32>
      %parallel_loop3A_213 = arith.shrsi %parallel_loop3A_197, %parallel_loop3A_212 : vector<16xi32>
      %parallel_loop3A_214 = arith.constant 3 : i32
      %parallel_loop3A_215 = vector.broadcast %parallel_loop3A_214 : i32 to vector<16xi32>
      %parallel_loop3A_216 = arith.andi %parallel_loop3A_213, %parallel_loop3A_215 : vector<16xi32>
      %parallel_loop3A_217 = arith.ori %parallel_loop3A_210, %parallel_loop3A_216 : vector<16xi32>
      %parallel_loop3A_218 = arith.index_cast %parallel_loop3A_38 : i32 to index
      %parallel_loop3A_219 = arith.constant 96 : index
      %parallel_loop3A_220 = tpu.vector_load %arg6[%parallel_loop3A_218, %parallel_loop3A_219] {strides = array<i32>} : memref<50x128xi32, #tpu.memory_space<vmem>>, vector<16xi32>,
      tpu.vector_store %arg6[%parallel_loop3A_218, %parallel_loop3A_219], %parallel_loop3A_217 {strides = array<i32>} : memref<50x128xi32, #tpu.memory_space<vmem>>, vector<16xi32>,
      %parallel_loop3A_221 = arith.index_cast %parallel_loop3A_38 : i32 to index
      %parallel_loop3A_222 = arith.constant 112 : index
      %parallel_loop3A_223 = tpu.vector_load %arg5[%parallel_loop3A_221, %parallel_loop3A_222] {strides = array<i32>} : memref<50x128xi32, #tpu.memory_space<vmem>>, vector<16xi32>,
      %parallel_loop3A_224 = arith.constant 13 : i32
      %parallel_loop3A_225 = vector.broadcast %parallel_loop3A_224 : i32 to vector<16xi32>
      %parallel_loop3A_226 = arith.shrsi %parallel_loop3A_223, %parallel_loop3A_225 : vector<16xi32>
      %parallel_loop3A_227 = arith.constant 13 : i32
      %parallel_loop3A_228 = vector.broadcast %parallel_loop3A_227 : i32 to vector<16xi32>
      %parallel_loop3A_229 = arith.shli %parallel_loop3A_226, %parallel_loop3A_228 : vector<16xi32>
      %parallel_loop3A_230 = arith.constant 2047 : i32
      %parallel_loop3A_231 = vector.broadcast %parallel_loop3A_230 : i32 to vector<16xi32>
      %parallel_loop3A_232 = arith.andi %parallel_loop3A_223, %parallel_loop3A_231 : vector<16xi32>
      %parallel_loop3A_233 = arith.constant 2 : i32
      %parallel_loop3A_234 = vector.broadcast %parallel_loop3A_233 : i32 to vector<16xi32>
      %parallel_loop3A_235 = arith.shli %parallel_loop3A_232, %parallel_loop3A_234 : vector<16xi32>
      %parallel_loop3A_236 = arith.ori %parallel_loop3A_229, %parallel_loop3A_235 : vector<16xi32>
      %parallel_loop3A_237 = arith.constant 11 : i32
      %parallel_loop3A_238 = vector.broadcast %parallel_loop3A_237 : i32 to vector<16xi32>
      %parallel_loop3A_239 = arith.shrsi %parallel_loop3A_223, %parallel_loop3A_238 : vector<16xi32>
      %parallel_loop3A_240 = arith.constant 3 : i32
      %parallel_loop3A_241 = vector.broadcast %parallel_loop3A_240 : i32 to vector<16xi32>
      %parallel_loop3A_242 = arith.andi %parallel_loop3A_239, %parallel_loop3A_241 : vector<16xi32>
      %parallel_loop3A_243 = arith.ori %parallel_loop3A_236, %parallel_loop3A_242 : vector<16xi32>
      %parallel_loop3A_244 = arith.index_cast %parallel_loop3A_38 : i32 to index
      %parallel_loop3A_245 = arith.constant 112 : index
      %parallel_loop3A_246 = tpu.vector_load %arg6[%parallel_loop3A_244, %parallel_loop3A_245] {strides = array<i32>} : memref<50x128xi32, #tpu.memory_space<vmem>>, vector<16xi32>,
      tpu.vector_store %arg6[%parallel_loop3A_244, %parallel_loop3A_245], %parallel_loop3A_243 {strides = array<i32>} : memref<50x128xi32, #tpu.memory_space<vmem>>, vector<16xi32>,
    } {sc.loop_unroll_factor = 1 : i64, sc.parallel_access}
    %dma_start3A = arith.constant 0 : i32
    %dma_start3A_5 = arith.constant 0 : i32
    %dma_start3A_6 = tpu.memref_slice %arg6[%dma_start3A, %dma_start3A_5] : memref<50x128xi32, #tpu.memory_space<vmem>> -> memref<1x128xi32, #tpu.memory_space<vmem>>
    %dma_start3A_7 = tpu.memref_squeeze %dma_start3A_6 : memref<1x128xi32, #tpu.memory_space<vmem>> -> memref<128xi32, #tpu.memory_space<vmem>>
    %dma_start3A_8 = arith.constant 0 : i32
    %dma_start3A_9 = arith.constant 0 : i32
    %dma_start3A_10 = tpu.memref_slice %arg3[%dma_start3A_8, %dma_start3A_9] : memref<1048576x32xf32, #tpu.memory_space<hbm>> -> memref<1048576x32xf32, #tpu.memory_space<hbm>>
    tpu.enqueue_indirect_dma source(%dma_start3A_10 : memref<1048576x32xf32, #tpu.memory_space<hbm>>) target(%arg7 : memref<128x32xf32, #tpu.memory_space<vmem>>) offsets(%dma_start3A_7 : memref<128xi32, #tpu.memory_space<vmem>>) semaphore(%arg11 : memref<!tpu.dma_semaphore, #tpu.memory_space<semaphore_mem>>)
    %scan3A = arith.constant 0 : i32
    %scan3A_11 = arith.constant 0 : i32
    %scan3A_12 = arith.constant 25 : i32
    %scan3A_13 = arith.addi %scan3A_11, %scan3A_12 : i32
    %scan3A_14 = arith.constant 1 : i32
    %scan3A_15 = scf.for %scan3A_38 = %scan3A_11 to %scan3A_13 step %scan3A_14 iter_args(%scan3A_39 = %scan3A) -> (i32)  : i32 {
      %mul3A_40 = arith.constant 2 : i32
      %mul3A_41 = arith.muli %mul3A_40, %scan3A_38 : i32
      %add3A_42 = arith.constant 1 : i32
      %add3A_43 = arith.addi %mul3A_41, %add3A_42 : i32
      %dma_start3A_44 = arith.constant 0 : i32
      %dma_start3A_45 = tpu.memref_slice %arg6[%add3A_43, %dma_start3A_44] : memref<50x128xi32, #tpu.memory_space<vmem>> -> memref<1x128xi32, #tpu.memory_space<vmem>>
      %dma_start3A_46 = tpu.memref_squeeze %dma_start3A_45 : memref<1x128xi32, #tpu.memory_space<vmem>> -> memref<128xi32, #tpu.memory_space<vmem>>
      %dma_start3A_47 = arith.constant 0 : i32
      %dma_start3A_48 = arith.constant 0 : i32
      %dma_start3A_49 = tpu.memref_slice %arg3[%dma_start3A_47, %dma_start3A_48] : memref<1048576x32xf32, #tpu.memory_space<hbm>> -> memref<1048576x32xf32, #tpu.memory_space<hbm>>
      tpu.enqueue_indirect_dma source(%dma_start3A_49 : memref<1048576x32xf32, #tpu.memory_space<hbm>>) target(%arg8 : memref<128x32xf32, #tpu.memory_space<vmem>>) offsets(%dma_start3A_46 : memref<128xi32, #tpu.memory_space<vmem>>) semaphore(%arg12 : memref<!tpu.dma_semaphore, #tpu.memory_space<semaphore_mem>>)
      %dma_wait3A_50 = arith.constant 0 : i32
      %dma_wait3A_51 = tpu.memref_slice %arg6[%mul3A_41, %dma_wait3A_50] : memref<50x128xi32, #tpu.memory_space<vmem>> -> memref<1x128xi32, #tpu.memory_space<vmem>>
      %dma_wait3A_52 = tpu.memref_squeeze %dma_wait3A_51 : memref<1x128xi32, #tpu.memory_space<vmem>> -> memref<128xi32, #tpu.memory_space<vmem>>
      %dma_wait3A_53 = arith.constant 0 : i32
      %dma_wait3A_54 = arith.constant 0 : i32
      %dma_wait3A_55 = tpu.memref_slice %arg3[%dma_wait3A_53, %dma_wait3A_54] : memref<1048576x32xf32, #tpu.memory_space<hbm>> -> memref<1048576x32xf32, #tpu.memory_space<hbm>>
      tpu.wait_indirect_dma semaphore(%arg11 : memref<!tpu.dma_semaphore, #tpu.memory_space<semaphore_mem>>) src(%dma_wait3A_55 : memref<1048576x32xf32, #tpu.memory_space<hbm>>) dst(%arg7 : memref<128x32xf32, #tpu.memory_space<vmem>>)
      %ge3A = arith.constant 2 : i32
      %ge3A_56 = arith.cmpi sge, %mul3A_41, %ge3A : i32
      %convert_element_type3A = arith.extui %ge3A_56 : i1 to i32
      %cond3A = arith.constant 0 : i32
      %cond3A_57 = arith.cmpi ne, %convert_element_type3A, %cond3A : i32
      scf.if %cond3A_57 {
        %sub3A = arith.constant 2 : i32
        %sub3A_108 = arith.subi %mul3A_41, %sub3A : i32
        %dma_wait3A_109 = arith.constant 0 : i32
        %dma_wait3A_110 = arith.constant 0 : i32
        %dma_wait3A_111 = arith.constant 0 : i32
        %dma_wait3A_112 = tpu.memref_slice %arg4[%sub3A_108, %dma_wait3A_109, %add3A, %dma_wait3A_110, %dma_wait3A_111] : memref<50x4x32x8x128xf32, #tpu.memory_space<hbm>> -> memref<1x4x1x8x128xf32, #tpu.memory_space<hbm>>
        %dma_wait3A_113 = tpu.memref_squeeze %dma_wait3A_112 : memref<1x4x1x8x128xf32, #tpu.memory_space<hbm>> -> memref<4x8x128xf32, #tpu.memory_space<hbm>>
        %dma_wait3A_114 = arith.constant 0 : i32
        %dma_wait3A_115 = arith.constant 0 : i32
        %dma_wait3A_116 = arith.constant 0 : i32
        %dma_wait3A_117 = tpu.memref_slice %arg4[%sub3A_108, %dma_wait3A_114, %add3A, %dma_wait3A_115, %dma_wait3A_116] : memref<50x4x32x8x128xf32, #tpu.memory_space<hbm>> -> memref<1x4x1x8x128xf32, #tpu.memory_space<hbm>>
        %dma_wait3A_118 = tpu.memref_squeeze %dma_wait3A_117 : memref<1x4x1x8x128xf32, #tpu.memory_space<hbm>> -> memref<4x8x128xf32, #tpu.memory_space<hbm>>
        tpu.wait_dma2 semaphore(%arg13 : memref<!tpu.dma_semaphore, #tpu.memory_space<semaphore_mem>>) src(%arg9 : memref<4x8x128xf32, #tpu.memory_space<vmem>>) dst(%dma_wait3A_118 : memref<4x8x128xf32, #tpu.memory_space<hbm>>)
      } else {
      }
      %parallel_loop3A_58 = arith.constant 0 : i32
      %parallel_loop3A_59 = arith.constant 8 : i32
      %parallel_loop3A_60 = arith.constant 1 : i32
      scf.for %parallel_loop3A_108 = %parallel_loop3A_58 to %parallel_loop3A_59 step %parallel_loop3A_60  : i32 {
        %parallel_loop3A_109 = arith.constant 16 : i32
        %parallel_loop3A_110 = arith.muli %parallel_loop3A_108, %parallel_loop3A_109 : i32
        %parallel_loop3A_111 = vector.broadcast %parallel_loop3A_110 : i32 to vector<16xi32>
        %parallel_loop3A_112 = arith.addi %parallel_loop3A_111, %iota3A : vector<16xi32>
        %parallel_loop3A_113 = arith.constant 0 : i32
        %parallel_loop3A_114 = vector.broadcast %parallel_loop3A_113 : i32 to vector<16xi32>
        %parallel_loop3A_115 = tpu.vector_load_idx %arg7[%parallel_loop3A_112, %parallel_loop3A_114] : memref<128x32xf32, #tpu.memory_space<vmem>>[vector<16xi32>, vector<16xi32>], vector<16xf32>,
        %parallel_loop3A_116 = arith.constant 16 : i32
        %parallel_loop3A_117 = arith.muli %parallel_loop3A_108, %parallel_loop3A_116 : i32
        %parallel_loop3A_118 = arith.constant 0 : i32
        %parallel_loop3A_119 = arith.constant 0 : i32
        %parallel_loop3A_120 = arith.index_cast %parallel_loop3A_118 : i32 to index
        %parallel_loop3A_121 = arith.index_cast %parallel_loop3A_119 : i32 to index
        %parallel_loop3A_122 = arith.index_cast %parallel_loop3A_117 : i32 to index
        %parallel_loop3A_123 = tpu.vector_load %arg9[%parallel_loop3A_120, %parallel_loop3A_121, %parallel_loop3A_122] {strides = array<i32>} : memref<4x8x128xf32, #tpu.memory_space<vmem>>, vector<16xf32>,
        tpu.vector_store %arg9[%parallel_loop3A_120, %parallel_loop3A_121, %parallel_loop3A_122], %parallel_loop3A_115 {strides = array<i32>} : memref<4x8x128xf32, #tpu.memory_space<vmem>>, vector<16xf32>,
        %parallel_loop3A_124 = arith.constant 1 : i32
        %parallel_loop3A_125 = vector.broadcast %parallel_loop3A_124 : i32 to vector<16xi32>
        %parallel_loop3A_126 = tpu.vector_load_idx %arg7[%parallel_loop3A_112, %parallel_loop3A_125] : memref<128x32xf32, #tpu.memory_space<vmem>>[vector<16xi32>, vector<16xi32>], vector<16xf32>,
        %parallel_loop3A_127 = arith.constant 16 : i32
        %parallel_loop3A_128 = arith.muli %parallel_loop3A_108, %parallel_loop3A_127 : i32
        %parallel_loop3A_129 = arith.constant 0 : i32
        %parallel_loop3A_130 = arith.constant 1 : i32
        %parallel_loop3A_131 = arith.index_cast %parallel_loop3A_129 : i32 to index
        %parallel_loop3A_132 = arith.index_cast %parallel_loop3A_130 : i32 to index
        %parallel_loop3A_133 = arith.index_cast %parallel_loop3A_128 : i32 to index
        %parallel_loop3A_134 = tpu.vector_load %arg9[%parallel_loop3A_131, %parallel_loop3A_132, %parallel_loop3A_133] {strides = array<i32>} : memref<4x8x128xf32, #tpu.memory_space<vmem>>, vector<16xf32>,
        tpu.vector_store %arg9[%parallel_loop3A_131, %parallel_loop3A_132, %parallel_loop3A_133], %parallel_loop3A_126 {strides = array<i32>} : memref<4x8x128xf32, #tpu.memory_space<vmem>>, vector<16xf32>,
        %parallel_loop3A_135 = arith.constant 2 : i32
        %parallel_loop3A_136 = vector.broadcast %parallel_loop3A_135 : i32 to vector<16xi32>
        %parallel_loop3A_137 = tpu.vector_load_idx %arg7[%parallel_loop3A_112, %parallel_loop3A_136] : memref<128x32xf32, #tpu.memory_space<vmem>>[vector<16xi32>, vector<16xi32>], vector<16xf32>,
        %parallel_loop3A_138 = arith.constant 16 : i32
        %parallel_loop3A_139 = arith.muli %parallel_loop3A_108, %parallel_loop3A_138 : i32
        %parallel_loop3A_140 = arith.constant 0 : i32
        %parallel_loop3A_141 = arith.constant 2 : i32
        %parallel_loop3A_142 = arith.index_cast %parallel_loop3A_140 : i32 to index
        %parallel_loop3A_143 = arith.index_cast %parallel_loop3A_141 : i32 to index
        %parallel_loop3A_144 = arith.index_cast %parallel_loop3A_139 : i32 to index
        %parallel_loop3A_145 = tpu.vector_load %arg9[%parallel_loop3A_142, %parallel_loop3A_143, %parallel_loop3A_144] {strides = array<i32>} : memref<4x8x128xf32, #tpu.memory_space<vmem>>, vector<16xf32>,
        tpu.vector_store %arg9[%parallel_loop3A_142, %parallel_loop3A_143, %parallel_loop3A_144], %parallel_loop3A_137 {strides = array<i32>} : memref<4x8x128xf32, #tpu.memory_space<vmem>>, vector<16xf32>,
        %parallel_loop3A_146 = arith.constant 3 : i32
        %parallel_loop3A_147 = vector.broadcast %parallel_loop3A_146 : i32 to vector<16xi32>
        %parallel_loop3A_148 = tpu.vector_load_idx %arg7[%parallel_loop3A_112, %parallel_loop3A_147] : memref<128x32xf32, #tpu.memory_space<vmem>>[vector<16xi32>, vector<16xi32>], vector<16xf32>,
        %parallel_loop3A_149 = arith.constant 16 : i32
        %parallel_loop3A_150 = arith.muli %parallel_loop3A_108, %parallel_loop3A_149 : i32
        %parallel_loop3A_151 = arith.constant 0 : i32
        %parallel_loop3A_152 = arith.constant 3 : i32
        %parallel_loop3A_153 = arith.index_cast %parallel_loop3A_151 : i32 to index
        %parallel_loop3A_154 = arith.index_cast %parallel_loop3A_152 : i32 to index
        %parallel_loop3A_155 = arith.index_cast %parallel_loop3A_150 : i32 to index
        %parallel_loop3A_156 = tpu.vector_load %arg9[%parallel_loop3A_153, %parallel_loop3A_154, %parallel_loop3A_155] {strides = array<i32>} : memref<4x8x128xf32, #tpu.memory_space<vmem>>, vector<16xf32>,
        tpu.vector_store %arg9[%parallel_loop3A_153, %parallel_loop3A_154, %parallel_loop3A_155], %parallel_loop3A_148 {strides = array<i32>} : memref<4x8x128xf32, #tpu.memory_space<vmem>>, vector<16xf32>,
        %parallel_loop3A_157 = arith.constant 4 : i32
        %parallel_loop3A_158 = vector.broadcast %parallel_loop3A_157 : i32 to vector<16xi32>
        %parallel_loop3A_159 = tpu.vector_load_idx %arg7[%parallel_loop3A_112, %parallel_loop3A_158] : memref<128x32xf32, #tpu.memory_space<vmem>>[vector<16xi32>, vector<16xi32>], vector<16xf32>,
        %parallel_loop3A_160 = arith.constant 16 : i32
        %parallel_loop3A_161 = arith.muli %parallel_loop3A_108, %parallel_loop3A_160 : i32
        %parallel_loop3A_162 = arith.constant 0 : i32
        %parallel_loop3A_163 = arith.constant 4 : i32
        %parallel_loop3A_164 = arith.index_cast %parallel_loop3A_162 : i32 to index
        %parallel_loop3A_165 = arith.index_cast %parallel_loop3A_163 : i32 to index
        %parallel_loop3A_166 = arith.index_cast %parallel_loop3A_161 : i32 to index
        %parallel_loop3A_167 = tpu.vector_load %arg9[%parallel_loop3A_164, %parallel_loop3A_165, %parallel_loop3A_166] {strides = array<i32>} : memref<4x8x128xf32, #tpu.memory_space<vmem>>, vector<16xf32>,
        tpu.vector_store %arg9[%parallel_loop3A_164, %parallel_loop3A_165, %parallel_loop3A_166], %parallel_loop3A_159 {strides = array<i32>} : memref<4x8x128xf32, #tpu.memory_space<vmem>>, vector<16xf32>,
        %parallel_loop3A_168 = arith.constant 5 : i32
        %parallel_loop3A_169 = vector.broadcast %parallel_loop3A_168 : i32 to vector<16xi32>
        %parallel_loop3A_170 = tpu.vector_load_idx %arg7[%parallel_loop3A_112, %parallel_loop3A_169] : memref<128x32xf32, #tpu.memory_space<vmem>>[vector<16xi32>, vector<16xi32>], vector<16xf32>,
        %parallel_loop3A_171 = arith.constant 16 : i32
        %parallel_loop3A_172 = arith.muli %parallel_loop3A_108, %parallel_loop3A_171 : i32
        %parallel_loop3A_173 = arith.constant 0 : i32
        %parallel_loop3A_174 = arith.constant 5 : i32
        %parallel_loop3A_175 = arith.index_cast %parallel_loop3A_173 : i32 to index
        %parallel_loop3A_176 = arith.index_cast %parallel_loop3A_174 : i32 to index
        %parallel_loop3A_177 = arith.index_cast %parallel_loop3A_172 : i32 to index
        %parallel_loop3A_178 = tpu.vector_load %arg9[%parallel_loop3A_175, %parallel_loop3A_176, %parallel_loop3A_177] {strides = array<i32>} : memref<4x8x128xf32, #tpu.memory_space<vmem>>, vector<16xf32>,
        tpu.vector_store %arg9[%parallel_loop3A_175, %parallel_loop3A_176, %parallel_loop3A_177], %parallel_loop3A_170 {strides = array<i32>} : memref<4x8x128xf32, #tpu.memory_space<vmem>>, vector<16xf32>,
        %parallel_loop3A_179 = arith.constant 6 : i32
        %parallel_loop3A_180 = vector.broadcast %parallel_loop3A_179 : i32 to vector<16xi32>
        %parallel_loop3A_181 = tpu.vector_load_idx %arg7[%parallel_loop3A_112, %parallel_loop3A_180] : memref<128x32xf32, #tpu.memory_space<vmem>>[vector<16xi32>, vector<16xi32>], vector<16xf32>,
        %parallel_loop3A_182 = arith.constant 16 : i32
        %parallel_loop3A_183 = arith.muli %parallel_loop3A_108, %parallel_loop3A_182 : i32
        %parallel_loop3A_184 = arith.constant 0 : i32
        %parallel_loop3A_185 = arith.constant 6 : i32
        %parallel_loop3A_186 = arith.index_cast %parallel_loop3A_184 : i32 to index
        %parallel_loop3A_187 = arith.index_cast %parallel_loop3A_185 : i32 to index
        %parallel_loop3A_188 = arith.index_cast %parallel_loop3A_183 : i32 to index
        %parallel_loop3A_189 = tpu.vector_load %arg9[%parallel_loop3A_186, %parallel_loop3A_187, %parallel_loop3A_188] {strides = array<i32>} : memref<4x8x128xf32, #tpu.memory_space<vmem>>, vector<16xf32>,
        tpu.vector_store %arg9[%parallel_loop3A_186, %parallel_loop3A_187, %parallel_loop3A_188], %parallel_loop3A_181 {strides = array<i32>} : memref<4x8x128xf32, #tpu.memory_space<vmem>>, vector<16xf32>,
        %parallel_loop3A_190 = arith.constant 7 : i32
        %parallel_loop3A_191 = vector.broadcast %parallel_loop3A_190 : i32 to vector<16xi32>
        %parallel_loop3A_192 = tpu.vector_load_idx %arg7[%parallel_loop3A_112, %parallel_loop3A_191] : memref<128x32xf32, #tpu.memory_space<vmem>>[vector<16xi32>, vector<16xi32>], vector<16xf32>,
        %parallel_loop3A_193 = arith.constant 16 : i32
        %parallel_loop3A_194 = arith.muli %parallel_loop3A_108, %parallel_loop3A_193 : i32
        %parallel_loop3A_195 = arith.constant 0 : i32
        %parallel_loop3A_196 = arith.constant 7 : i32
        %parallel_loop3A_197 = arith.index_cast %parallel_loop3A_195 : i32 to index
        %parallel_loop3A_198 = arith.index_cast %parallel_loop3A_196 : i32 to index
        %parallel_loop3A_199 = arith.index_cast %parallel_loop3A_194 : i32 to index
        %parallel_loop3A_200 = tpu.vector_load %arg9[%parallel_loop3A_197, %parallel_loop3A_198, %parallel_loop3A_199] {strides = array<i32>} : memref<4x8x128xf32, #tpu.memory_space<vmem>>, vector<16xf32>,
        tpu.vector_store %arg9[%parallel_loop3A_197, %parallel_loop3A_198, %parallel_loop3A_199], %parallel_loop3A_192 {strides = array<i32>} : memref<4x8x128xf32, #tpu.memory_space<vmem>>, vector<16xf32>,
        %parallel_loop3A_201 = arith.constant 8 : i32
        %parallel_loop3A_202 = vector.broadcast %parallel_loop3A_201 : i32 to vector<16xi32>
        %parallel_loop3A_203 = tpu.vector_load_idx %arg7[%parallel_loop3A_112, %parallel_loop3A_202] : memref<128x32xf32, #tpu.memory_space<vmem>>[vector<16xi32>, vector<16xi32>], vector<16xf32>,
        %parallel_loop3A_204 = arith.constant 16 : i32
        %parallel_loop3A_205 = arith.muli %parallel_loop3A_108, %parallel_loop3A_204 : i32
        %parallel_loop3A_206 = arith.constant 1 : i32
        %parallel_loop3A_207 = arith.constant 0 : i32
        %parallel_loop3A_208 = arith.index_cast %parallel_loop3A_206 : i32 to index
        %parallel_loop3A_209 = arith.index_cast %parallel_loop3A_207 : i32 to index
        %parallel_loop3A_210 = arith.index_cast %parallel_loop3A_205 : i32 to index
        %parallel_loop3A_211 = tpu.vector_load %arg9[%parallel_loop3A_208, %parallel_loop3A_209, %parallel_loop3A_210] {strides = array<i32>} : memref<4x8x128xf32, #tpu.memory_space<vmem>>, vector<16xf32>,
        tpu.vector_store %arg9[%parallel_loop3A_208, %parallel_loop3A_209, %parallel_loop3A_210], %parallel_loop3A_203 {strides = array<i32>} : memref<4x8x128xf32, #tpu.memory_space<vmem>>, vector<16xf32>,
        %parallel_loop3A_212 = arith.constant 9 : i32
        %parallel_loop3A_213 = vector.broadcast %parallel_loop3A_212 : i32 to vector<16xi32>
        %parallel_loop3A_214 = tpu.vector_load_idx %arg7[%parallel_loop3A_112, %parallel_loop3A_213] : memref<128x32xf32, #tpu.memory_space<vmem>>[vector<16xi32>, vector<16xi32>], vector<16xf32>,
        %parallel_loop3A_215 = arith.constant 16 : i32
        %parallel_loop3A_216 = arith.muli %parallel_loop3A_108, %parallel_loop3A_215 : i32
        %parallel_loop3A_217 = arith.constant 1 : i32
        %parallel_loop3A_218 = arith.constant 1 : i32
        %parallel_loop3A_219 = arith.index_cast %parallel_loop3A_217 : i32 to index
        %parallel_loop3A_220 = arith.index_cast %parallel_loop3A_218 : i32 to index
        %parallel_loop3A_221 = arith.index_cast %parallel_loop3A_216 : i32 to index
        %parallel_loop3A_222 = tpu.vector_load %arg9[%parallel_loop3A_219, %parallel_loop3A_220, %parallel_loop3A_221] {strides = array<i32>} : memref<4x8x128xf32, #tpu.memory_space<vmem>>, vector<16xf32>,
        tpu.vector_store %arg9[%parallel_loop3A_219, %parallel_loop3A_220, %parallel_loop3A_221], %parallel_loop3A_214 {strides = array<i32>} : memref<4x8x128xf32, #tpu.memory_space<vmem>>, vector<16xf32>,
        %parallel_loop3A_223 = arith.constant 10 : i32
        %parallel_loop3A_224 = vector.broadcast %parallel_loop3A_223 : i32 to vector<16xi32>
        %parallel_loop3A_225 = tpu.vector_load_idx %arg7[%parallel_loop3A_112, %parallel_loop3A_224] : memref<128x32xf32, #tpu.memory_space<vmem>>[vector<16xi32>, vector<16xi32>], vector<16xf32>,
        %parallel_loop3A_226 = arith.constant 16 : i32
        %parallel_loop3A_227 = arith.muli %parallel_loop3A_108, %parallel_loop3A_226 : i32
        %parallel_loop3A_228 = arith.constant 1 : i32
        %parallel_loop3A_229 = arith.constant 2 : i32
        %parallel_loop3A_230 = arith.index_cast %parallel_loop3A_228 : i32 to index
        %parallel_loop3A_231 = arith.index_cast %parallel_loop3A_229 : i32 to index
        %parallel_loop3A_232 = arith.index_cast %parallel_loop3A_227 : i32 to index
        %parallel_loop3A_233 = tpu.vector_load %arg9[%parallel_loop3A_230, %parallel_loop3A_231, %parallel_loop3A_232] {strides = array<i32>} : memref<4x8x128xf32, #tpu.memory_space<vmem>>, vector<16xf32>,
        tpu.vector_store %arg9[%parallel_loop3A_230, %parallel_loop3A_231, %parallel_loop3A_232], %parallel_loop3A_225 {strides = array<i32>} : memref<4x8x128xf32, #tpu.memory_space<vmem>>, vector<16xf32>,
        %parallel_loop3A_234 = arith.constant 11 : i32
        %parallel_loop3A_235 = vector.broadcast %parallel_loop3A_234 : i32 to vector<16xi32>
        %parallel_loop3A_236 = tpu.vector_load_idx %arg7[%parallel_loop3A_112, %parallel_loop3A_235] : memref<128x32xf32, #tpu.memory_space<vmem>>[vector<16xi32>, vector<16xi32>], vector<16xf32>,
        %parallel_loop3A_237 = arith.constant 16 : i32
        %parallel_loop3A_238 = arith.muli %parallel_loop3A_108, %parallel_loop3A_237 : i32
        %parallel_loop3A_239 = arith.constant 1 : i32
        %parallel_loop3A_240 = arith.constant 3 : i32
        %parallel_loop3A_241 = arith.index_cast %parallel_loop3A_239 : i32 to index
        %parallel_loop3A_242 = arith.index_cast %parallel_loop3A_240 : i32 to index
        %parallel_loop3A_243 = arith.index_cast %parallel_loop3A_238 : i32 to index
        %parallel_loop3A_244 = tpu.vector_load %arg9[%parallel_loop3A_241, %parallel_loop3A_242, %parallel_loop3A_243] {strides = array<i32>} : memref<4x8x128xf32, #tpu.memory_space<vmem>>, vector<16xf32>,
        tpu.vector_store %arg9[%parallel_loop3A_241, %parallel_loop3A_242, %parallel_loop3A_243], %parallel_loop3A_236 {strides = array<i32>} : memref<4x8x128xf32, #tpu.memory_space<vmem>>, vector<16xf32>,
        %parallel_loop3A_245 = arith.constant 12 : i32
        %parallel_loop3A_246 = vector.broadcast %parallel_loop3A_245 : i32 to vector<16xi32>
        %parallel_loop3A_247 = tpu.vector_load_idx %arg7[%parallel_loop3A_112, %parallel_loop3A_246] : memref<128x32xf32, #tpu.memory_space<vmem>>[vector<16xi32>, vector<16xi32>], vector<16xf32>,
        %parallel_loop3A_248 = arith.constant 16 : i32
        %parallel_loop3A_249 = arith.muli %parallel_loop3A_108, %parallel_loop3A_248 : i32
        %parallel_loop3A_250 = arith.constant 1 : i32
        %parallel_loop3A_251 = arith.constant 4 : i32
        %parallel_loop3A_252 = arith.index_cast %parallel_loop3A_250 : i32 to index
        %parallel_loop3A_253 = arith.index_cast %parallel_loop3A_251 : i32 to index
        %parallel_loop3A_254 = arith.index_cast %parallel_loop3A_249 : i32 to index
        %parallel_loop3A_255 = tpu.vector_load %arg9[%parallel_loop3A_252, %parallel_loop3A_253, %parallel_loop3A_254] {strides = array<i32>} : memref<4x8x128xf32, #tpu.memory_space<vmem>>, vector<16xf32>,
        tpu.vector_store %arg9[%parallel_loop3A_252, %parallel_loop3A_253, %parallel_loop3A_254], %parallel_loop3A_247 {strides = array<i32>} : memref<4x8x128xf32, #tpu.memory_space<vmem>>, vector<16xf32>,
        %parallel_loop3A_256 = arith.constant 13 : i32
        %parallel_loop3A_257 = vector.broadcast %parallel_loop3A_256 : i32 to vector<16xi32>
        %parallel_loop3A_258 = tpu.vector_load_idx %arg7[%parallel_loop3A_112, %parallel_loop3A_257] : memref<128x32xf32, #tpu.memory_space<vmem>>[vector<16xi32>, vector<16xi32>], vector<16xf32>,
        %parallel_loop3A_259 = arith.constant 16 : i32
        %parallel_loop3A_260 = arith.muli %parallel_loop3A_108, %parallel_loop3A_259 : i32
        %parallel_loop3A_261 = arith.constant 1 : i32
        %parallel_loop3A_262 = arith.constant 5 : i32
        %parallel_loop3A_263 = arith.index_cast %parallel_loop3A_261 : i32 to index
        %parallel_loop3A_264 = arith.index_cast %parallel_loop3A_262 : i32 to index
        %parallel_loop3A_265 = arith.index_cast %parallel_loop3A_260 : i32 to index
        %parallel_loop3A_266 = tpu.vector_load %arg9[%parallel_loop3A_263, %parallel_loop3A_264, %parallel_loop3A_265] {strides = array<i32>} : memref<4x8x128xf32, #tpu.memory_space<vmem>>, vector<16xf32>,
        tpu.vector_store %arg9[%parallel_loop3A_263, %parallel_loop3A_264, %parallel_loop3A_265], %parallel_loop3A_258 {strides = array<i32>} : memref<4x8x128xf32, #tpu.memory_space<vmem>>, vector<16xf32>,
        %parallel_loop3A_267 = arith.constant 14 : i32
        %parallel_loop3A_268 = vector.broadcast %parallel_loop3A_267 : i32 to vector<16xi32>
        %parallel_loop3A_269 = tpu.vector_load_idx %arg7[%parallel_loop3A_112, %parallel_loop3A_268] : memref<128x32xf32, #tpu.memory_space<vmem>>[vector<16xi32>, vector<16xi32>], vector<16xf32>,
        %parallel_loop3A_270 = arith.constant 16 : i32
        %parallel_loop3A_271 = arith.muli %parallel_loop3A_108, %parallel_loop3A_270 : i32
        %parallel_loop3A_272 = arith.constant 1 : i32
        %parallel_loop3A_273 = arith.constant 6 : i32
        %parallel_loop3A_274 = arith.index_cast %parallel_loop3A_272 : i32 to index
        %parallel_loop3A_275 = arith.index_cast %parallel_loop3A_273 : i32 to index
        %parallel_loop3A_276 = arith.index_cast %parallel_loop3A_271 : i32 to index
        %parallel_loop3A_277 = tpu.vector_load %arg9[%parallel_loop3A_274, %parallel_loop3A_275, %parallel_loop3A_276] {strides = array<i32>} : memref<4x8x128xf32, #tpu.memory_space<vmem>>, vector<16xf32>,
        tpu.vector_store %arg9[%parallel_loop3A_274, %parallel_loop3A_275, %parallel_loop3A_276], %parallel_loop3A_269 {strides = array<i32>} : memref<4x8x128xf32, #tpu.memory_space<vmem>>, vector<16xf32>,
        %parallel_loop3A_278 = arith.constant 15 : i32
        %parallel_loop3A_279 = vector.broadcast %parallel_loop3A_278 : i32 to vector<16xi32>
        %parallel_loop3A_280 = tpu.vector_load_idx %arg7[%parallel_loop3A_112, %parallel_loop3A_279] : memref<128x32xf32, #tpu.memory_space<vmem>>[vector<16xi32>, vector<16xi32>], vector<16xf32>,
        %parallel_loop3A_281 = arith.constant 16 : i32
        %parallel_loop3A_282 = arith.muli %parallel_loop3A_108, %parallel_loop3A_281 : i32
        %parallel_loop3A_283 = arith.constant 1 : i32
        %parallel_loop3A_284 = arith.constant 7 : i32
        %parallel_loop3A_285 = arith.index_cast %parallel_loop3A_283 : i32 to index
        %parallel_loop3A_286 = arith.index_cast %parallel_loop3A_284 : i32 to index
        %parallel_loop3A_287 = arith.index_cast %parallel_loop3A_282 : i32 to index
        %parallel_loop3A_288 = tpu.vector_load %arg9[%parallel_loop3A_285, %parallel_loop3A_286, %parallel_loop3A_287] {strides = array<i32>} : memref<4x8x128xf32, #tpu.memory_space<vmem>>, vector<16xf32>,
        tpu.vector_store %arg9[%parallel_loop3A_285, %parallel_loop3A_286, %parallel_loop3A_287], %parallel_loop3A_280 {strides = array<i32>} : memref<4x8x128xf32, #tpu.memory_space<vmem>>, vector<16xf32>,
        %parallel_loop3A_289 = arith.constant 16 : i32
        %parallel_loop3A_290 = vector.broadcast %parallel_loop3A_289 : i32 to vector<16xi32>
        %parallel_loop3A_291 = tpu.vector_load_idx %arg7[%parallel_loop3A_112, %parallel_loop3A_290] : memref<128x32xf32, #tpu.memory_space<vmem>>[vector<16xi32>, vector<16xi32>], vector<16xf32>,
        %parallel_loop3A_292 = arith.constant 16 : i32
        %parallel_loop3A_293 = arith.muli %parallel_loop3A_108, %parallel_loop3A_292 : i32
        %parallel_loop3A_294 = arith.constant 2 : i32
        %parallel_loop3A_295 = arith.constant 0 : i32
        %parallel_loop3A_296 = arith.index_cast %parallel_loop3A_294 : i32 to index
        %parallel_loop3A_297 = arith.index_cast %parallel_loop3A_295 : i32 to index
        %parallel_loop3A_298 = arith.index_cast %parallel_loop3A_293 : i32 to index
        %parallel_loop3A_299 = tpu.vector_load %arg9[%parallel_loop3A_296, %parallel_loop3A_297, %parallel_loop3A_298] {strides = array<i32>} : memref<4x8x128xf32, #tpu.memory_space<vmem>>, vector<16xf32>,
        tpu.vector_store %arg9[%parallel_loop3A_296, %parallel_loop3A_297, %parallel_loop3A_298], %parallel_loop3A_291 {strides = array<i32>} : memref<4x8x128xf32, #tpu.memory_space<vmem>>, vector<16xf32>,
        %parallel_loop3A_300 = arith.constant 17 : i32
        %parallel_loop3A_301 = vector.broadcast %parallel_loop3A_300 : i32 to vector<16xi32>
        %parallel_loop3A_302 = tpu.vector_load_idx %arg7[%parallel_loop3A_112, %parallel_loop3A_301] : memref<128x32xf32, #tpu.memory_space<vmem>>[vector<16xi32>, vector<16xi32>], vector<16xf32>,
        %parallel_loop3A_303 = arith.constant 16 : i32
        %parallel_loop3A_304 = arith.muli %parallel_loop3A_108, %parallel_loop3A_303 : i32
        %parallel_loop3A_305 = arith.constant 2 : i32
        %parallel_loop3A_306 = arith.constant 1 : i32
        %parallel_loop3A_307 = arith.index_cast %parallel_loop3A_305 : i32 to index
        %parallel_loop3A_308 = arith.index_cast %parallel_loop3A_306 : i32 to index
        %parallel_loop3A_309 = arith.index_cast %parallel_loop3A_304 : i32 to index
        %parallel_loop3A_310 = tpu.vector_load %arg9[%parallel_loop3A_307, %parallel_loop3A_308, %parallel_loop3A_309] {strides = array<i32>} : memref<4x8x128xf32, #tpu.memory_space<vmem>>, vector<16xf32>,
        tpu.vector_store %arg9[%parallel_loop3A_307, %parallel_loop3A_308, %parallel_loop3A_309], %parallel_loop3A_302 {strides = array<i32>} : memref<4x8x128xf32, #tpu.memory_space<vmem>>, vector<16xf32>,
        %parallel_loop3A_311 = arith.constant 18 : i32
        %parallel_loop3A_312 = vector.broadcast %parallel_loop3A_311 : i32 to vector<16xi32>
        %parallel_loop3A_313 = tpu.vector_load_idx %arg7[%parallel_loop3A_112, %parallel_loop3A_312] : memref<128x32xf32, #tpu.memory_space<vmem>>[vector<16xi32>, vector<16xi32>], vector<16xf32>,
        %parallel_loop3A_314 = arith.constant 16 : i32
        %parallel_loop3A_315 = arith.muli %parallel_loop3A_108, %parallel_loop3A_314 : i32
        %parallel_loop3A_316 = arith.constant 2 : i32
        %parallel_loop3A_317 = arith.constant 2 : i32
        %parallel_loop3A_318 = arith.index_cast %parallel_loop3A_316 : i32 to index
        %parallel_loop3A_319 = arith.index_cast %parallel_loop3A_317 : i32 to index
        %parallel_loop3A_320 = arith.index_cast %parallel_loop3A_315 : i32 to index
        %parallel_loop3A_321 = tpu.vector_load %arg9[%parallel_loop3A_318, %parallel_loop3A_319, %parallel_loop3A_320] {strides = array<i32>} : memref<4x8x128xf32, #tpu.memory_space<vmem>>, vector<16xf32>,
        tpu.vector_store %arg9[%parallel_loop3A_318, %parallel_loop3A_319, %parallel_loop3A_320], %parallel_loop3A_313 {strides = array<i32>} : memref<4x8x128xf32, #tpu.memory_space<vmem>>, vector<16xf32>,
        %parallel_loop3A_322 = arith.constant 19 : i32
        %parallel_loop3A_323 = vector.broadcast %parallel_loop3A_322 : i32 to vector<16xi32>
        %parallel_loop3A_324 = tpu.vector_load_idx %arg7[%parallel_loop3A_112, %parallel_loop3A_323] : memref<128x32xf32, #tpu.memory_space<vmem>>[vector<16xi32>, vector<16xi32>], vector<16xf32>,
        %parallel_loop3A_325 = arith.constant 16 : i32
        %parallel_loop3A_326 = arith.muli %parallel_loop3A_108, %parallel_loop3A_325 : i32
        %parallel_loop3A_327 = arith.constant 2 : i32
        %parallel_loop3A_328 = arith.constant 3 : i32
        %parallel_loop3A_329 = arith.index_cast %parallel_loop3A_327 : i32 to index
        %parallel_loop3A_330 = arith.index_cast %parallel_loop3A_328 : i32 to index
        %parallel_loop3A_331 = arith.index_cast %parallel_loop3A_326 : i32 to index
        %parallel_loop3A_332 = tpu.vector_load %arg9[%parallel_loop3A_329, %parallel_loop3A_330, %parallel_loop3A_331] {strides = array<i32>} : memref<4x8x128xf32, #tpu.memory_space<vmem>>, vector<16xf32>,
        tpu.vector_store %arg9[%parallel_loop3A_329, %parallel_loop3A_330, %parallel_loop3A_331], %parallel_loop3A_324 {strides = array<i32>} : memref<4x8x128xf32, #tpu.memory_space<vmem>>, vector<16xf32>,
        %parallel_loop3A_333 = arith.constant 20 : i32
        %parallel_loop3A_334 = vector.broadcast %parallel_loop3A_333 : i32 to vector<16xi32>
        %parallel_loop3A_335 = tpu.vector_load_idx %arg7[%parallel_loop3A_112, %parallel_loop3A_334] : memref<128x32xf32, #tpu.memory_space<vmem>>[vector<16xi32>, vector<16xi32>], vector<16xf32>,
        %parallel_loop3A_336 = arith.constant 16 : i32
        %parallel_loop3A_337 = arith.muli %parallel_loop3A_108, %parallel_loop3A_336 : i32
        %parallel_loop3A_338 = arith.constant 2 : i32
        %parallel_loop3A_339 = arith.constant 4 : i32
        %parallel_loop3A_340 = arith.index_cast %parallel_loop3A_338 : i32 to index
        %parallel_loop3A_341 = arith.index_cast %parallel_loop3A_339 : i32 to index
        %parallel_loop3A_342 = arith.index_cast %parallel_loop3A_337 : i32 to index
        %parallel_loop3A_343 = tpu.vector_load %arg9[%parallel_loop3A_340, %parallel_loop3A_341, %parallel_loop3A_342] {strides = array<i32>} : memref<4x8x128xf32, #tpu.memory_space<vmem>>, vector<16xf32>,
        tpu.vector_store %arg9[%parallel_loop3A_340, %parallel_loop3A_341, %parallel_loop3A_342], %parallel_loop3A_335 {strides = array<i32>} : memref<4x8x128xf32, #tpu.memory_space<vmem>>, vector<16xf32>,
        %parallel_loop3A_344 = arith.constant 21 : i32
        %parallel_loop3A_345 = vector.broadcast %parallel_loop3A_344 : i32 to vector<16xi32>
        %parallel_loop3A_346 = tpu.vector_load_idx %arg7[%parallel_loop3A_112, %parallel_loop3A_345] : memref<128x32xf32, #tpu.memory_space<vmem>>[vector<16xi32>, vector<16xi32>], vector<16xf32>,
        %parallel_loop3A_347 = arith.constant 16 : i32
        %parallel_loop3A_348 = arith.muli %parallel_loop3A_108, %parallel_loop3A_347 : i32
        %parallel_loop3A_349 = arith.constant 2 : i32
        %parallel_loop3A_350 = arith.constant 5 : i32
        %parallel_loop3A_351 = arith.index_cast %parallel_loop3A_349 : i32 to index
        %parallel_loop3A_352 = arith.index_cast %parallel_loop3A_350 : i32 to index
        %parallel_loop3A_353 = arith.index_cast %parallel_loop3A_348 : i32 to index
        %parallel_loop3A_354 = tpu.vector_load %arg9[%parallel_loop3A_351, %parallel_loop3A_352, %parallel_loop3A_353] {strides = array<i32>} : memref<4x8x128xf32, #tpu.memory_space<vmem>>, vector<16xf32>,
        tpu.vector_store %arg9[%parallel_loop3A_351, %parallel_loop3A_352, %parallel_loop3A_353], %parallel_loop3A_346 {strides = array<i32>} : memref<4x8x128xf32, #tpu.memory_space<vmem>>, vector<16xf32>,
        %parallel_loop3A_355 = arith.constant 22 : i32
        %parallel_loop3A_356 = vector.broadcast %parallel_loop3A_355 : i32 to vector<16xi32>
        %parallel_loop3A_357 = tpu.vector_load_idx %arg7[%parallel_loop3A_112, %parallel_loop3A_356] : memref<128x32xf32, #tpu.memory_space<vmem>>[vector<16xi32>, vector<16xi32>], vector<16xf32>,
        %parallel_loop3A_358 = arith.constant 16 : i32
        %parallel_loop3A_359 = arith.muli %parallel_loop3A_108, %parallel_loop3A_358 : i32
        %parallel_loop3A_360 = arith.constant 2 : i32
        %parallel_loop3A_361 = arith.constant 6 : i32
        %parallel_loop3A_362 = arith.index_cast %parallel_loop3A_360 : i32 to index
        %parallel_loop3A_363 = arith.index_cast %parallel_loop3A_361 : i32 to index
        %parallel_loop3A_364 = arith.index_cast %parallel_loop3A_359 : i32 to index
        %parallel_loop3A_365 = tpu.vector_load %arg9[%parallel_loop3A_362, %parallel_loop3A_363, %parallel_loop3A_364] {strides = array<i32>} : memref<4x8x128xf32, #tpu.memory_space<vmem>>, vector<16xf32>,
        tpu.vector_store %arg9[%parallel_loop3A_362, %parallel_loop3A_363, %parallel_loop3A_364], %parallel_loop3A_357 {strides = array<i32>} : memref<4x8x128xf32, #tpu.memory_space<vmem>>, vector<16xf32>,
        %parallel_loop3A_366 = arith.constant 23 : i32
        %parallel_loop3A_367 = vector.broadcast %parallel_loop3A_366 : i32 to vector<16xi32>
        %parallel_loop3A_368 = tpu.vector_load_idx %arg7[%parallel_loop3A_112, %parallel_loop3A_367] : memref<128x32xf32, #tpu.memory_space<vmem>>[vector<16xi32>, vector<16xi32>], vector<16xf32>,
        %parallel_loop3A_369 = arith.constant 16 : i32
        %parallel_loop3A_370 = arith.muli %parallel_loop3A_108, %parallel_loop3A_369 : i32
        %parallel_loop3A_371 = arith.constant 2 : i32
        %parallel_loop3A_372 = arith.constant 7 : i32
        %parallel_loop3A_373 = arith.index_cast %parallel_loop3A_371 : i32 to index
        %parallel_loop3A_374 = arith.index_cast %parallel_loop3A_372 : i32 to index
        %parallel_loop3A_375 = arith.index_cast %parallel_loop3A_370 : i32 to index
        %parallel_loop3A_376 = tpu.vector_load %arg9[%parallel_loop3A_373, %parallel_loop3A_374, %parallel_loop3A_375] {strides = array<i32>} : memref<4x8x128xf32, #tpu.memory_space<vmem>>, vector<16xf32>,
        tpu.vector_store %arg9[%parallel_loop3A_373, %parallel_loop3A_374, %parallel_loop3A_375], %parallel_loop3A_368 {strides = array<i32>} : memref<4x8x128xf32, #tpu.memory_space<vmem>>, vector<16xf32>,
        %parallel_loop3A_377 = arith.constant 24 : i32
        %parallel_loop3A_378 = vector.broadcast %parallel_loop3A_377 : i32 to vector<16xi32>
        %parallel_loop3A_379 = tpu.vector_load_idx %arg7[%parallel_loop3A_112, %parallel_loop3A_378] : memref<128x32xf32, #tpu.memory_space<vmem>>[vector<16xi32>, vector<16xi32>], vector<16xf32>,
        %parallel_loop3A_380 = arith.constant 16 : i32
        %parallel_loop3A_381 = arith.muli %parallel_loop3A_108, %parallel_loop3A_380 : i32
        %parallel_loop3A_382 = arith.constant 3 : i32
        %parallel_loop3A_383 = arith.constant 0 : i32
        %parallel_loop3A_384 = arith.index_cast %parallel_loop3A_382 : i32 to index
        %parallel_loop3A_385 = arith.index_cast %parallel_loop3A_383 : i32 to index
        %parallel_loop3A_386 = arith.index_cast %parallel_loop3A_381 : i32 to index
        %parallel_loop3A_387 = tpu.vector_load %arg9[%parallel_loop3A_384, %parallel_loop3A_385, %parallel_loop3A_386] {strides = array<i32>} : memref<4x8x128xf32, #tpu.memory_space<vmem>>, vector<16xf32>,
        tpu.vector_store %arg9[%parallel_loop3A_384, %parallel_loop3A_385, %parallel_loop3A_386], %parallel_loop3A_379 {strides = array<i32>} : memref<4x8x128xf32, #tpu.memory_space<vmem>>, vector<16xf32>,
        %parallel_loop3A_388 = arith.constant 25 : i32
        %parallel_loop3A_389 = vector.broadcast %parallel_loop3A_388 : i32 to vector<16xi32>
        %parallel_loop3A_390 = tpu.vector_load_idx %arg7[%parallel_loop3A_112, %parallel_loop3A_389] : memref<128x32xf32, #tpu.memory_space<vmem>>[vector<16xi32>, vector<16xi32>], vector<16xf32>,
        %parallel_loop3A_391 = arith.constant 16 : i32
        %parallel_loop3A_392 = arith.muli %parallel_loop3A_108, %parallel_loop3A_391 : i32
        %parallel_loop3A_393 = arith.constant 3 : i32
        %parallel_loop3A_394 = arith.constant 1 : i32
        %parallel_loop3A_395 = arith.index_cast %parallel_loop3A_393 : i32 to index
        %parallel_loop3A_396 = arith.index_cast %parallel_loop3A_394 : i32 to index
        %parallel_loop3A_397 = arith.index_cast %parallel_loop3A_392 : i32 to index
        %parallel_loop3A_398 = tpu.vector_load %arg9[%parallel_loop3A_395, %parallel_loop3A_396, %parallel_loop3A_397] {strides = array<i32>} : memref<4x8x128xf32, #tpu.memory_space<vmem>>, vector<16xf32>,
        tpu.vector_store %arg9[%parallel_loop3A_395, %parallel_loop3A_396, %parallel_loop3A_397], %parallel_loop3A_390 {strides = array<i32>} : memref<4x8x128xf32, #tpu.memory_space<vmem>>, vector<16xf32>,
        %parallel_loop3A_399 = arith.constant 26 : i32
        %parallel_loop3A_400 = vector.broadcast %parallel_loop3A_399 : i32 to vector<16xi32>
        %parallel_loop3A_401 = tpu.vector_load_idx %arg7[%parallel_loop3A_112, %parallel_loop3A_400] : memref<128x32xf32, #tpu.memory_space<vmem>>[vector<16xi32>, vector<16xi32>], vector<16xf32>,
        %parallel_loop3A_402 = arith.constant 16 : i32
        %parallel_loop3A_403 = arith.muli %parallel_loop3A_108, %parallel_loop3A_402 : i32
        %parallel_loop3A_404 = arith.constant 3 : i32
        %parallel_loop3A_405 = arith.constant 2 : i32
        %parallel_loop3A_406 = arith.index_cast %parallel_loop3A_404 : i32 to index
        %parallel_loop3A_407 = arith.index_cast %parallel_loop3A_405 : i32 to index
        %parallel_loop3A_408 = arith.index_cast %parallel_loop3A_403 : i32 to index
        %parallel_loop3A_409 = tpu.vector_load %arg9[%parallel_loop3A_406, %parallel_loop3A_407, %parallel_loop3A_408] {strides = array<i32>} : memref<4x8x128xf32, #tpu.memory_space<vmem>>, vector<16xf32>,
        tpu.vector_store %arg9[%parallel_loop3A_406, %parallel_loop3A_407, %parallel_loop3A_408], %parallel_loop3A_401 {strides = array<i32>} : memref<4x8x128xf32, #tpu.memory_space<vmem>>, vector<16xf32>,
        %parallel_loop3A_410 = arith.constant 27 : i32
        %parallel_loop3A_411 = vector.broadcast %parallel_loop3A_410 : i32 to vector<16xi32>
        %parallel_loop3A_412 = tpu.vector_load_idx %arg7[%parallel_loop3A_112, %parallel_loop3A_411] : memref<128x32xf32, #tpu.memory_space<vmem>>[vector<16xi32>, vector<16xi32>], vector<16xf32>,
        %parallel_loop3A_413 = arith.constant 16 : i32
        %parallel_loop3A_414 = arith.muli %parallel_loop3A_108, %parallel_loop3A_413 : i32
        %parallel_loop3A_415 = arith.constant 3 : i32
        %parallel_loop3A_416 = arith.constant 3 : i32
        %parallel_loop3A_417 = arith.index_cast %parallel_loop3A_415 : i32 to index
        %parallel_loop3A_418 = arith.index_cast %parallel_loop3A_416 : i32 to index
        %parallel_loop3A_419 = arith.index_cast %parallel_loop3A_414 : i32 to index
        %parallel_loop3A_420 = tpu.vector_load %arg9[%parallel_loop3A_417, %parallel_loop3A_418, %parallel_loop3A_419] {strides = array<i32>} : memref<4x8x128xf32, #tpu.memory_space<vmem>>, vector<16xf32>,
        tpu.vector_store %arg9[%parallel_loop3A_417, %parallel_loop3A_418, %parallel_loop3A_419], %parallel_loop3A_412 {strides = array<i32>} : memref<4x8x128xf32, #tpu.memory_space<vmem>>, vector<16xf32>,
        %parallel_loop3A_421 = arith.constant 28 : i32
        %parallel_loop3A_422 = vector.broadcast %parallel_loop3A_421 : i32 to vector<16xi32>
        %parallel_loop3A_423 = tpu.vector_load_idx %arg7[%parallel_loop3A_112, %parallel_loop3A_422] : memref<128x32xf32, #tpu.memory_space<vmem>>[vector<16xi32>, vector<16xi32>], vector<16xf32>,
        %parallel_loop3A_424 = arith.constant 16 : i32
        %parallel_loop3A_425 = arith.muli %parallel_loop3A_108, %parallel_loop3A_424 : i32
        %parallel_loop3A_426 = arith.constant 3 : i32
        %parallel_loop3A_427 = arith.constant 4 : i32
        %parallel_loop3A_428 = arith.index_cast %parallel_loop3A_426 : i32 to index
        %parallel_loop3A_429 = arith.index_cast %parallel_loop3A_427 : i32 to index
        %parallel_loop3A_430 = arith.index_cast %parallel_loop3A_425 : i32 to index
        %parallel_loop3A_431 = tpu.vector_load %arg9[%parallel_loop3A_428, %parallel_loop3A_429, %parallel_loop3A_430] {strides = array<i32>} : memref<4x8x128xf32, #tpu.memory_space<vmem>>, vector<16xf32>,
        tpu.vector_store %arg9[%parallel_loop3A_428, %parallel_loop3A_429, %parallel_loop3A_430], %parallel_loop3A_423 {strides = array<i32>} : memref<4x8x128xf32, #tpu.memory_space<vmem>>, vector<16xf32>,
        %parallel_loop3A_432 = arith.constant 29 : i32
        %parallel_loop3A_433 = vector.broadcast %parallel_loop3A_432 : i32 to vector<16xi32>
        %parallel_loop3A_434 = tpu.vector_load_idx %arg7[%parallel_loop3A_112, %parallel_loop3A_433] : memref<128x32xf32, #tpu.memory_space<vmem>>[vector<16xi32>, vector<16xi32>], vector<16xf32>,
        %parallel_loop3A_435 = arith.constant 16 : i32
        %parallel_loop3A_436 = arith.muli %parallel_loop3A_108, %parallel_loop3A_435 : i32
        %parallel_loop3A_437 = arith.constant 3 : i32
        %parallel_loop3A_438 = arith.constant 5 : i32
        %parallel_loop3A_439 = arith.index_cast %parallel_loop3A_437 : i32 to index
        %parallel_loop3A_440 = arith.index_cast %parallel_loop3A_438 : i32 to index
        %parallel_loop3A_441 = arith.index_cast %parallel_loop3A_436 : i32 to index
        %parallel_loop3A_442 = tpu.vector_load %arg9[%parallel_loop3A_439, %parallel_loop3A_440, %parallel_loop3A_441] {strides = array<i32>} : memref<4x8x128xf32, #tpu.memory_space<vmem>>, vector<16xf32>,
        tpu.vector_store %arg9[%parallel_loop3A_439, %parallel_loop3A_440, %parallel_loop3A_441], %parallel_loop3A_434 {strides = array<i32>} : memref<4x8x128xf32, #tpu.memory_space<vmem>>, vector<16xf32>,
        %parallel_loop3A_443 = arith.constant 30 : i32
        %parallel_loop3A_444 = vector.broadcast %parallel_loop3A_443 : i32 to vector<16xi32>
        %parallel_loop3A_445 = tpu.vector_load_idx %arg7[%parallel_loop3A_112, %parallel_loop3A_444] : memref<128x32xf32, #tpu.memory_space<vmem>>[vector<16xi32>, vector<16xi32>], vector<16xf32>,
        %parallel_loop3A_446 = arith.constant 16 : i32
        %parallel_loop3A_447 = arith.muli %parallel_loop3A_108, %parallel_loop3A_446 : i32
        %parallel_loop3A_448 = arith.constant 3 : i32
        %parallel_loop3A_449 = arith.constant 6 : i32
        %parallel_loop3A_450 = arith.index_cast %parallel_loop3A_448 : i32 to index
        %parallel_loop3A_451 = arith.index_cast %parallel_loop3A_449 : i32 to index
        %parallel_loop3A_452 = arith.index_cast %parallel_loop3A_447 : i32 to index
        %parallel_loop3A_453 = tpu.vector_load %arg9[%parallel_loop3A_450, %parallel_loop3A_451, %parallel_loop3A_452] {strides = array<i32>} : memref<4x8x128xf32, #tpu.memory_space<vmem>>, vector<16xf32>,
        tpu.vector_store %arg9[%parallel_loop3A_450, %parallel_loop3A_451, %parallel_loop3A_452], %parallel_loop3A_445 {strides = array<i32>} : memref<4x8x128xf32, #tpu.memory_space<vmem>>, vector<16xf32>,
        %parallel_loop3A_454 = arith.constant 31 : i32
        %parallel_loop3A_455 = vector.broadcast %parallel_loop3A_454 : i32 to vector<16xi32>
        %parallel_loop3A_456 = tpu.vector_load_idx %arg7[%parallel_loop3A_112, %parallel_loop3A_455] : memref<128x32xf32, #tpu.memory_space<vmem>>[vector<16xi32>, vector<16xi32>], vector<16xf32>,
        %parallel_loop3A_457 = arith.constant 16 : i32
        %parallel_loop3A_458 = arith.muli %parallel_loop3A_108, %parallel_loop3A_457 : i32
        %parallel_loop3A_459 = arith.constant 3 : i32
        %parallel_loop3A_460 = arith.constant 7 : i32
        %parallel_loop3A_461 = arith.index_cast %parallel_loop3A_459 : i32 to index
        %parallel_loop3A_462 = arith.index_cast %parallel_loop3A_460 : i32 to index
        %parallel_loop3A_463 = arith.index_cast %parallel_loop3A_458 : i32 to index
        %parallel_loop3A_464 = tpu.vector_load %arg9[%parallel_loop3A_461, %parallel_loop3A_462, %parallel_loop3A_463] {strides = array<i32>} : memref<4x8x128xf32, #tpu.memory_space<vmem>>, vector<16xf32>,
        tpu.vector_store %arg9[%parallel_loop3A_461, %parallel_loop3A_462, %parallel_loop3A_463], %parallel_loop3A_456 {strides = array<i32>} : memref<4x8x128xf32, #tpu.memory_space<vmem>>, vector<16xf32>,
      } {sc.loop_unroll_factor = 1 : i64, sc.parallel_access}
      %dma_start3A_61 = arith.constant 0 : i32
      %dma_start3A_62 = arith.constant 0 : i32
      %dma_start3A_63 = arith.constant 0 : i32
      %dma_start3A_64 = tpu.memref_slice %arg4[%mul3A_41, %dma_start3A_61, %add3A, %dma_start3A_62, %dma_start3A_63] : memref<50x4x32x8x128xf32, #tpu.memory_space<hbm>> -> memref<1x4x1x8x128xf32, #tpu.memory_space<hbm>>
      %dma_start3A_65 = tpu.memref_squeeze %dma_start3A_64 : memref<1x4x1x8x128xf32, #tpu.memory_space<hbm>> -> memref<4x8x128xf32, #tpu.memory_space<hbm>>
      %dma_start3A_66 = arith.constant 0 : i32
      %dma_start3A_67 = arith.constant 0 : i32
      %dma_start3A_68 = arith.constant 0 : i32
      %dma_start3A_69 = tpu.memref_slice %arg4[%mul3A_41, %dma_start3A_66, %add3A, %dma_start3A_67, %dma_start3A_68] : memref<50x4x32x8x128xf32, #tpu.memory_space<hbm>> -> memref<1x4x1x8x128xf32, #tpu.memory_space<hbm>>
      %dma_start3A_70 = tpu.memref_squeeze %dma_start3A_69 : memref<1x4x1x8x128xf32, #tpu.memory_space<hbm>> -> memref<4x8x128xf32, #tpu.memory_space<hbm>>
      tpu.enqueue_dma source(%arg9 : memref<4x8x128xf32, #tpu.memory_space<vmem>>) target(%dma_start3A_70 : memref<4x8x128xf32, #tpu.memory_space<hbm>>) target_semaphore(%arg13 : memref<!tpu.dma_semaphore, #tpu.memory_space<semaphore_mem>>)
      %add3A_71 = arith.constant 2 : i32
      %add3A_72 = arith.addi %mul3A_41, %add3A_71 : i32
      %lt3A = arith.constant 50 : i32
      %lt3A_73 = arith.cmpi slt, %add3A_72, %lt3A : i32
      %convert_element_type3A_74 = arith.extui %lt3A_73 : i1 to i32
      %cond3A_75 = arith.constant 0 : i32
      %cond3A_76 = arith.cmpi ne, %convert_element_type3A_74, %cond3A_75 : i32
      scf.if %cond3A_76 {
        %add3A_108 = arith.constant 2 : i32
        %add3A_109 = arith.addi %mul3A_41, %add3A_108 : i32
        %dma_start3A_110 = arith.constant 0 : i32
        %dma_start3A_111 = tpu.memref_slice %arg6[%add3A_109, %dma_start3A_110] : memref<50x128xi32, #tpu.memory_space<vmem>> -> memref<1x128xi32, #tpu.memory_space<vmem>>
        %dma_start3A_112 = tpu.memref_squeeze %dma_start3A_111 : memref<1x128xi32, #tpu.memory_space<vmem>> -> memref<128xi32, #tpu.memory_space<vmem>>
        %dma_start3A_113 = arith.constant 0 : i32
        %dma_start3A_114 = arith.constant 0 : i32
        %dma_start3A_115 = tpu.memref_slice %arg3[%dma_start3A_113, %dma_start3A_114] : memref<1048576x32xf32, #tpu.memory_space<hbm>> -> memref<1048576x32xf32, #tpu.memory_space<hbm>>
        tpu.enqueue_indirect_dma source(%dma_start3A_115 : memref<1048576x32xf32, #tpu.memory_space<hbm>>) target(%arg7 : memref<128x32xf32, #tpu.memory_space<vmem>>) offsets(%dma_start3A_112 : memref<128xi32, #tpu.memory_space<vmem>>) semaphore(%arg11 : memref<!tpu.dma_semaphore, #tpu.memory_space<semaphore_mem>>)
      } else {
      }
      %add3A_77 = arith.constant 1 : i32
      %add3A_78 = arith.addi %mul3A_41, %add3A_77 : i32
      %dma_wait3A_79 = arith.constant 0 : i32
      %dma_wait3A_80 = tpu.memref_slice %arg6[%add3A_78, %dma_wait3A_79] : memref<50x128xi32, #tpu.memory_space<vmem>> -> memref<1x128xi32, #tpu.memory_space<vmem>>
      %dma_wait3A_81 = tpu.memref_squeeze %dma_wait3A_80 : memref<1x128xi32, #tpu.memory_space<vmem>> -> memref<128xi32, #tpu.memory_space<vmem>>
      %dma_wait3A_82 = arith.constant 0 : i32
      %dma_wait3A_83 = arith.constant 0 : i32
      %dma_wait3A_84 = tpu.memref_slice %arg3[%dma_wait3A_82, %dma_wait3A_83] : memref<1048576x32xf32, #tpu.memory_space<hbm>> -> memref<1048576x32xf32, #tpu.memory_space<hbm>>
      tpu.wait_indirect_dma semaphore(%arg12 : memref<!tpu.dma_semaphore, #tpu.memory_space<semaphore_mem>>) src(%dma_wait3A_84 : memref<1048576x32xf32, #tpu.memory_space<hbm>>) dst(%arg8 : memref<128x32xf32, #tpu.memory_space<vmem>>)
      %ge3A_85 = arith.constant 2 : i32
      %ge3A_86 = arith.cmpi sge, %mul3A_41, %ge3A_85 : i32
      %convert_element_type3A_87 = arith.extui %ge3A_86 : i1 to i32
      %cond3A_88 = arith.constant 0 : i32
      %cond3A_89 = arith.cmpi ne, %convert_element_type3A_87, %cond3A_88 : i32
      scf.if %cond3A_89 {
        %sub3A = arith.constant 1 : i32
        %sub3A_108 = arith.subi %mul3A_41, %sub3A : i32
        %dma_wait3A_109 = arith.constant 0 : i32
        %dma_wait3A_110 = arith.constant 0 : i32
        %dma_wait3A_111 = arith.constant 0 : i32
        %dma_wait3A_112 = tpu.memref_slice %arg4[%sub3A_108, %dma_wait3A_109, %add3A, %dma_wait3A_110, %dma_wait3A_111] : memref<50x4x32x8x128xf32, #tpu.memory_space<hbm>> -> memref<1x4x1x8x128xf32, #tpu.memory_space<hbm>>
        %dma_wait3A_113 = tpu.memref_squeeze %dma_wait3A_112 : memref<1x4x1x8x128xf32, #tpu.memory_space<hbm>> -> memref<4x8x128xf32, #tpu.memory_space<hbm>>
        %dma_wait3A_114 = arith.constant 0 : i32
        %dma_wait3A_115 = arith.constant 0 : i32
        %dma_wait3A_116 = arith.constant 0 : i32
        %dma_wait3A_117 = tpu.memref_slice %arg4[%sub3A_108, %dma_wait3A_114, %add3A, %dma_wait3A_115, %dma_wait3A_116] : memref<50x4x32x8x128xf32, #tpu.memory_space<hbm>> -> memref<1x4x1x8x128xf32, #tpu.memory_space<hbm>>
        %dma_wait3A_118 = tpu.memref_squeeze %dma_wait3A_117 : memref<1x4x1x8x128xf32, #tpu.memory_space<hbm>> -> memref<4x8x128xf32, #tpu.memory_space<hbm>>
        tpu.wait_dma2 semaphore(%arg14 : memref<!tpu.dma_semaphore, #tpu.memory_space<semaphore_mem>>) src(%arg10 : memref<4x8x128xf32, #tpu.memory_space<vmem>>) dst(%dma_wait3A_118 : memref<4x8x128xf32, #tpu.memory_space<hbm>>)
      } else {
      }
      %add3A_90 = arith.constant 1 : i32
      %add3A_91 = arith.addi %mul3A_41, %add3A_90 : i32
      %parallel_loop3A_92 = arith.constant 0 : i32
      %parallel_loop3A_93 = arith.constant 8 : i32
      %parallel_loop3A_94 = arith.constant 1 : i32
      scf.for %parallel_loop3A_108 = %parallel_loop3A_92 to %parallel_loop3A_93 step %parallel_loop3A_94  : i32 {
        %parallel_loop3A_109 = arith.constant 16 : i32
        %parallel_loop3A_110 = arith.muli %parallel_loop3A_108, %parallel_loop3A_109 : i32
        %parallel_loop3A_111 = vector.broadcast %parallel_loop3A_110 : i32 to vector<16xi32>
        %parallel_loop3A_112 = arith.addi %parallel_loop3A_111, %iota3A : vector<16xi32>
        %parallel_loop3A_113 = arith.constant 0 : i32
        %parallel_loop3A_114 = vector.broadcast %parallel_loop3A_113 : i32 to vector<16xi32>
        %parallel_loop3A_115 = tpu.vector_load_idx %arg8[%parallel_loop3A_112, %parallel_loop3A_114] : memref<128x32xf32, #tpu.memory_space<vmem>>[vector<16xi32>, vector<16xi32>], vector<16xf32>,
        %parallel_loop3A_116 = arith.constant 16 : i32
        %parallel_loop3A_117 = arith.muli %parallel_loop3A_108, %parallel_loop3A_116 : i32
        %parallel_loop3A_118 = arith.constant 0 : i32
        %parallel_loop3A_119 = arith.constant 0 : i32
        %parallel_loop3A_120 = arith.index_cast %parallel_loop3A_118 : i32 to index
        %parallel_loop3A_121 = arith.index_cast %parallel_loop3A_119 : i32 to index
        %parallel_loop3A_122 = arith.index_cast %parallel_loop3A_117 : i32 to index
        %parallel_loop3A_123 = tpu.vector_load %arg10[%parallel_loop3A_120, %parallel_loop3A_121, %parallel_loop3A_122] {strides = array<i32>} : memref<4x8x128xf32, #tpu.memory_space<vmem>>, vector<16xf32>,
        tpu.vector_store %arg10[%parallel_loop3A_120, %parallel_loop3A_121, %parallel_loop3A_122], %parallel_loop3A_115 {strides = array<i32>} : memref<4x8x128xf32, #tpu.memory_space<vmem>>, vector<16xf32>,
        %parallel_loop3A_124 = arith.constant 1 : i32
        %parallel_loop3A_125 = vector.broadcast %parallel_loop3A_124 : i32 to vector<16xi32>
        %parallel_loop3A_126 = tpu.vector_load_idx %arg8[%parallel_loop3A_112, %parallel_loop3A_125] : memref<128x32xf32, #tpu.memory_space<vmem>>[vector<16xi32>, vector<16xi32>], vector<16xf32>,
        %parallel_loop3A_127 = arith.constant 16 : i32
        %parallel_loop3A_128 = arith.muli %parallel_loop3A_108, %parallel_loop3A_127 : i32
        %parallel_loop3A_129 = arith.constant 0 : i32
        %parallel_loop3A_130 = arith.constant 1 : i32
        %parallel_loop3A_131 = arith.index_cast %parallel_loop3A_129 : i32 to index
        %parallel_loop3A_132 = arith.index_cast %parallel_loop3A_130 : i32 to index
        %parallel_loop3A_133 = arith.index_cast %parallel_loop3A_128 : i32 to index
        %parallel_loop3A_134 = tpu.vector_load %arg10[%parallel_loop3A_131, %parallel_loop3A_132, %parallel_loop3A_133] {strides = array<i32>} : memref<4x8x128xf32, #tpu.memory_space<vmem>>, vector<16xf32>,
        tpu.vector_store %arg10[%parallel_loop3A_131, %parallel_loop3A_132, %parallel_loop3A_133], %parallel_loop3A_126 {strides = array<i32>} : memref<4x8x128xf32, #tpu.memory_space<vmem>>, vector<16xf32>,
        %parallel_loop3A_135 = arith.constant 2 : i32
        %parallel_loop3A_136 = vector.broadcast %parallel_loop3A_135 : i32 to vector<16xi32>
        %parallel_loop3A_137 = tpu.vector_load_idx %arg8[%parallel_loop3A_112, %parallel_loop3A_136] : memref<128x32xf32, #tpu.memory_space<vmem>>[vector<16xi32>, vector<16xi32>], vector<16xf32>,
        %parallel_loop3A_138 = arith.constant 16 : i32
        %parallel_loop3A_139 = arith.muli %parallel_loop3A_108, %parallel_loop3A_138 : i32
        %parallel_loop3A_140 = arith.constant 0 : i32
        %parallel_loop3A_141 = arith.constant 2 : i32
        %parallel_loop3A_142 = arith.index_cast %parallel_loop3A_140 : i32 to index
        %parallel_loop3A_143 = arith.index_cast %parallel_loop3A_141 : i32 to index
        %parallel_loop3A_144 = arith.index_cast %parallel_loop3A_139 : i32 to index
        %parallel_loop3A_145 = tpu.vector_load %arg10[%parallel_loop3A_142, %parallel_loop3A_143, %parallel_loop3A_144] {strides = array<i32>} : memref<4x8x128xf32, #tpu.memory_space<vmem>>, vector<16xf32>,
        tpu.vector_store %arg10[%parallel_loop3A_142, %parallel_loop3A_143, %parallel_loop3A_144], %parallel_loop3A_137 {strides = array<i32>} : memref<4x8x128xf32, #tpu.memory_space<vmem>>, vector<16xf32>,
        %parallel_loop3A_146 = arith.constant 3 : i32
        %parallel_loop3A_147 = vector.broadcast %parallel_loop3A_146 : i32 to vector<16xi32>
        %parallel_loop3A_148 = tpu.vector_load_idx %arg8[%parallel_loop3A_112, %parallel_loop3A_147] : memref<128x32xf32, #tpu.memory_space<vmem>>[vector<16xi32>, vector<16xi32>], vector<16xf32>,
        %parallel_loop3A_149 = arith.constant 16 : i32
        %parallel_loop3A_150 = arith.muli %parallel_loop3A_108, %parallel_loop3A_149 : i32
        %parallel_loop3A_151 = arith.constant 0 : i32
        %parallel_loop3A_152 = arith.constant 3 : i32
        %parallel_loop3A_153 = arith.index_cast %parallel_loop3A_151 : i32 to index
        %parallel_loop3A_154 = arith.index_cast %parallel_loop3A_152 : i32 to index
        %parallel_loop3A_155 = arith.index_cast %parallel_loop3A_150 : i32 to index
        %parallel_loop3A_156 = tpu.vector_load %arg10[%parallel_loop3A_153, %parallel_loop3A_154, %parallel_loop3A_155] {strides = array<i32>} : memref<4x8x128xf32, #tpu.memory_space<vmem>>, vector<16xf32>,
        tpu.vector_store %arg10[%parallel_loop3A_153, %parallel_loop3A_154, %parallel_loop3A_155], %parallel_loop3A_148 {strides = array<i32>} : memref<4x8x128xf32, #tpu.memory_space<vmem>>, vector<16xf32>,
        %parallel_loop3A_157 = arith.constant 4 : i32
        %parallel_loop3A_158 = vector.broadcast %parallel_loop3A_157 : i32 to vector<16xi32>
        %parallel_loop3A_159 = tpu.vector_load_idx %arg8[%parallel_loop3A_112, %parallel_loop3A_158] : memref<128x32xf32, #tpu.memory_space<vmem>>[vector<16xi32>, vector<16xi32>], vector<16xf32>,
        %parallel_loop3A_160 = arith.constant 16 : i32
        %parallel_loop3A_161 = arith.muli %parallel_loop3A_108, %parallel_loop3A_160 : i32
        %parallel_loop3A_162 = arith.constant 0 : i32
        %parallel_loop3A_163 = arith.constant 4 : i32
        %parallel_loop3A_164 = arith.index_cast %parallel_loop3A_162 : i32 to index
        %parallel_loop3A_165 = arith.index_cast %parallel_loop3A_163 : i32 to index
        %parallel_loop3A_166 = arith.index_cast %parallel_loop3A_161 : i32 to index
        %parallel_loop3A_167 = tpu.vector_load %arg10[%parallel_loop3A_164, %parallel_loop3A_165, %parallel_loop3A_166] {strides = array<i32>} : memref<4x8x128xf32, #tpu.memory_space<vmem>>, vector<16xf32>,
        tpu.vector_store %arg10[%parallel_loop3A_164, %parallel_loop3A_165, %parallel_loop3A_166], %parallel_loop3A_159 {strides = array<i32>} : memref<4x8x128xf32, #tpu.memory_space<vmem>>, vector<16xf32>,
        %parallel_loop3A_168 = arith.constant 5 : i32
        %parallel_loop3A_169 = vector.broadcast %parallel_loop3A_168 : i32 to vector<16xi32>
        %parallel_loop3A_170 = tpu.vector_load_idx %arg8[%parallel_loop3A_112, %parallel_loop3A_169] : memref<128x32xf32, #tpu.memory_space<vmem>>[vector<16xi32>, vector<16xi32>], vector<16xf32>,
        %parallel_loop3A_171 = arith.constant 16 : i32
        %parallel_loop3A_172 = arith.muli %parallel_loop3A_108, %parallel_loop3A_171 : i32
        %parallel_loop3A_173 = arith.constant 0 : i32
        %parallel_loop3A_174 = arith.constant 5 : i32
        %parallel_loop3A_175 = arith.index_cast %parallel_loop3A_173 : i32 to index
        %parallel_loop3A_176 = arith.index_cast %parallel_loop3A_174 : i32 to index
        %parallel_loop3A_177 = arith.index_cast %parallel_loop3A_172 : i32 to index
        %parallel_loop3A_178 = tpu.vector_load %arg10[%parallel_loop3A_175, %parallel_loop3A_176, %parallel_loop3A_177] {strides = array<i32>} : memref<4x8x128xf32, #tpu.memory_space<vmem>>, vector<16xf32>,
        tpu.vector_store %arg10[%parallel_loop3A_175, %parallel_loop3A_176, %parallel_loop3A_177], %parallel_loop3A_170 {strides = array<i32>} : memref<4x8x128xf32, #tpu.memory_space<vmem>>, vector<16xf32>,
        %parallel_loop3A_179 = arith.constant 6 : i32
        %parallel_loop3A_180 = vector.broadcast %parallel_loop3A_179 : i32 to vector<16xi32>
        %parallel_loop3A_181 = tpu.vector_load_idx %arg8[%parallel_loop3A_112, %parallel_loop3A_180] : memref<128x32xf32, #tpu.memory_space<vmem>>[vector<16xi32>, vector<16xi32>], vector<16xf32>,
        %parallel_loop3A_182 = arith.constant 16 : i32
        %parallel_loop3A_183 = arith.muli %parallel_loop3A_108, %parallel_loop3A_182 : i32
        %parallel_loop3A_184 = arith.constant 0 : i32
        %parallel_loop3A_185 = arith.constant 6 : i32
        %parallel_loop3A_186 = arith.index_cast %parallel_loop3A_184 : i32 to index
        %parallel_loop3A_187 = arith.index_cast %parallel_loop3A_185 : i32 to index
        %parallel_loop3A_188 = arith.index_cast %parallel_loop3A_183 : i32 to index
        %parallel_loop3A_189 = tpu.vector_load %arg10[%parallel_loop3A_186, %parallel_loop3A_187, %parallel_loop3A_188] {strides = array<i32>} : memref<4x8x128xf32, #tpu.memory_space<vmem>>, vector<16xf32>,
        tpu.vector_store %arg10[%parallel_loop3A_186, %parallel_loop3A_187, %parallel_loop3A_188], %parallel_loop3A_181 {strides = array<i32>} : memref<4x8x128xf32, #tpu.memory_space<vmem>>, vector<16xf32>,
        %parallel_loop3A_190 = arith.constant 7 : i32
        %parallel_loop3A_191 = vector.broadcast %parallel_loop3A_190 : i32 to vector<16xi32>
        %parallel_loop3A_192 = tpu.vector_load_idx %arg8[%parallel_loop3A_112, %parallel_loop3A_191] : memref<128x32xf32, #tpu.memory_space<vmem>>[vector<16xi32>, vector<16xi32>], vector<16xf32>,
        %parallel_loop3A_193 = arith.constant 16 : i32
        %parallel_loop3A_194 = arith.muli %parallel_loop3A_108, %parallel_loop3A_193 : i32
        %parallel_loop3A_195 = arith.constant 0 : i32
        %parallel_loop3A_196 = arith.constant 7 : i32
        %parallel_loop3A_197 = arith.index_cast %parallel_loop3A_195 : i32 to index
        %parallel_loop3A_198 = arith.index_cast %parallel_loop3A_196 : i32 to index
        %parallel_loop3A_199 = arith.index_cast %parallel_loop3A_194 : i32 to index
        %parallel_loop3A_200 = tpu.vector_load %arg10[%parallel_loop3A_197, %parallel_loop3A_198, %parallel_loop3A_199] {strides = array<i32>} : memref<4x8x128xf32, #tpu.memory_space<vmem>>, vector<16xf32>,
        tpu.vector_store %arg10[%parallel_loop3A_197, %parallel_loop3A_198, %parallel_loop3A_199], %parallel_loop3A_192 {strides = array<i32>} : memref<4x8x128xf32, #tpu.memory_space<vmem>>, vector<16xf32>,
        %parallel_loop3A_201 = arith.constant 8 : i32
        %parallel_loop3A_202 = vector.broadcast %parallel_loop3A_201 : i32 to vector<16xi32>
        %parallel_loop3A_203 = tpu.vector_load_idx %arg8[%parallel_loop3A_112, %parallel_loop3A_202] : memref<128x32xf32, #tpu.memory_space<vmem>>[vector<16xi32>, vector<16xi32>], vector<16xf32>,
        %parallel_loop3A_204 = arith.constant 16 : i32
        %parallel_loop3A_205 = arith.muli %parallel_loop3A_108, %parallel_loop3A_204 : i32
        %parallel_loop3A_206 = arith.constant 1 : i32
        %parallel_loop3A_207 = arith.constant 0 : i32
        %parallel_loop3A_208 = arith.index_cast %parallel_loop3A_206 : i32 to index
        %parallel_loop3A_209 = arith.index_cast %parallel_loop3A_207 : i32 to index
        %parallel_loop3A_210 = arith.index_cast %parallel_loop3A_205 : i32 to index
        %parallel_loop3A_211 = tpu.vector_load %arg10[%parallel_loop3A_208, %parallel_loop3A_209, %parallel_loop3A_210] {strides = array<i32>} : memref<4x8x128xf32, #tpu.memory_space<vmem>>, vector<16xf32>,
        tpu.vector_store %arg10[%parallel_loop3A_208, %parallel_loop3A_209, %parallel_loop3A_210], %parallel_loop3A_203 {strides = array<i32>} : memref<4x8x128xf32, #tpu.memory_space<vmem>>, vector<16xf32>,
        %parallel_loop3A_212 = arith.constant 9 : i32
        %parallel_loop3A_213 = vector.broadcast %parallel_loop3A_212 : i32 to vector<16xi32>
        %parallel_loop3A_214 = tpu.vector_load_idx %arg8[%parallel_loop3A_112, %parallel_loop3A_213] : memref<128x32xf32, #tpu.memory_space<vmem>>[vector<16xi32>, vector<16xi32>], vector<16xf32>,
        %parallel_loop3A_215 = arith.constant 16 : i32
        %parallel_loop3A_216 = arith.muli %parallel_loop3A_108, %parallel_loop3A_215 : i32
        %parallel_loop3A_217 = arith.constant 1 : i32
        %parallel_loop3A_218 = arith.constant 1 : i32
        %parallel_loop3A_219 = arith.index_cast %parallel_loop3A_217 : i32 to index
        %parallel_loop3A_220 = arith.index_cast %parallel_loop3A_218 : i32 to index
        %parallel_loop3A_221 = arith.index_cast %parallel_loop3A_216 : i32 to index
        %parallel_loop3A_222 = tpu.vector_load %arg10[%parallel_loop3A_219, %parallel_loop3A_220, %parallel_loop3A_221] {strides = array<i32>} : memref<4x8x128xf32, #tpu.memory_space<vmem>>, vector<16xf32>,
        tpu.vector_store %arg10[%parallel_loop3A_219, %parallel_loop3A_220, %parallel_loop3A_221], %parallel_loop3A_214 {strides = array<i32>} : memref<4x8x128xf32, #tpu.memory_space<vmem>>, vector<16xf32>,
        %parallel_loop3A_223 = arith.constant 10 : i32
        %parallel_loop3A_224 = vector.broadcast %parallel_loop3A_223 : i32 to vector<16xi32>
        %parallel_loop3A_225 = tpu.vector_load_idx %arg8[%parallel_loop3A_112, %parallel_loop3A_224] : memref<128x32xf32, #tpu.memory_space<vmem>>[vector<16xi32>, vector<16xi32>], vector<16xf32>,
        %parallel_loop3A_226 = arith.constant 16 : i32
        %parallel_loop3A_227 = arith.muli %parallel_loop3A_108, %parallel_loop3A_226 : i32
        %parallel_loop3A_228 = arith.constant 1 : i32
        %parallel_loop3A_229 = arith.constant 2 : i32
        %parallel_loop3A_230 = arith.index_cast %parallel_loop3A_228 : i32 to index
        %parallel_loop3A_231 = arith.index_cast %parallel_loop3A_229 : i32 to index
        %parallel_loop3A_232 = arith.index_cast %parallel_loop3A_227 : i32 to index
        %parallel_loop3A_233 = tpu.vector_load %arg10[%parallel_loop3A_230, %parallel_loop3A_231, %parallel_loop3A_232] {strides = array<i32>} : memref<4x8x128xf32, #tpu.memory_space<vmem>>, vector<16xf32>,
        tpu.vector_store %arg10[%parallel_loop3A_230, %parallel_loop3A_231, %parallel_loop3A_232], %parallel_loop3A_225 {strides = array<i32>} : memref<4x8x128xf32, #tpu.memory_space<vmem>>, vector<16xf32>,
        %parallel_loop3A_234 = arith.constant 11 : i32
        %parallel_loop3A_235 = vector.broadcast %parallel_loop3A_234 : i32 to vector<16xi32>
        %parallel_loop3A_236 = tpu.vector_load_idx %arg8[%parallel_loop3A_112, %parallel_loop3A_235] : memref<128x32xf32, #tpu.memory_space<vmem>>[vector<16xi32>, vector<16xi32>], vector<16xf32>,
        %parallel_loop3A_237 = arith.constant 16 : i32
        %parallel_loop3A_238 = arith.muli %parallel_loop3A_108, %parallel_loop3A_237 : i32
        %parallel_loop3A_239 = arith.constant 1 : i32
        %parallel_loop3A_240 = arith.constant 3 : i32
        %parallel_loop3A_241 = arith.index_cast %parallel_loop3A_239 : i32 to index
        %parallel_loop3A_242 = arith.index_cast %parallel_loop3A_240 : i32 to index
        %parallel_loop3A_243 = arith.index_cast %parallel_loop3A_238 : i32 to index
        %parallel_loop3A_244 = tpu.vector_load %arg10[%parallel_loop3A_241, %parallel_loop3A_242, %parallel_loop3A_243] {strides = array<i32>} : memref<4x8x128xf32, #tpu.memory_space<vmem>>, vector<16xf32>,
        tpu.vector_store %arg10[%parallel_loop3A_241, %parallel_loop3A_242, %parallel_loop3A_243], %parallel_loop3A_236 {strides = array<i32>} : memref<4x8x128xf32, #tpu.memory_space<vmem>>, vector<16xf32>,
        %parallel_loop3A_245 = arith.constant 12 : i32
        %parallel_loop3A_246 = vector.broadcast %parallel_loop3A_245 : i32 to vector<16xi32>
        %parallel_loop3A_247 = tpu.vector_load_idx %arg8[%parallel_loop3A_112, %parallel_loop3A_246] : memref<128x32xf32, #tpu.memory_space<vmem>>[vector<16xi32>, vector<16xi32>], vector<16xf32>,
        %parallel_loop3A_248 = arith.constant 16 : i32
        %parallel_loop3A_249 = arith.muli %parallel_loop3A_108, %parallel_loop3A_248 : i32
        %parallel_loop3A_250 = arith.constant 1 : i32
        %parallel_loop3A_251 = arith.constant 4 : i32
        %parallel_loop3A_252 = arith.index_cast %parallel_loop3A_250 : i32 to index
        %parallel_loop3A_253 = arith.index_cast %parallel_loop3A_251 : i32 to index
        %parallel_loop3A_254 = arith.index_cast %parallel_loop3A_249 : i32 to index
        %parallel_loop3A_255 = tpu.vector_load %arg10[%parallel_loop3A_252, %parallel_loop3A_253, %parallel_loop3A_254] {strides = array<i32>} : memref<4x8x128xf32, #tpu.memory_space<vmem>>, vector<16xf32>,
        tpu.vector_store %arg10[%parallel_loop3A_252, %parallel_loop3A_253, %parallel_loop3A_254], %parallel_loop3A_247 {strides = array<i32>} : memref<4x8x128xf32, #tpu.memory_space<vmem>>, vector<16xf32>,
        %parallel_loop3A_256 = arith.constant 13 : i32
        %parallel_loop3A_257 = vector.broadcast %parallel_loop3A_256 : i32 to vector<16xi32>
        %parallel_loop3A_258 = tpu.vector_load_idx %arg8[%parallel_loop3A_112, %parallel_loop3A_257] : memref<128x32xf32, #tpu.memory_space<vmem>>[vector<16xi32>, vector<16xi32>], vector<16xf32>,
        %parallel_loop3A_259 = arith.constant 16 : i32
        %parallel_loop3A_260 = arith.muli %parallel_loop3A_108, %parallel_loop3A_259 : i32
        %parallel_loop3A_261 = arith.constant 1 : i32
        %parallel_loop3A_262 = arith.constant 5 : i32
        %parallel_loop3A_263 = arith.index_cast %parallel_loop3A_261 : i32 to index
        %parallel_loop3A_264 = arith.index_cast %parallel_loop3A_262 : i32 to index
        %parallel_loop3A_265 = arith.index_cast %parallel_loop3A_260 : i32 to index
        %parallel_loop3A_266 = tpu.vector_load %arg10[%parallel_loop3A_263, %parallel_loop3A_264, %parallel_loop3A_265] {strides = array<i32>} : memref<4x8x128xf32, #tpu.memory_space<vmem>>, vector<16xf32>,
        tpu.vector_store %arg10[%parallel_loop3A_263, %parallel_loop3A_264, %parallel_loop3A_265], %parallel_loop3A_258 {strides = array<i32>} : memref<4x8x128xf32, #tpu.memory_space<vmem>>, vector<16xf32>,
        %parallel_loop3A_267 = arith.constant 14 : i32
        %parallel_loop3A_268 = vector.broadcast %parallel_loop3A_267 : i32 to vector<16xi32>
        %parallel_loop3A_269 = tpu.vector_load_idx %arg8[%parallel_loop3A_112, %parallel_loop3A_268] : memref<128x32xf32, #tpu.memory_space<vmem>>[vector<16xi32>, vector<16xi32>], vector<16xf32>,
        %parallel_loop3A_270 = arith.constant 16 : i32
        %parallel_loop3A_271 = arith.muli %parallel_loop3A_108, %parallel_loop3A_270 : i32
        %parallel_loop3A_272 = arith.constant 1 : i32
        %parallel_loop3A_273 = arith.constant 6 : i32
        %parallel_loop3A_274 = arith.index_cast %parallel_loop3A_272 : i32 to index
        %parallel_loop3A_275 = arith.index_cast %parallel_loop3A_273 : i32 to index
        %parallel_loop3A_276 = arith.index_cast %parallel_loop3A_271 : i32 to index
        %parallel_loop3A_277 = tpu.vector_load %arg10[%parallel_loop3A_274, %parallel_loop3A_275, %parallel_loop3A_276] {strides = array<i32>} : memref<4x8x128xf32, #tpu.memory_space<vmem>>, vector<16xf32>,
        tpu.vector_store %arg10[%parallel_loop3A_274, %parallel_loop3A_275, %parallel_loop3A_276], %parallel_loop3A_269 {strides = array<i32>} : memref<4x8x128xf32, #tpu.memory_space<vmem>>, vector<16xf32>,
        %parallel_loop3A_278 = arith.constant 15 : i32
        %parallel_loop3A_279 = vector.broadcast %parallel_loop3A_278 : i32 to vector<16xi32>
        %parallel_loop3A_280 = tpu.vector_load_idx %arg8[%parallel_loop3A_112, %parallel_loop3A_279] : memref<128x32xf32, #tpu.memory_space<vmem>>[vector<16xi32>, vector<16xi32>], vector<16xf32>,
        %parallel_loop3A_281 = arith.constant 16 : i32
        %parallel_loop3A_282 = arith.muli %parallel_loop3A_108, %parallel_loop3A_281 : i32
        %parallel_loop3A_283 = arith.constant 1 : i32
        %parallel_loop3A_284 = arith.constant 7 : i32
        %parallel_loop3A_285 = arith.index_cast %parallel_loop3A_283 : i32 to index
        %parallel_loop3A_286 = arith.index_cast %parallel_loop3A_284 : i32 to index
        %parallel_loop3A_287 = arith.index_cast %parallel_loop3A_282 : i32 to index
        %parallel_loop3A_288 = tpu.vector_load %arg10[%parallel_loop3A_285, %parallel_loop3A_286, %parallel_loop3A_287] {strides = array<i32>} : memref<4x8x128xf32, #tpu.memory_space<vmem>>, vector<16xf32>,
        tpu.vector_store %arg10[%parallel_loop3A_285, %parallel_loop3A_286, %parallel_loop3A_287], %parallel_loop3A_280 {strides = array<i32>} : memref<4x8x128xf32, #tpu.memory_space<vmem>>, vector<16xf32>,
        %parallel_loop3A_289 = arith.constant 16 : i32
        %parallel_loop3A_290 = vector.broadcast %parallel_loop3A_289 : i32 to vector<16xi32>
        %parallel_loop3A_291 = tpu.vector_load_idx %arg8[%parallel_loop3A_112, %parallel_loop3A_290] : memref<128x32xf32, #tpu.memory_space<vmem>>[vector<16xi32>, vector<16xi32>], vector<16xf32>,
        %parallel_loop3A_292 = arith.constant 16 : i32
        %parallel_loop3A_293 = arith.muli %parallel_loop3A_108, %parallel_loop3A_292 : i32
        %parallel_loop3A_294 = arith.constant 2 : i32
        %parallel_loop3A_295 = arith.constant 0 : i32
        %parallel_loop3A_296 = arith.index_cast %parallel_loop3A_294 : i32 to index
        %parallel_loop3A_297 = arith.index_cast %parallel_loop3A_295 : i32 to index
        %parallel_loop3A_298 = arith.index_cast %parallel_loop3A_293 : i32 to index
        %parallel_loop3A_299 = tpu.vector_load %arg10[%parallel_loop3A_296, %parallel_loop3A_297, %parallel_loop3A_298] {strides = array<i32>} : memref<4x8x128xf32, #tpu.memory_space<vmem>>, vector<16xf32>,
        tpu.vector_store %arg10[%parallel_loop3A_296, %parallel_loop3A_297, %parallel_loop3A_298], %parallel_loop3A_291 {strides = array<i32>} : memref<4x8x128xf32, #tpu.memory_space<vmem>>, vector<16xf32>,
        %parallel_loop3A_300 = arith.constant 17 : i32
        %parallel_loop3A_301 = vector.broadcast %parallel_loop3A_300 : i32 to vector<16xi32>
        %parallel_loop3A_302 = tpu.vector_load_idx %arg8[%parallel_loop3A_112, %parallel_loop3A_301] : memref<128x32xf32, #tpu.memory_space<vmem>>[vector<16xi32>, vector<16xi32>], vector<16xf32>,
        %parallel_loop3A_303 = arith.constant 16 : i32
        %parallel_loop3A_304 = arith.muli %parallel_loop3A_108, %parallel_loop3A_303 : i32
        %parallel_loop3A_305 = arith.constant 2 : i32
        %parallel_loop3A_306 = arith.constant 1 : i32
        %parallel_loop3A_307 = arith.index_cast %parallel_loop3A_305 : i32 to index
        %parallel_loop3A_308 = arith.index_cast %parallel_loop3A_306 : i32 to index
        %parallel_loop3A_309 = arith.index_cast %parallel_loop3A_304 : i32 to index
        %parallel_loop3A_310 = tpu.vector_load %arg10[%parallel_loop3A_307, %parallel_loop3A_308, %parallel_loop3A_309] {strides = array<i32>} : memref<4x8x128xf32, #tpu.memory_space<vmem>>, vector<16xf32>,
        tpu.vector_store %arg10[%parallel_loop3A_307, %parallel_loop3A_308, %parallel_loop3A_309], %parallel_loop3A_302 {strides = array<i32>} : memref<4x8x128xf32, #tpu.memory_space<vmem>>, vector<16xf32>,
        %parallel_loop3A_311 = arith.constant 18 : i32
        %parallel_loop3A_312 = vector.broadcast %parallel_loop3A_311 : i32 to vector<16xi32>
        %parallel_loop3A_313 = tpu.vector_load_idx %arg8[%parallel_loop3A_112, %parallel_loop3A_312] : memref<128x32xf32, #tpu.memory_space<vmem>>[vector<16xi32>, vector<16xi32>], vector<16xf32>,
        %parallel_loop3A_314 = arith.constant 16 : i32
        %parallel_loop3A_315 = arith.muli %parallel_loop3A_108, %parallel_loop3A_314 : i32
        %parallel_loop3A_316 = arith.constant 2 : i32
        %parallel_loop3A_317 = arith.constant 2 : i32
        %parallel_loop3A_318 = arith.index_cast %parallel_loop3A_316 : i32 to index
        %parallel_loop3A_319 = arith.index_cast %parallel_loop3A_317 : i32 to index
        %parallel_loop3A_320 = arith.index_cast %parallel_loop3A_315 : i32 to index
        %parallel_loop3A_321 = tpu.vector_load %arg10[%parallel_loop3A_318, %parallel_loop3A_319, %parallel_loop3A_320] {strides = array<i32>} : memref<4x8x128xf32, #tpu.memory_space<vmem>>, vector<16xf32>,
        tpu.vector_store %arg10[%parallel_loop3A_318, %parallel_loop3A_319, %parallel_loop3A_320], %parallel_loop3A_313 {strides = array<i32>} : memref<4x8x128xf32, #tpu.memory_space<vmem>>, vector<16xf32>,
        %parallel_loop3A_322 = arith.constant 19 : i32
        %parallel_loop3A_323 = vector.broadcast %parallel_loop3A_322 : i32 to vector<16xi32>
        %parallel_loop3A_324 = tpu.vector_load_idx %arg8[%parallel_loop3A_112, %parallel_loop3A_323] : memref<128x32xf32, #tpu.memory_space<vmem>>[vector<16xi32>, vector<16xi32>], vector<16xf32>,
        %parallel_loop3A_325 = arith.constant 16 : i32
        %parallel_loop3A_326 = arith.muli %parallel_loop3A_108, %parallel_loop3A_325 : i32
        %parallel_loop3A_327 = arith.constant 2 : i32
        %parallel_loop3A_328 = arith.constant 3 : i32
        %parallel_loop3A_329 = arith.index_cast %parallel_loop3A_327 : i32 to index
        %parallel_loop3A_330 = arith.index_cast %parallel_loop3A_328 : i32 to index
        %parallel_loop3A_331 = arith.index_cast %parallel_loop3A_326 : i32 to index
        %parallel_loop3A_332 = tpu.vector_load %arg10[%parallel_loop3A_329, %parallel_loop3A_330, %parallel_loop3A_331] {strides = array<i32>} : memref<4x8x128xf32, #tpu.memory_space<vmem>>, vector<16xf32>,
        tpu.vector_store %arg10[%parallel_loop3A_329, %parallel_loop3A_330, %parallel_loop3A_331], %parallel_loop3A_324 {strides = array<i32>} : memref<4x8x128xf32, #tpu.memory_space<vmem>>, vector<16xf32>,
        %parallel_loop3A_333 = arith.constant 20 : i32
        %parallel_loop3A_334 = vector.broadcast %parallel_loop3A_333 : i32 to vector<16xi32>
        %parallel_loop3A_335 = tpu.vector_load_idx %arg8[%parallel_loop3A_112, %parallel_loop3A_334] : memref<128x32xf32, #tpu.memory_space<vmem>>[vector<16xi32>, vector<16xi32>], vector<16xf32>,
        %parallel_loop3A_336 = arith.constant 16 : i32
        %parallel_loop3A_337 = arith.muli %parallel_loop3A_108, %parallel_loop3A_336 : i32
        %parallel_loop3A_338 = arith.constant 2 : i32
        %parallel_loop3A_339 = arith.constant 4 : i32
        %parallel_loop3A_340 = arith.index_cast %parallel_loop3A_338 : i32 to index
        %parallel_loop3A_341 = arith.index_cast %parallel_loop3A_339 : i32 to index
        %parallel_loop3A_342 = arith.index_cast %parallel_loop3A_337 : i32 to index
        %parallel_loop3A_343 = tpu.vector_load %arg10[%parallel_loop3A_340, %parallel_loop3A_341, %parallel_loop3A_342] {strides = array<i32>} : memref<4x8x128xf32, #tpu.memory_space<vmem>>, vector<16xf32>,
        tpu.vector_store %arg10[%parallel_loop3A_340, %parallel_loop3A_341, %parallel_loop3A_342], %parallel_loop3A_335 {strides = array<i32>} : memref<4x8x128xf32, #tpu.memory_space<vmem>>, vector<16xf32>,
        %parallel_loop3A_344 = arith.constant 21 : i32
        %parallel_loop3A_345 = vector.broadcast %parallel_loop3A_344 : i32 to vector<16xi32>
        %parallel_loop3A_346 = tpu.vector_load_idx %arg8[%parallel_loop3A_112, %parallel_loop3A_345] : memref<128x32xf32, #tpu.memory_space<vmem>>[vector<16xi32>, vector<16xi32>], vector<16xf32>,
        %parallel_loop3A_347 = arith.constant 16 : i32
        %parallel_loop3A_348 = arith.muli %parallel_loop3A_108, %parallel_loop3A_347 : i32
        %parallel_loop3A_349 = arith.constant 2 : i32
        %parallel_loop3A_350 = arith.constant 5 : i32
        %parallel_loop3A_351 = arith.index_cast %parallel_loop3A_349 : i32 to index
        %parallel_loop3A_352 = arith.index_cast %parallel_loop3A_350 : i32 to index
        %parallel_loop3A_353 = arith.index_cast %parallel_loop3A_348 : i32 to index
        %parallel_loop3A_354 = tpu.vector_load %arg10[%parallel_loop3A_351, %parallel_loop3A_352, %parallel_loop3A_353] {strides = array<i32>} : memref<4x8x128xf32, #tpu.memory_space<vmem>>, vector<16xf32>,
        tpu.vector_store %arg10[%parallel_loop3A_351, %parallel_loop3A_352, %parallel_loop3A_353], %parallel_loop3A_346 {strides = array<i32>} : memref<4x8x128xf32, #tpu.memory_space<vmem>>, vector<16xf32>,
        %parallel_loop3A_355 = arith.constant 22 : i32
        %parallel_loop3A_356 = vector.broadcast %parallel_loop3A_355 : i32 to vector<16xi32>
        %parallel_loop3A_357 = tpu.vector_load_idx %arg8[%parallel_loop3A_112, %parallel_loop3A_356] : memref<128x32xf32, #tpu.memory_space<vmem>>[vector<16xi32>, vector<16xi32>], vector<16xf32>,
        %parallel_loop3A_358 = arith.constant 16 : i32
        %parallel_loop3A_359 = arith.muli %parallel_loop3A_108, %parallel_loop3A_358 : i32
        %parallel_loop3A_360 = arith.constant 2 : i32
        %parallel_loop3A_361 = arith.constant 6 : i32
        %parallel_loop3A_362 = arith.index_cast %parallel_loop3A_360 : i32 to index
        %parallel_loop3A_363 = arith.index_cast %parallel_loop3A_361 : i32 to index
        %parallel_loop3A_364 = arith.index_cast %parallel_loop3A_359 : i32 to index
        %parallel_loop3A_365 = tpu.vector_load %arg10[%parallel_loop3A_362, %parallel_loop3A_363, %parallel_loop3A_364] {strides = array<i32>} : memref<4x8x128xf32, #tpu.memory_space<vmem>>, vector<16xf32>,
        tpu.vector_store %arg10[%parallel_loop3A_362, %parallel_loop3A_363, %parallel_loop3A_364], %parallel_loop3A_357 {strides = array<i32>} : memref<4x8x128xf32, #tpu.memory_space<vmem>>, vector<16xf32>,
        %parallel_loop3A_366 = arith.constant 23 : i32
        %parallel_loop3A_367 = vector.broadcast %parallel_loop3A_366 : i32 to vector<16xi32>
        %parallel_loop3A_368 = tpu.vector_load_idx %arg8[%parallel_loop3A_112, %parallel_loop3A_367] : memref<128x32xf32, #tpu.memory_space<vmem>>[vector<16xi32>, vector<16xi32>], vector<16xf32>,
        %parallel_loop3A_369 = arith.constant 16 : i32
        %parallel_loop3A_370 = arith.muli %parallel_loop3A_108, %parallel_loop3A_369 : i32
        %parallel_loop3A_371 = arith.constant 2 : i32
        %parallel_loop3A_372 = arith.constant 7 : i32
        %parallel_loop3A_373 = arith.index_cast %parallel_loop3A_371 : i32 to index
        %parallel_loop3A_374 = arith.index_cast %parallel_loop3A_372 : i32 to index
        %parallel_loop3A_375 = arith.index_cast %parallel_loop3A_370 : i32 to index
        %parallel_loop3A_376 = tpu.vector_load %arg10[%parallel_loop3A_373, %parallel_loop3A_374, %parallel_loop3A_375] {strides = array<i32>} : memref<4x8x128xf32, #tpu.memory_space<vmem>>, vector<16xf32>,
        tpu.vector_store %arg10[%parallel_loop3A_373, %parallel_loop3A_374, %parallel_loop3A_375], %parallel_loop3A_368 {strides = array<i32>} : memref<4x8x128xf32, #tpu.memory_space<vmem>>, vector<16xf32>,
        %parallel_loop3A_377 = arith.constant 24 : i32
        %parallel_loop3A_378 = vector.broadcast %parallel_loop3A_377 : i32 to vector<16xi32>
        %parallel_loop3A_379 = tpu.vector_load_idx %arg8[%parallel_loop3A_112, %parallel_loop3A_378] : memref<128x32xf32, #tpu.memory_space<vmem>>[vector<16xi32>, vector<16xi32>], vector<16xf32>,
        %parallel_loop3A_380 = arith.constant 16 : i32
        %parallel_loop3A_381 = arith.muli %parallel_loop3A_108, %parallel_loop3A_380 : i32
        %parallel_loop3A_382 = arith.constant 3 : i32
        %parallel_loop3A_383 = arith.constant 0 : i32
        %parallel_loop3A_384 = arith.index_cast %parallel_loop3A_382 : i32 to index
        %parallel_loop3A_385 = arith.index_cast %parallel_loop3A_383 : i32 to index
        %parallel_loop3A_386 = arith.index_cast %parallel_loop3A_381 : i32 to index
        %parallel_loop3A_387 = tpu.vector_load %arg10[%parallel_loop3A_384, %parallel_loop3A_385, %parallel_loop3A_386] {strides = array<i32>} : memref<4x8x128xf32, #tpu.memory_space<vmem>>, vector<16xf32>,
        tpu.vector_store %arg10[%parallel_loop3A_384, %parallel_loop3A_385, %parallel_loop3A_386], %parallel_loop3A_379 {strides = array<i32>} : memref<4x8x128xf32, #tpu.memory_space<vmem>>, vector<16xf32>,
        %parallel_loop3A_388 = arith.constant 25 : i32
        %parallel_loop3A_389 = vector.broadcast %parallel_loop3A_388 : i32 to vector<16xi32>
        %parallel_loop3A_390 = tpu.vector_load_idx %arg8[%parallel_loop3A_112, %parallel_loop3A_389] : memref<128x32xf32, #tpu.memory_space<vmem>>[vector<16xi32>, vector<16xi32>], vector<16xf32>,
        %parallel_loop3A_391 = arith.constant 16 : i32
        %parallel_loop3A_392 = arith.muli %parallel_loop3A_108, %parallel_loop3A_391 : i32
        %parallel_loop3A_393 = arith.constant 3 : i32
        %parallel_loop3A_394 = arith.constant 1 : i32
        %parallel_loop3A_395 = arith.index_cast %parallel_loop3A_393 : i32 to index
        %parallel_loop3A_396 = arith.index_cast %parallel_loop3A_394 : i32 to index
        %parallel_loop3A_397 = arith.index_cast %parallel_loop3A_392 : i32 to index
        %parallel_loop3A_398 = tpu.vector_load %arg10[%parallel_loop3A_395, %parallel_loop3A_396, %parallel_loop3A_397] {strides = array<i32>} : memref<4x8x128xf32, #tpu.memory_space<vmem>>, vector<16xf32>,
        tpu.vector_store %arg10[%parallel_loop3A_395, %parallel_loop3A_396, %parallel_loop3A_397], %parallel_loop3A_390 {strides = array<i32>} : memref<4x8x128xf32, #tpu.memory_space<vmem>>, vector<16xf32>,
        %parallel_loop3A_399 = arith.constant 26 : i32
        %parallel_loop3A_400 = vector.broadcast %parallel_loop3A_399 : i32 to vector<16xi32>
        %parallel_loop3A_401 = tpu.vector_load_idx %arg8[%parallel_loop3A_112, %parallel_loop3A_400] : memref<128x32xf32, #tpu.memory_space<vmem>>[vector<16xi32>, vector<16xi32>], vector<16xf32>,
        %parallel_loop3A_402 = arith.constant 16 : i32
        %parallel_loop3A_403 = arith.muli %parallel_loop3A_108, %parallel_loop3A_402 : i32
        %parallel_loop3A_404 = arith.constant 3 : i32
        %parallel_loop3A_405 = arith.constant 2 : i32
        %parallel_loop3A_406 = arith.index_cast %parallel_loop3A_404 : i32 to index
        %parallel_loop3A_407 = arith.index_cast %parallel_loop3A_405 : i32 to index
        %parallel_loop3A_408 = arith.index_cast %parallel_loop3A_403 : i32 to index
        %parallel_loop3A_409 = tpu.vector_load %arg10[%parallel_loop3A_406, %parallel_loop3A_407, %parallel_loop3A_408] {strides = array<i32>} : memref<4x8x128xf32, #tpu.memory_space<vmem>>, vector<16xf32>,
        tpu.vector_store %arg10[%parallel_loop3A_406, %parallel_loop3A_407, %parallel_loop3A_408], %parallel_loop3A_401 {strides = array<i32>} : memref<4x8x128xf32, #tpu.memory_space<vmem>>, vector<16xf32>,
        %parallel_loop3A_410 = arith.constant 27 : i32
        %parallel_loop3A_411 = vector.broadcast %parallel_loop3A_410 : i32 to vector<16xi32>
        %parallel_loop3A_412 = tpu.vector_load_idx %arg8[%parallel_loop3A_112, %parallel_loop3A_411] : memref<128x32xf32, #tpu.memory_space<vmem>>[vector<16xi32>, vector<16xi32>], vector<16xf32>,
        %parallel_loop3A_413 = arith.constant 16 : i32
        %parallel_loop3A_414 = arith.muli %parallel_loop3A_108, %parallel_loop3A_413 : i32
        %parallel_loop3A_415 = arith.constant 3 : i32
        %parallel_loop3A_416 = arith.constant 3 : i32
        %parallel_loop3A_417 = arith.index_cast %parallel_loop3A_415 : i32 to index
        %parallel_loop3A_418 = arith.index_cast %parallel_loop3A_416 : i32 to index
        %parallel_loop3A_419 = arith.index_cast %parallel_loop3A_414 : i32 to index
        %parallel_loop3A_420 = tpu.vector_load %arg10[%parallel_loop3A_417, %parallel_loop3A_418, %parallel_loop3A_419] {strides = array<i32>} : memref<4x8x128xf32, #tpu.memory_space<vmem>>, vector<16xf32>,
        tpu.vector_store %arg10[%parallel_loop3A_417, %parallel_loop3A_418, %parallel_loop3A_419], %parallel_loop3A_412 {strides = array<i32>} : memref<4x8x128xf32, #tpu.memory_space<vmem>>, vector<16xf32>,
        %parallel_loop3A_421 = arith.constant 28 : i32
        %parallel_loop3A_422 = vector.broadcast %parallel_loop3A_421 : i32 to vector<16xi32>
        %parallel_loop3A_423 = tpu.vector_load_idx %arg8[%parallel_loop3A_112, %parallel_loop3A_422] : memref<128x32xf32, #tpu.memory_space<vmem>>[vector<16xi32>, vector<16xi32>], vector<16xf32>,
        %parallel_loop3A_424 = arith.constant 16 : i32
        %parallel_loop3A_425 = arith.muli %parallel_loop3A_108, %parallel_loop3A_424 : i32
        %parallel_loop3A_426 = arith.constant 3 : i32
        %parallel_loop3A_427 = arith.constant 4 : i32
        %parallel_loop3A_428 = arith.index_cast %parallel_loop3A_426 : i32 to index
        %parallel_loop3A_429 = arith.index_cast %parallel_loop3A_427 : i32 to index
        %parallel_loop3A_430 = arith.index_cast %parallel_loop3A_425 : i32 to index
        %parallel_loop3A_431 = tpu.vector_load %arg10[%parallel_loop3A_428, %parallel_loop3A_429, %parallel_loop3A_430] {strides = array<i32>} : memref<4x8x128xf32, #tpu.memory_space<vmem>>, vector<16xf32>,
        tpu.vector_store %arg10[%parallel_loop3A_428, %parallel_loop3A_429, %parallel_loop3A_430], %parallel_loop3A_423 {strides = array<i32>} : memref<4x8x128xf32, #tpu.memory_space<vmem>>, vector<16xf32>,
        %parallel_loop3A_432 = arith.constant 29 : i32
        %parallel_loop3A_433 = vector.broadcast %parallel_loop3A_432 : i32 to vector<16xi32>
        %parallel_loop3A_434 = tpu.vector_load_idx %arg8[%parallel_loop3A_112, %parallel_loop3A_433] : memref<128x32xf32, #tpu.memory_space<vmem>>[vector<16xi32>, vector<16xi32>], vector<16xf32>,
        %parallel_loop3A_435 = arith.constant 16 : i32
        %parallel_loop3A_436 = arith.muli %parallel_loop3A_108, %parallel_loop3A_435 : i32
        %parallel_loop3A_437 = arith.constant 3 : i32
        %parallel_loop3A_438 = arith.constant 5 : i32
        %parallel_loop3A_439 = arith.index_cast %parallel_loop3A_437 : i32 to index
        %parallel_loop3A_440 = arith.index_cast %parallel_loop3A_438 : i32 to index
        %parallel_loop3A_441 = arith.index_cast %parallel_loop3A_436 : i32 to index
        %parallel_loop3A_442 = tpu.vector_load %arg10[%parallel_loop3A_439, %parallel_loop3A_440, %parallel_loop3A_441] {strides = array<i32>} : memref<4x8x128xf32, #tpu.memory_space<vmem>>, vector<16xf32>,
        tpu.vector_store %arg10[%parallel_loop3A_439, %parallel_loop3A_440, %parallel_loop3A_441], %parallel_loop3A_434 {strides = array<i32>} : memref<4x8x128xf32, #tpu.memory_space<vmem>>, vector<16xf32>,
        %parallel_loop3A_443 = arith.constant 30 : i32
        %parallel_loop3A_444 = vector.broadcast %parallel_loop3A_443 : i32 to vector<16xi32>
        %parallel_loop3A_445 = tpu.vector_load_idx %arg8[%parallel_loop3A_112, %parallel_loop3A_444] : memref<128x32xf32, #tpu.memory_space<vmem>>[vector<16xi32>, vector<16xi32>], vector<16xf32>,
        %parallel_loop3A_446 = arith.constant 16 : i32
        %parallel_loop3A_447 = arith.muli %parallel_loop3A_108, %parallel_loop3A_446 : i32
        %parallel_loop3A_448 = arith.constant 3 : i32
        %parallel_loop3A_449 = arith.constant 6 : i32
        %parallel_loop3A_450 = arith.index_cast %parallel_loop3A_448 : i32 to index
        %parallel_loop3A_451 = arith.index_cast %parallel_loop3A_449 : i32 to index
        %parallel_loop3A_452 = arith.index_cast %parallel_loop3A_447 : i32 to index
        %parallel_loop3A_453 = tpu.vector_load %arg10[%parallel_loop3A_450, %parallel_loop3A_451, %parallel_loop3A_452] {strides = array<i32>} : memref<4x8x128xf32, #tpu.memory_space<vmem>>, vector<16xf32>,
        tpu.vector_store %arg10[%parallel_loop3A_450, %parallel_loop3A_451, %parallel_loop3A_452], %parallel_loop3A_445 {strides = array<i32>} : memref<4x8x128xf32, #tpu.memory_space<vmem>>, vector<16xf32>,
        %parallel_loop3A_454 = arith.constant 31 : i32
        %parallel_loop3A_455 = vector.broadcast %parallel_loop3A_454 : i32 to vector<16xi32>
        %parallel_loop3A_456 = tpu.vector_load_idx %arg8[%parallel_loop3A_112, %parallel_loop3A_455] : memref<128x32xf32, #tpu.memory_space<vmem>>[vector<16xi32>, vector<16xi32>], vector<16xf32>,
        %parallel_loop3A_457 = arith.constant 16 : i32
        %parallel_loop3A_458 = arith.muli %parallel_loop3A_108, %parallel_loop3A_457 : i32
        %parallel_loop3A_459 = arith.constant 3 : i32
        %parallel_loop3A_460 = arith.constant 7 : i32
        %parallel_loop3A_461 = arith.index_cast %parallel_loop3A_459 : i32 to index
        %parallel_loop3A_462 = arith.index_cast %parallel_loop3A_460 : i32 to index
        %parallel_loop3A_463 = arith.index_cast %parallel_loop3A_458 : i32 to index
        %parallel_loop3A_464 = tpu.vector_load %arg10[%parallel_loop3A_461, %parallel_loop3A_462, %parallel_loop3A_463] {strides = array<i32>} : memref<4x8x128xf32, #tpu.memory_space<vmem>>, vector<16xf32>,
        tpu.vector_store %arg10[%parallel_loop3A_461, %parallel_loop3A_462, %parallel_loop3A_463], %parallel_loop3A_456 {strides = array<i32>} : memref<4x8x128xf32, #tpu.memory_space<vmem>>, vector<16xf32>,
      } {sc.loop_unroll_factor = 1 : i64, sc.parallel_access}
      %add3A_95 = arith.constant 1 : i32
      %add3A_96 = arith.addi %mul3A_41, %add3A_95 : i32
      %dma_start3A_97 = arith.constant 0 : i32
      %dma_start3A_98 = arith.constant 0 : i32
      %dma_start3A_99 = arith.constant 0 : i32
      %dma_start3A_100 = tpu.memref_slice %arg4[%add3A_96, %dma_start3A_97, %add3A, %dma_start3A_98, %dma_start3A_99] : memref<50x4x32x8x128xf32, #tpu.memory_space<hbm>> -> memref<1x4x1x8x128xf32, #tpu.memory_space<hbm>>
      %dma_start3A_101 = tpu.memref_squeeze %dma_start3A_100 : memref<1x4x1x8x128xf32, #tpu.memory_space<hbm>> -> memref<4x8x128xf32, #tpu.memory_space<hbm>>
      %dma_start3A_102 = arith.constant 0 : i32
      %dma_start3A_103 = arith.constant 0 : i32
      %dma_start3A_104 = arith.constant 0 : i32
      %dma_start3A_105 = tpu.memref_slice %arg4[%add3A_96, %dma_start3A_102, %add3A, %dma_start3A_103, %dma_start3A_104] : memref<50x4x32x8x128xf32, #tpu.memory_space<hbm>> -> memref<1x4x1x8x128xf32, #tpu.memory_space<hbm>>
      %dma_start3A_106 = tpu.memref_squeeze %dma_start3A_105 : memref<1x4x1x8x128xf32, #tpu.memory_space<hbm>> -> memref<4x8x128xf32, #tpu.memory_space<hbm>>
      tpu.enqueue_dma source(%arg10 : memref<4x8x128xf32, #tpu.memory_space<vmem>>) target(%dma_start3A_106 : memref<4x8x128xf32, #tpu.memory_space<hbm>>) target_semaphore(%arg14 : memref<!tpu.dma_semaphore, #tpu.memory_space<semaphore_mem>>)
      %scan3A_107 = arith.constant 0 : i32
      scf.yield %scan3A_107 : i32
    }
    %scan3A_16 = arith.constant 25 : i32
    %dma_wait3A = arith.constant 48 : i32
    %dma_wait3A_17 = arith.constant 0 : i32
    %dma_wait3A_18 = arith.constant 0 : i32
    %dma_wait3A_19 = arith.constant 0 : i32
    %dma_wait3A_20 = tpu.memref_slice %arg4[%dma_wait3A, %dma_wait3A_17, %add3A, %dma_wait3A_18, %dma_wait3A_19] : memref<50x4x32x8x128xf32, #tpu.memory_space<hbm>> -> memref<1x4x1x8x128xf32, #tpu.memory_space<hbm>>
    %dma_wait3A_21 = tpu.memref_squeeze %dma_wait3A_20 : memref<1x4x1x8x128xf32, #tpu.memory_space<hbm>> -> memref<4x8x128xf32, #tpu.memory_space<hbm>>
    %dma_wait3A_22 = arith.constant 0 : i32
    %dma_wait3A_23 = arith.constant 0 : i32
    %dma_wait3A_24 = arith.constant 0 : i32
    %dma_wait3A_25 = tpu.memref_slice %arg4[%dma_wait3A, %dma_wait3A_22, %add3A, %dma_wait3A_23, %dma_wait3A_24] : memref<50x4x32x8x128xf32, #tpu.memory_space<hbm>> -> memref<1x4x1x8x128xf32, #tpu.memory_space<hbm>>
    %dma_wait3A_26 = tpu.memref_squeeze %dma_wait3A_25 : memref<1x4x1x8x128xf32, #tpu.memory_space<hbm>> -> memref<4x8x128xf32, #tpu.memory_space<hbm>>
    tpu.wait_dma2 semaphore(%arg13 : memref<!tpu.dma_semaphore, #tpu.memory_space<semaphore_mem>>) src(%arg9 : memref<4x8x128xf32, #tpu.memory_space<vmem>>) dst(%dma_wait3A_26 : memref<4x8x128xf32, #tpu.memory_space<hbm>>)
    %dma_wait3A_27 = arith.constant 49 : i32
    %dma_wait3A_28 = arith.constant 0 : i32
    %dma_wait3A_29 = arith.constant 0 : i32
    %dma_wait3A_30 = arith.constant 0 : i32
    %dma_wait3A_31 = tpu.memref_slice %arg4[%dma_wait3A_27, %dma_wait3A_28, %add3A, %dma_wait3A_29, %dma_wait3A_30] : memref<50x4x32x8x128xf32, #tpu.memory_space<hbm>> -> memref<1x4x1x8x128xf32, #tpu.memory_space<hbm>>
    %dma_wait3A_32 = tpu.memref_squeeze %dma_wait3A_31 : memref<1x4x1x8x128xf32, #tpu.memory_space<hbm>> -> memref<4x8x128xf32, #tpu.memory_space<hbm>>
    %dma_wait3A_33 = arith.constant 0 : i32
    %dma_wait3A_34 = arith.constant 0 : i32
    %dma_wait3A_35 = arith.constant 0 : i32
    %dma_wait3A_36 = tpu.memref_slice %arg4[%dma_wait3A_27, %dma_wait3A_33, %add3A, %dma_wait3A_34, %dma_wait3A_35] : memref<50x4x32x8x128xf32, #tpu.memory_space<hbm>> -> memref<1x4x1x8x128xf32, #tpu.memory_space<hbm>>
    %dma_wait3A_37 = tpu.memref_squeeze %dma_wait3A_36 : memref<1x4x1x8x128xf32, #tpu.memory_space<hbm>> -> memref<4x8x128xf32, #tpu.memory_space<hbm>>
    tpu.wait_dma2 semaphore(%arg14 : memref<!tpu.dma_semaphore, #tpu.memory_space<semaphore_mem>>) src(%arg10 : memref<4x8x128xf32, #tpu.memory_space<vmem>>) dst(%dma_wait3A_37 : memref<4x8x128xf32, #tpu.memory_space<hbm>>)
    return
  }
}

module attributes {stable_mosaic.version = 14 : i64} {
  func.func @_tc_transpose_body(%arg0: i32, %arg1: memref<32x2048xf32, #tpu.memory_space<vmem>>, %arg2: memref<32x2048xf32, #tpu.memory_space<vmem>>, %arg3: memref<32x2048xf32, #tpu.memory_space<vmem>>, %arg4: memref<32x2048xf32, #tpu.memory_space<vmem>>, %arg5: memref<2048x128xf32, #tpu.memory_space<vmem>>) attributes {dimension_semantics = [#tpu.dimension_semantics<arbitrary>], iteration_bounds = array<i64: 123>, scalar_prefetch = 0 : i64, scratch_operands = 0 : i64, tpu.core_type = #tpu.core_type<tc>, window_params = [{transform_indices = @transform_0, window_bounds = array<i64: 32, 2048>}, {transform_indices = @transform_1, window_bounds = array<i64: 32, 2048>}, {transform_indices = @transform_2, window_bounds = array<i64: 32, 2048>}, {transform_indices = @transform_3, window_bounds = array<i64: 32, 2048>}, {transform_indices = @transform_4, window_bounds = array<i64: 2048, 128>}]} {
    %get3A = arith.constant 0 : index
    %get3A_0 = arith.constant 0 : index
    %get3A_1 = vector.load %arg1[%get3A, %get3A_0] : memref<32x2048xf32, #tpu.memory_space<vmem>>, vector<32x2048xf32>
    %get3A_2 = arith.constant 0 : index
    %get3A_3 = arith.constant 0 : index
    %get3A_4 = vector.load %arg2[%get3A_2, %get3A_3] : memref<32x2048xf32, #tpu.memory_space<vmem>>, vector<32x2048xf32>
    %get3A_5 = arith.constant 0 : index
    %get3A_6 = arith.constant 0 : index
    %get3A_7 = vector.load %arg3[%get3A_5, %get3A_6] : memref<32x2048xf32, #tpu.memory_space<vmem>>, vector<32x2048xf32>
    %get3A_8 = arith.constant 0 : index
    %get3A_9 = arith.constant 0 : index
    %get3A_10 = vector.load %arg4[%get3A_8, %get3A_9] : memref<32x2048xf32, #tpu.memory_space<vmem>>, vector<32x2048xf32>
    %concatenate3A = tpu.concatenate %get3A_1, %get3A_4, %get3A_7, %get3A_10 in 0 : vector<32x2048xf32>, vector<32x2048xf32>, vector<32x2048xf32>, vector<32x2048xf32> -> vector<128x2048xf32>
    %transpose3A = tpu.transpose %concatenate3A, [1, 0] : vector<128x2048xf32> -> vector<2048x128xf32>
    %swap3A = arith.constant 0 : index
    %swap3A_11 = arith.constant 0 : index
    %swap3A_12 = vector.load %arg5[%swap3A, %swap3A_11] : memref<2048x128xf32, #tpu.memory_space<vmem>>, vector<2048x128xf32>
    tpu.vector_store %arg5[%swap3A, %swap3A_11], %transpose3A {strides = array<i32>} : memref<2048x128xf32, #tpu.memory_space<vmem>>, vector<2048x128xf32>,
    return
  }
  func.func @transform_0(%arg0: i32) -> (i32, i32) {
    %mul3A = arith.constant 4 : i32
    %mul3A_0 = arith.muli %mul3A, %arg0 : i32
    %add3A = arith.constant 0 : i32
    %add3A_1 = arith.addi %mul3A_0, %add3A : i32
    %min3A = arith.constant 488 : i32
    %min3A_2 = arith.minsi %add3A_1, %min3A : i32
    %c0_i32 = arith.constant 0 : i32
    %c0_i32_3 = arith.constant 0 : i32
    return %c0_i32, %min3A_2 : i32, i32
  }
  func.func @transform_1(%arg0: i32) -> (i32, i32) {
    %mul3A = arith.constant 4 : i32
    %mul3A_0 = arith.muli %mul3A, %arg0 : i32
    %add3A = arith.constant 1 : i32
    %add3A_1 = arith.addi %mul3A_0, %add3A : i32
    %min3A = arith.constant 488 : i32
    %min3A_2 = arith.minsi %add3A_1, %min3A : i32
    %c0_i32 = arith.constant 0 : i32
    %c0_i32_3 = arith.constant 0 : i32
    return %c0_i32, %min3A_2 : i32, i32
  }
  func.func @transform_2(%arg0: i32) -> (i32, i32) {
    %mul3A = arith.constant 4 : i32
    %mul3A_0 = arith.muli %mul3A, %arg0 : i32
    %add3A = arith.constant 2 : i32
    %add3A_1 = arith.addi %mul3A_0, %add3A : i32
    %min3A = arith.constant 488 : i32
    %min3A_2 = arith.minsi %add3A_1, %min3A : i32
    %c0_i32 = arith.constant 0 : i32
    %c0_i32_3 = arith.constant 0 : i32
    return %c0_i32, %min3A_2 : i32, i32
  }
  func.func @transform_3(%arg0: i32) -> (i32, i32) {
    %mul3A = arith.constant 4 : i32
    %mul3A_0 = arith.muli %mul3A, %arg0 : i32
    %add3A = arith.constant 3 : i32
    %add3A_1 = arith.addi %mul3A_0, %add3A : i32
    %min3A = arith.constant 488 : i32
    %min3A_2 = arith.minsi %add3A_1, %min3A : i32
    %c0_i32 = arith.constant 0 : i32
    %c0_i32_3 = arith.constant 0 : i32
    return %c0_i32, %min3A_2 : i32, i32
  }
  func.func @transform_4(%arg0: i32) -> (i32, i32) {
    %c0_i32 = arith.constant 0 : i32
    %c0_i32_0 = arith.constant 0 : i32
    return %arg0, %c0_i32 : i32, i32
  }
}

</mosaic_0001>

<sc_bundles>
// kernel: kernel.4.cloned.1.call-start
scs
__scs_entry_jumppad:
0x0: {  	(pc) =	sbr.rel $0x88, $3  }
0x1: {  	(tag) =	ssettag $0x0;
	lr =	simm.s32 $0x1  }
0x2: {  	[smem:$0x3F9F] =	sst lr;
	_ =	strace $0xD0000000  }
0x3: {  	_ = 	snop  }
0x4: {  	_ = 	snop  }
0x5: {  	_ = 	snop  }
0x6: {  	_ = 	snop  }
0x7: {  	_ = 	snop  }
__scs_overlays_trampoline_lowered:
0x8: {  	[smem:$0x3FAE] =	sst s0  }
0x9: {  	[smem:$0x3FAF] =	sst s1  }
0xa: {  	[smem:$0x3FB0] =	sst s2  }
0xb: {  	[smem:$0x3FB1] =	sst s3  }
0xc: {  	[smem:$0x3FB2] =	sst s4  }
0xd: {  	[smem:$0x3FB3] =	sst s5  }
0xe: {  	[smem:$0x3FB4] =	sst s6  }
0xf: {  	[smem:$0x3FB5] =	sst s7  }
0x10: {  	[smem:$0x3FB6] =	sst s8  }
0x11: {  	[smem:$0x3FB7] =	sst s9;
	s0 =	simm.s32 @!p0 $0x0  }
0x12: {  	s1 =	sld [smem:$0x3F9D];
	s0 =	simm.s32 @p0 $0x1  }
0x13: {  	[smem:$0x3FB8] =	sst s0;
	s0 =	simm.s32 @!p1 $0x0  }
0x14: {  	s2 =	sld [smem:$0x3F9C];
	s0 =	simm.s32 @p1 $0x1  }
0x15: {  	[smem:$0x3FB9] =	sst s0;
	s0 =	simm.s32 @!p2 $0x0  }
0x16: {  	s3 =	sld [smem:$0x3FDB];
	s0 =	simm.s32 @p2 $0x1  }
0x17: {  	s4 =	simm.s32 $0x1BF5;
	[smem:$0x3FBB] =	sst s0  }
0x18: {  	s0 =	sld [smem:$0x3F9E];
	_ =	swait.ge [sflag:s4], $0x0  }
0x19: {  	s7 =	sld [smem:$0x3F9F]  }
0x1a: {  	s8 =	sadd.s32 $0xFFFFE003, lr  }
0x1b: {  	s9 =	sadd.s32 $0xFFFFFEF7, lr;
	s5 =	simm.s32 $0xFFFFFFFF;
	p2 =	slt.u32 s8, $0xFFFFF086  }
0x1c: {  	p1 =	slt.u32 s9, $0xF7A;
	s5 =	simm.s32 @!p2 $0x0  }
0x1d: {  	s5 =	simm.s32 @p1 $0x1;
	p0 =	seq.s32 s7, s2  }
0x1e: {  	s7 =	smul.u32 @!p0 $0xF7A, s2;
	p2 =	seq.s32 @!p0 s5, $0x0  }
0x1f: {  	s9 =	smul.u32 $0xF7A, s1;
	s8 =	simm.s32 @!p0 $0x1BF5;
	p2 =	por !p2, p0  }
0x20: {  	[sflag:s8] =	ssyncset.s32 @!p0 $0xFFFFF086;
	s6 =	sadd.s32 @!p0 s3, s7;
	s7 =	simm.s32 @!p0 $0x108  }
0x21: {  	s3 =	sadd.s32 s3, s9;
	s6 =	sadd.s32 @!p0 $0x88, s6;
	s7 =	simm.s32 @p2 $0x1082  }
0x22: {  	[simem:s7], [sflag:s8] =	dma.local @!p0 [hbm:s6], $0xF7A  }
0x23: {  	s9 =	sor.u32 $0xD0000000, s2;
	s6 =	simm.s32 $0x108;
	_ =	swait.ge @!p0 [sflag:s8], $0x0  }
0x24: {  	s3 =	sadd.s32 $0x88, s3;
	s6 =	simm.s32 @!p1 $0x1082;
	[sflag:s4] =	ssyncset.s32 $0xFFFFF086  }
0x25: {  	[simem:s6], [sflag:s4] =	dma.local [hbm:s3], $0xF7A  }
0x26: {  	[smem:$0x3F9F] =	sst s1;
	(tag) =	ssettag s2;
	_ =	strace s9  }
0x27: {  	s1 =	sld [smem:$0x3FAF]  }
0x28: {  	s2 =	sld [smem:$0x3FB0]  }
0x29: {  	s4 =	sld [smem:$0x3FB2]  }
0x2a: {  	p0 =	seq.s32 s5, $0x0;
	s5 =	sld [smem:$0x3FB3]  }
0x2b: {  	s6 =	sld [smem:$0x3FB4]  }
0x2c: {  	s7 =	sld [smem:$0x3FB5]  }
0x2d: {  	s3 =	simm.s32 $0x108;
	s8 =	sld [smem:$0x3FB6]  }
0x2e: {  	s3 =	simm.s32 @!p0 $0x1082;
	s9 =	sld [smem:$0x3FB7]  }
0x2f: {  	lr =	sadd.s32 s0, s3;
	s0 =	sld [smem:$0x3FAE]  }
0x30: {  	s3 =	sld [smem:$0x3FB1]  }
0x31: {  	[smem:$0x3FBA] =	sst s10  }
0x32: {  	s10 =	sld [smem:$0x3FB8];
	_ =	sdelay $0x3  }
0x33: {  	p0 =	seq.s32 s10, $0x1;
	s10 =	sld [smem:$0x3FBA];
	_ =	sdelay $0x3  }
0x34: {  	[smem:$0x3FBA] =	sst s10  }
0x35: {  	s10 =	sld [smem:$0x3FB9];
	_ =	sdelay $0x3  }
0x36: {  	p1 =	seq.s32 s10, $0x1;
	s10 =	sld [smem:$0x3FBA];
	_ =	sdelay $0x3  }
0x37: {  	[smem:$0x3FBA] =	sst s10  }
0x38: {  	s10 =	sld [smem:$0x3FBB]  }
0x39: {  	_ = 	snop;
	(pc) =	sbr.ind lr, $3  }
0x3a: {  	_ = 	snop  }
0x3b: {  	_ = 	snop  }
0x3c: {  	p2 =	seq.s32 s10, $0x1;
	s10 =	sld [smem:$0x3FBA]  }
0x3d: {  	_ =	shalt  }
0x3e: {  	_ =	shalt  }
0x3f: {  	_ =	shalt  }
0x40: {  	_ =	shalt  }
0x41: {  	_ =	shalt  }
0x42: {  	_ =	shalt  }
0x43: {  	_ =	shalt  }
0x44: {  	_ =	shalt  }
0x45: {  	_ =	shalt  }
0x46: {  	_ =	shalt  }
0x47: {  	_ =	shalt  }
0x48: {  	_ =	shalt  }
0x49: {  	_ =	shalt  }
0x4a: {  	_ =	shalt  }
0x4b: {  	_ =	shalt  }
0x4c: {  	_ =	shalt  }
0x4d: {  	_ =	shalt  }
0x4e: {  	_ =	shalt  }
0x4f: {  	_ =	shalt  }
0x50: {  	_ =	shalt  }
0x51: {  	_ =	shalt  }
0x52: {  	_ =	shalt  }
0x53: {  	_ =	shalt  }
0x54: {  	_ =	shalt  }
0x55: {  	_ =	shalt  }
0x56: {  	_ =	shalt  }
0x57: {  	_ =	shalt  }
0x58: {  	_ =	shalt  }
0x59: {  	_ =	shalt  }
0x5a: {  	_ =	shalt  }
0x5b: {  	_ =	shalt  }
0x5c: {  	_ =	shalt  }
0x5d: {  	_ =	shalt  }
0x5e: {  	_ =	shalt  }
0x5f: {  	_ =	shalt  }
0x60: {  	_ =	shalt  }
0x61: {  	_ =	shalt  }
0x62: {  	_ =	shalt  }
0x63: {  	_ =	shalt  }
0x64: {  	_ =	shalt  }
0x65: {  	_ =	shalt  }
0x66: {  	_ =	shalt  }
0x67: {  	_ =	shalt  }
0x68: {  	_ =	shalt  }
0x69: {  	_ =	shalt  }
0x6a: {  	_ =	shalt  }
0x6b: {  	_ =	shalt  }
0x6c: {  	_ =	shalt  }
0x6d: {  	_ =	shalt  }
0x6e: {  	_ =	shalt  }
0x6f: {  	_ =	shalt  }
0x70: {  	_ =	shalt  }
0x71: {  	_ =	shalt  }
0x72: {  	_ =	shalt  }
0x73: {  	_ =	shalt  }
0x74: {  	_ =	shalt  }
0x75: {  	_ =	shalt  }
0x76: {  	_ =	shalt  }
0x77: {  	_ =	shalt  }
0x78: {  	_ =	shalt  }
0x79: {  	_ =	shalt  }
0x7a: {  	_ =	shalt  }
0x7b: {  	_ =	shalt  }
0x7c: {  	_ =	shalt  }
0x7d: {  	_ =	shalt  }
0x7e: {  	_ =	shalt  }
0x7f: {  	_ =	shalt  }
0x80: {  	_ =	shalt  }
0x81: {  	_ =	shalt  }
0x82: {  	_ =	shalt  }
0x83: {  	_ =	shalt  }
0x84: {  	_ =	shalt  }
0x85: {  	_ =	shalt  }
0x86: {  	_ =	shalt  }
0x87: {  	_ =	shalt  }
.Lfunc_end0:
.L_simem_size_0:
called_computation_lowered:
.L_overlay_start_0:
0x88: {  	s2 =	sld [smem:$0x3FD9]  }
0x89: {  	s3 =	sld [smem:$0x3FFE];
	_ =	sdelay $0x1  }
0x8a: {  	s1 =	srdreg.scid  }
0x8b: {  	s0 =	sand.u32 $0x1, s1  }
0x8c: {  	s17 =	sshll.u32 s0, $0xA;
	s2 =	sadd.s32 s3, s2  }
0x8d: {  	s2 =	sadd.s32 s2, s17  }
0x8e: {  	[smem:$0x3FC6] =	sst s2  }
0x8f: {  	_ = 	snop  }
0x90: {  	s2 =	sld [smem:$0x3FD0];
	(tm) =	ssettm $0x1  }
0x91: {  	s18 =	sld [smem:$0x3FFB];
	_ =	sdelay $0x3  }
0x92: {  	_ =	strace s18  }
0x93: {  	s3 =	sld [smem:$0x3FFC];
	_ =	sdelay $0x3  }
0x94: {  	_ =	strace s3  }
0x95: {  	s3 =	sld [smem:$0x3FFD];
	_ =	sdelay $0x3  }
0x96: {  	_ =	strace s3  }
0x97: {  	_ =	strace $0x8FFFFFFF  }
0x98: {  	s19 =	sld [smem:$0x3FDB];
	_ =	sdelay $0x1  }
0x99: {  	s4 =	simm.s32 $_scs_section_size  }
0x9a: {  	s5 =	simm.s32 $_size__tile_overlayer_lowered;
	s6 =	simm.s32 $_tile_overlayer_lowered  }
0x9b: {  	s22 =	simm.s32 $0x1BFF;
	s21 =	sshll.u32 s6, $0x1;
	s3 =	sadd.s32 s4, s19  }
0x9c: {  	s7 =	simm.s32 $0x0;
	s20 =	sshll.u32 s5, $0x1;
	s5 =	sadd.s32 s21, s3  }
0x9d: {  	[timem:s7], [sflag:s22] =	dma.local [hbm:s5], s20  }
0x9e: {  	_ =	swait.ge [sflag:s22], s20  }
0x9f: {  	s4 =	ssub.s32 $0x0, s20;
	[sflag:s22] =	ssyncset.done $0x0  }
0xa0: {  	[sflag:s22] =	ssyncadd.s32 s4;
	_ =	sdelay $0x1  }
0xa1: {  	s23 =	simm.s32 $0x1B8B  }
0xa2: {  	_ =	swait.ge [sflag:s23], $0x1  }
0xa3: {  	[sflag:s23] =	ssyncset.done $0x0  }
0xa4: {  	s25 =	simm.s32 $0x1B8E;
	s24 =	sld [smem:$0x3FFE];
	[sflag:s23] =	ssyncadd.s32 $0xFFFFFFFF  }
0xa5: {  	s26 =	simm.s32 $execute0_lowered;
	[smem:$0x3FD2] =	sst s25  }
0xa6: {  	s5 =	sshll.u32 s26, $0x1;
	_ =	strace $0x80000046;
	[dreg:$0x1] =	wrdreg $0xFFFFFFFF  }
0xa7: {  	s28 =	simm.s32 $_size_execute0_lowered;
	s3 =	sadd.s32 s3, s5;
	[dreg:$0x0] =	wrdreg $0x0  }
0xa8: {  	s5 =	sshll.u32 s28, $0x1;
	[dreg:$0x2] =	wrdreg s3  }
0xa9: {  	[dreg:$0x3] =	wrdreg s5  }
0xaa: {  	[dreg:$0x4] =	wrdreg $0xC0  }
0xab: {  	_ =	task [dreg:s7], $0x5FFFF  }
0xac: {  	[dreg:$0x1] =	wrdreg $0xFFFFFFFF  }
0xad: {  	[dreg:$0x0] =	wrdreg $0x60  }
0xae: {  	[dreg:$0x2] =	wrdreg s24  }
0xaf: {  	[dreg:$0x3] =	wrdreg s2  }
0xb0: {  	[dreg:$0x4] =	wrdreg $0x9  }
0xb1: {  	_ =	task.clear_ibuf [dreg:s7], $0x5FFFF;
	_ =	strace $0x90000046  }
0xb2: {  	s29 =	simm.s32 $0x9;
	_ =	strace $0x80000048  }
0xb3: {  	_ =	swait.ge [sflag:s29], $0x1  }
0xb4: {  	[sflag:s29] =	ssyncadd.s32 $0xFFFFFFFF  }
0xb5: {  	_ =	strace $0x90000048  }
0xb6: {  	_ =	sfence  }
0xb7: {  	s30 =	sld [smem:$0x0];
	_ =	sdelay $0x2  }
0xb8: {  	s31 =	sshll.u32 s1, $0xD;
	s1 =	sshrl.u32 s1, $0x2  }
0xb9: {  	s3 =	sand.u32 $0x4000, s31;
	s1 =	sadd.s32 s1, s30  }
0xba: {  	s0 =	sor.u32 s3, s0;
	s1 =	sshll.u32 s1, $0x11  }
0xbb: {  	s0 =	sor.u32 s1, s0  }
0xbc: {  	s0 =	sadd.s32 $0x8F2B, s0  }
0xbd: {  	[sflag:s0] =	ssyncadd.remote.s32 $0x1  }
0xbe: {  	_ =	sfence.sel $0xFFFF  }
0xbf: {  	[dreg:$0x0] =	wrdreg $0xFFFFFFFF;
	(pc) =	sbr.abs _section_cstart, $3  }
0xc0: {  	[dreg:$0x1] =	wrdreg $0xFFFFFFFF  }
0xc1: {  	_ =	task.clear_ibuf [dreg:s7], $0x2FFFF;
	_ =	strace $0x9FFFFFFF  }
0xc2: {  	(tm) =	ssettm $0x7FFFFFFF  }
0xc3: {  	_ =	shalt  }
tec
execute0_lowered:
.L_overlay_start_1:
0x0: {  	(tag) =	ssettag $0x1  }
0x1: {  	s0 =	rddreg [dreg:$0x0]  }
0x2: {  	s2 =	rddreg [dreg:$0x1];
	s1 =	srdreg.scid  }
0x3: {  	s4 =	stileid.u32;
	s3 =	simm.s32 $0x0;
	s8 =	simm.s32 $0x80  }
0x4: {  	s10 =	simm.s32 $0x5;
	s11 =	simm.s32 $0x1900;
	s12 =	simm.s32 $0x3200  }
0x5: {  	s13 =	simm.s32 $0x4200;
	s14 =	simm.s32 $0x1;
	s15 =	simm.s32 $0x400  }
0x6: {  	s16 =	simm.s32 $0x8000;
	s17 =	simm.s32 $0x5200;
	s18 =	simm.s32 $0x2  }
0x7: {  	s19 =	simm.s32 $0x4;
	s20 =	simm.s32 $0x6200;
	s21 =	simm.s32 $0x3  }
0x8: {  	s22 =	simm.s32 $0x0;
	s1 =	sand.u32 $0x1, s1;
	s4 =	sshll.u32 s4, $0x1  }
0x9: {  	[smem:$0x7FF] =	sst s3;
	s6 =	sor.u32 s1, s4;
	s1 =	ssub.s32 $0x2, s1  }
0xa: {  	_ =	strace $0x80000047;
	s4 =	sshll.u32 s6, $0x4;
	s5 =	sshrl.u32 s1, $0x1  }
0xb: {  	v0 =	vlaneseq.u32;
	s6 =	sshll.u32 s6, $0xA;
	s7 =	sadd.s32 s4, s0;
	s31 =	ssub.s32 s1, s5  }
0xc: {  	v0 =	vmul.u32 $0x20, v0;
	s4 =	sadd.s32 $0x6800, s0;
	s5 =	sadd.s32 $0x400, s7;
	s7 =	smax.u32 s31, $0x1  }
.LBB2_1:
0xd: {  	s0 =	simm.s32 $0x1000  }
0xe: {  	[tilespmem:s3], [sflag:$0x5] =	stream.strided.gather [hbm4b:s5+s8], $0x1900, s0, s8, $0x38;
	[tilespmem:$0x7200] =	vst v63  }
0xf: {  	_ =	swait.ge [sflag:s10], $0x1900  }
0x10: {  	[sflag:s10] =	ssyncset.done $0x0  }
0x11: {  	s0 =	simm.s32 $0x0;
	[sflag:s10] =	ssyncadd.s32 $0xFFFFE700  }
0x12: {  	v1 =	vld [tilespmem:s0+$0x70]  }
0x13: {  	v2 =	vld [tilespmem:s0+$0x0]  }
0x14: {  	v3 =	vld [tilespmem:s0+$0x10]  }
0x15: {  	v4 =	vld [tilespmem:s0+$0x20]  }
0x16: {  	v6 =	vld [tilespmem:s0+$0x30]  }
0x17: {  	v7 =	vld [tilespmem:s0+$0x40]  }
0x18: {  	v9 =	vld [tilespmem:s0+$0x50]  }
0x19: {  	v5 =	vshll.u32 v1, $0x2  }
0x1a: {  	v8 =	vand.u32 $0xFFFFE000, v1;
	v1 =	vshrl.u32 v1, $0xB;
	v10 =	vshll.u32 v2, $0x2  }
0x1b: {  	v12 =	vshll.u32 v4, $0x2;
	v16 =	vand.u32 $0xFFFFE000, v2;
	v20 =	vand.u32 $0xFFFFE000, v3  }
0x1c: {  	v21 =	vand.u32 $0xFFFFE000, v4;
	v4 =	vshrl.u32 v4, $0xB;
	v22 =	vand.u32 $0xFFFFE000, v6  }
0x1d: {  	v23 =	vand.u32 $0xFFFFE000, v7;
	v15 =	vand.u32 $0xFFFFE000, v9;
	v5 =	vand.u32 $0x1FFC, v5  }
0x1e: {  	v11 =	vld [tilespmem:s0+$0x60];
	v1 =	vand.u32 $0x3, v1;
	v14 =	vand.u32 $0x1FFC, v10;
	v12 =	vand.u32 $0x1FFC, v12  }
0x1f: {  	v10 =	vshrl.u32 v9, $0xB;
	v5 =	vor.u32 v8, v5;
	v8 =	vshll.u32 v3, $0x2  }
0x20: {  	v3 =	vshrl.u32 v3, $0xB;
	v13 =	vor.u32 v1, v5;
	v17 =	vand.u32 $0x1FFC, v8  }
0x21: {  	v1 =	vshll.u32 v6, $0x2;
	v5 =	vshll.u32 v9, $0x2;
	v8 =	vshrl.u32 v6, $0xB  }
0x22: {  	v6 =	vshrl.u32 v7, $0xB;
	v18 =	vand.u32 $0x1FFC, v1;
	v1 =	vshll.u32 v7, $0x2  }
0x23: {  	v7 =	vor.u32 v16, v14;
	v16 =	vand.u32 $0xFFFFE000, v11;
	v9 =	vor.u32 v20, v17  }
0x24: {  	v14 =	vshrl.u32 v11, $0xB;
	[tilespmem:s0+$0x1970] =	vst v13;
	v13 =	vor.u32 v21, v12;
	v19 =	vand.u32 $0x1FFC, v1  }
0x25: {  	v1 =	vshrl.u32 v2, $0xB;
	v2 =	vand.u32 $0x1FFC, v5;
	v5 =	vshll.u32 v11, $0x2  }
0x26: {  	s23 =	simm.s32 $0x80;
	s1 =	simm.s32 $0x400;
	v11 =	vor.u32 v22, v18;
	v5 =	vand.u32 $0x1FFC, v5;
	v12 =	vor.u32 v23, v19  }
.LBB2_2:
0x27: {  	p0 =	sne.s32 s1, $0x6200;
	v17 =	vld [tilespmem:s23+$0x70];
	v1 =	vand.u32 $0x3, v1;
	v2 =	vor.u32 v15, v2;
	v5 =	vor.u32 v16, v5  }
0x28: {  	v3 =	vand.u32 $0x3, v3;
	v4 =	vand.u32 $0x3, v4;
	v8 =	vand.u32 $0x3, v8;
	v15 =	vld [tilespmem:s23+$0x0]  }
0x29: {  	v6 =	vand.u32 $0x3, v6;
	v10 =	vand.u32 $0x3, v10;
	v14 =	vand.u32 $0x3, v14;
	v16 =	vld [tilespmem:s23+$0x10]  }
0x2a: {  	v1 =	vor.u32 v1, v7;
	v3 =	vor.u32 v3, v9;
	v4 =	vor.u32 v4, v13;
	v18 =	vld [tilespmem:s23+$0x20]  }
0x2b: {  	v6 =	vor.u32 v6, v12;
	v2 =	vor.u32 v10, v2;
	v7 =	vld [tilespmem:s23+$0x30];
	[tilespmem:s0+$0x1900] =	vst v1;
	v1 =	vor.u32 v8, v11  }
0x2c: {  	v9 =	vld [tilespmem:s23+$0x40];
	v8 =	vshll.u32 v17, $0x2;
	[tilespmem:s0+$0x1910] =	vst v3;
	v3 =	vor.u32 v14, v5  }
0x2d: {  	v5 =	vand.u32 $0xFFFFE000, v17;
	v11 =	vshrl.u32 v17, $0xB;
	v10 =	vld [tilespmem:s23+$0x50];
	v8 =	vand.u32 $0x1FFC, v8;
	[tilespmem:s0+$0x1920] =	vst v4  }
0x2e: {  	v4 =	vshll.u32 v15, $0x2;
	v12 =	vld [tilespmem:s23+$0x60];
	v5 =	vor.u32 v5, v8;
	v8 =	vand.u32 $0x3, v11;
	[tilespmem:s0+$0x1930] =	vst v1  }
0x2f: {  	v1 =	vshll.u32 v16, $0x2;
	v11 =	vshll.u32 v18, $0x2;
	v5 =	vor.u32 v8, v5;
	[tilespmem:s0+$0x1940] =	vst v6  }
0x30: {  	v13 =	vand.u32 $0x1FFC, v4;
	v14 =	vand.u32 $0x1FFC, v1;
	v1 =	vshll.u32 v7, $0x2;
	[tilespmem:s23+$0x1970] =	vst v5  }
0x31: {  	v11 =	vand.u32 $0x1FFC, v11;
	v17 =	vand.u32 $0x1FFC, v1;
	v1 =	vshll.u32 v9, $0x2;
	[tilespmem:s0+$0x1950] =	vst v2  }
0x32: {  	v19 =	vand.u32 $0xFFFFE000, v15;
	v20 =	vand.u32 $0x1FFC, v1;
	v2 =	vshll.u32 v10, $0x2;
	[tilespmem:s0+$0x1960] =	vst v3;
	s0 =	smov.u32 s23  }
0x33: {  	v1 =	vshrl.u32 v15, $0xB;
	v2 =	vand.u32 $0x1FFC, v2;
	v4 =	vshll.u32 v12, $0x2  }
0x34: {  	v21 =	vand.u32 $0xFFFFE000, v16;
	v3 =	vshrl.u32 v16, $0xB;
	v5 =	vand.u32 $0x1FFC, v4  }
.Ltmp0:
0x35: {  	v22 =	vand.u32 $0xFFFFE000, v18;
	v4 =	vshrl.u32 v18, $0xB;
	v18 =	vand.u32 $0xFFFFE000, v7;
	(pc) =	sbr.rel @p0 .LBB2_2-.Ltmp0, $4  }
0x36: {  	v8 =	vshrl.u32 v7, $0xB;
	v23 =	vand.u32 $0xFFFFE000, v9;
	v6 =	vshrl.u32 v9, $0xB  }
0x37: {  	v15 =	vand.u32 $0xFFFFE000, v10;
	v10 =	vshrl.u32 v10, $0xB;
	v16 =	vand.u32 $0xFFFFE000, v12  }
0x38: {  	v9 =	vor.u32 v21, v14;
	v14 =	vshrl.u32 v12, $0xB;
	v7 =	vor.u32 v19, v13  }
0x39: {  	s23 =	sshra.s32 s1, $0x2;
	s1 =	sadd.s32 $0x200, s1;
	v12 =	vor.u32 v23, v20;
	v13 =	vor.u32 v22, v11;
	v11 =	vor.u32 v18, v17  }
0x3a: {  	v17 =	vld [tilespmem:s23+$0x70]  }
0x3b: {  	v37 =	vld [tilespmem:s23+$0x0]  }
0x3c: {  	v38 =	vld [tilespmem:s23+$0x10]  }
0x3d: {  	v1 =	vand.u32 $0x3, v1;
	v2 =	vor.u32 v15, v2;
	v18 =	vld [tilespmem:s23+$0x20]  }
0x3e: {  	v5 =	vor.u32 v16, v5;
	v3 =	vand.u32 $0x3, v3;
	v4 =	vand.u32 $0x3, v4;
	v39 =	vld [tilespmem:s23+$0x30]  }
0x3f: {  	v8 =	vand.u32 $0x3, v8;
	v6 =	vand.u32 $0x3, v6;
	v10 =	vand.u32 $0x3, v10;
	v40 =	vld [tilespmem:s23+$0x40]  }
0x40: {  	v14 =	vand.u32 $0x3, v14;
	v42 =	vld [tilespmem:s23+$0x50];
	v1 =	vor.u32 v1, v7;
	v3 =	vor.u32 v3, v9  }
0x41: {  	v46 =	vld [tilespmem:s23+$0x60];
	v4 =	vor.u32 v4, v13;
	v8 =	vor.u32 v8, v11;
	v6 =	vor.u32 v6, v12  }
0x42: {  	v2 =	vor.u32 v10, v2;
	v5 =	vor.u32 v14, v5;
	v41 =	vshll.u32 v17, $0x2  }
0x43: {  	v43 =	vand.u32 $0xFFFFE000, v17;
	v44 =	vshrl.u32 v17, $0xB;
	v45 =	vshll.u32 v37, $0x2  }
0x44: {  	v48 =	vshll.u32 v38, $0x2;
	v19 =	vshll.u32 v18, $0x2;
	v50 =	vshll.u32 v39, $0x2  }
0x45: {  	[tilespmem:s0+$0x1900] =	vst v1;
	v20 =	vshll.u32 v40, $0x2;
	v1 =	vand.u32 $0xFFFFE000, v37;
	v21 =	vshll.u32 v42, $0x2  }
0x46: {  	[tilespmem:s0+$0x1910] =	vst v3;
	v3 =	vshrl.u32 v37, $0xB;
	v52 =	vshll.u32 v46, $0x2;
	v53 =	vand.u32 $0xFFFFE000, v38  }
0x47: {  	v16 =	vshrl.u32 v38, $0xB;
	v54 =	vand.u32 $0xFFFFE000, v18;
	v18 =	vshrl.u32 v18, $0xB  }
0x48: {  	v22 =	vand.u32 $0xFFFFE000, v39;
	v55 =	vshrl.u32 v39, $0xB;
	v56 =	vand.u32 $0xFFFFE000, v40  }
0x49: {  	v9 =	vshrl.u32 v40, $0xB;
	v57 =	vand.u32 $0xFFFFE000, v42;
	v11 =	vshrl.u32 v42, $0xB  }
0x4a: {  	[tilespmem:s0+$0x1950] =	vst v2;
	v2 =	vand.u32 $0xFFFFE000, v46;
	v58 =	vshrl.u32 v46, $0xB;
	v10 =	vand.u32 $0x1FFC, v41  }
0x4b: {  	[tilespmem:s0+$0x1920] =	vst v4;
	v47 =	vand.u32 $0x3, v44;
	v49 =	vand.u32 $0x1FFC, v45;
	v13 =	vand.u32 $0x1FFC, v48  }
0x4c: {  	[tilespmem:s0+$0x1930] =	vst v8;
	v19 =	vand.u32 $0x1FFC, v19;
	v14 =	vand.u32 $0x1FFC, v50;
	v20 =	vand.u32 $0x1FFC, v20  }
0x4d: {  	[tilespmem:s0+$0x1940] =	vst v6;
	v51 =	vand.u32 $0x1FFC, v21;
	v21 =	vand.u32 $0x1FFC, v52;
	v10 =	vor.u32 v43, v10  }
0x4e: {  	[tilespmem:s0+$0x1960] =	vst v5;
	v3 =	vand.u32 $0x3, v3;
	v1 =	vor.u32 v1, v49;
	v10 =	vor.u32 v47, v10  }
0x4f: {  	v59 =	vand.u32 $0x3, v16;
	v4 =	vor.u32 v53, v13;
	v1 =	vor.u32 v3, v1;
	[tilespmem:s23+$0x1970] =	vst v10  }
0x50: {  	v60 =	vand.u32 $0x3, v18;
	v3 =	vor.u32 v54, v19;
	v4 =	vor.u32 v59, v4;
	[tilespmem:s23+$0x1900] =	vst v1  }
0x51: {  	v62 =	vand.u32 $0x3, v9;
	v61 =	vor.u32 v56, v20;
	v3 =	vor.u32 v60, v3;
	[tilespmem:s23+$0x1910] =	vst v4  }
0x52: {  	v6 =	vand.u32 $0x3, v55;
	v1 =	vor.u32 v22, v14;
	v4 =	vor.u32 v62, v61;
	[tilespmem:s23+$0x1920] =	vst v3  }
0x53: {  	v63 =	vand.u32 $0x3, v11;
	v1 =	vor.u32 v6, v1;
	v3 =	vor.u32 v57, v51;
	[tilespmem:s23+$0x1940] =	vst v4  }
0x54: {  	[tilespmem:s23+$0x1930] =	vst v1;
	v1 =	vor.u32 v2, v21;
	v2 =	vand.u32 $0x3, v58;
	v3 =	vor.u32 v63, v3  }
0x55: {  	v1 =	vor.u32 v2, v1;
	[tilespmem:s23+$0x1950] =	vst v3  }
0x56: {  	s24 =	simm.s32 $0x0;
	[tilespmem:s23+$0x1960] =	vst v1;
	s23 =	simm.s32 $0x0  }
0x57: {  	[tilespmem:s12], [sflag:$0x1] =	stream.indirect.gather [hbm4b:s4+s8], $0x20, s11, s8, $0xb8;
	[tilespmem:$0x7200] =	vst v63  }
.LBB2_4:
0x58: {  	s25 =	sshllo.u32 s24, $0x1  }
0x59: {  	s0 =	sshll.u32 s25, $0x7  }
0x5a: {  	s0 =	sand.u32 $0x3FFFFF80, s0  }
0x5b: {  	s0 =	sadd.s32 $0x1900, s0  }
0x5c: {  	v1 =	vmov s23;
	[tilespmem:s13], [sflag:$0x2] =	stream.indirect.gather [hbm4b:s4+s8], $0x20, s0, s8, $0xb8;
	[tilespmem:$0x7200] =	vst v63  }
0x5d: {  	v1 =	vshll.u32 v1, $0x5;
	_ =	swait.ge [sflag:s14], $0x1000  }
0x5e: {  	p0 =	seq.s32 s24, $0x0;
	v1 =	vor.u32 v0, v1;
	[sflag:s14] =	ssyncset.done $0x0  }
0x5f: {  	s0 =	simm.s32 @!p0 $0x3;
	[sflag:s14] =	ssyncadd.s32 $0xFFFFF000  }
0x60: {  	_ =	swait.ge @!p0 [sflag:s0], $0x1000  }
0x61: {  	[sflag:s0] =	ssyncset.done @!p0 $0x0  }
0x62: {  	[sflag:s0] =	ssyncadd.s32 @!p0 $0xFFFFF000  }
0x63: {  	v2 =	vld.idx.msk [tilespmem:v1+s12+$0x0], $0xffff  }
0x64: {  	v3 =	vor.u32 $0x1, v1;
	_ =	sdelay $0x2  }
0x65: {  	s26 =	simm.s32 $0x5A00  }
0x66: {  	[tilespmem:s26+$0xFFFFF800] =	vst v2  }
0x67: {  	v2 =	vld.idx.msk [tilespmem:v3+s12+$0x0], $0xffff  }
0x68: {  	v3 =	vor.u32 $0x2, v1;
	_ =	sdelay $0x3  }
0x69: {  	[tilespmem:s26+$0xFFFFF880] =	vst v2  }
0x6a: {  	v2 =	vld.idx.msk [tilespmem:v3+s12+$0x0], $0xffff  }
0x6b: {  	v3 =	vor.u32 $0x3, v1;
	_ =	sdelay $0x3  }
0x6c: {  	[tilespmem:s26+$0xFFFFF900] =	vst v2  }
0x6d: {  	v2 =	vld.idx.msk [tilespmem:v3+s12+$0x0], $0xffff  }
0x6e: {  	v3 =	vor.u32 $0x4, v1  }
0x6f: {  	s9 =	simm.s32 $0x10  }
0x70: {  	v4 =	vmov s9  }
0x71: {  	v4 =	vshll.u32 v4, $0x5  }
0x72: {  	[tilespmem:s26+$0xFFFFF980] =	vst v2;
	v2 =	vor.u32 v0, v4  }
0x73: {  	v3 =	vld.idx.msk [tilespmem:v3+s12+$0x0], $0xffff  }
0x74: {  	v4 =	vor.u32 $0x5, v1;
	_ =	sdelay $0x2  }
0x75: {  	v5 =	vld.idx.msk [tilespmem:v2+s12+$0x0], $0xffff  }
0x76: {  	[tilespmem:s26+$0xFFFFFA00] =	vst v3;
	v3 =	vor.u32 $0x1, v2  }
0x77: {  	v4 =	vld.idx.msk [tilespmem:v4+s12+$0x0], $0xffff  }
0x78: {  	v6 =	vor.u32 $0x6, v1  }
0x79: {  	s28 =	simm.s32 $0x5A10  }
0x7a: {  	[tilespmem:s28+$0xFFFFF800] =	vst v5  }
0x7b: {  	v3 =	vld.idx.msk [tilespmem:v3+s12+$0x0], $0xffff  }
0x7c: {  	[tilespmem:s26+$0xFFFFFA80] =	vst v4;
	v4 =	vor.u32 $0x2, v2  }
0x7d: {  	v5 =	vld.idx.msk [tilespmem:v6+s12+$0x0], $0xffff  }
0x7e: {  	v6 =	vor.u32 $0x7, v1;
	_ =	sdelay $0x1  }
0x7f: {  	[tilespmem:s28+$0xFFFFF880] =	vst v3  }
0x80: {  	v3 =	vld.idx.msk [tilespmem:v4+s12+$0x0], $0xffff  }
0x81: {  	v4 =	vor.u32 $0x3, v2;
	[tilespmem:s26+$0xFFFFFB00] =	vst v5  }
0x82: {  	v5 =	vld.idx.msk [tilespmem:v6+s12+$0x0], $0xffff  }
0x83: {  	v6 =	vor.u32 $0x8, v1;
	_ =	sdelay $0x1  }
0x84: {  	[tilespmem:s28+$0xFFFFF900] =	vst v3  }
0x85: {  	v3 =	vld.idx.msk [tilespmem:v4+s12+$0x0], $0xffff  }
0x86: {  	v4 =	vor.u32 $0x4, v2;
	[tilespmem:s26+$0xFFFFFB80] =	vst v5  }
0x87: {  	s1 =	simm.s32 $0x20;
	v5 =	vld.idx.msk [tilespmem:v6+s12+$0x0], $0xffff  }
0x88: {  	v7 =	vmov s1;
	v6 =	vor.u32 $0x9, v1  }
0x89: {  	v7 =	vshll.u32 v7, $0x5  }
0x8a: {  	[tilespmem:s28+$0xFFFFF980] =	vst v3;
	v3 =	vor.u32 v0, v7  }
0x8b: {  	v4 =	vld.idx.msk [tilespmem:v4+s12+$0x0], $0xffff  }
0x8c: {  	[tilespmem:s26+$0xFFFFFC00] =	vst v5;
	v5 =	vor.u32 $0x5, v2  }
0x8d: {  	v6 =	vld.idx.msk [tilespmem:v6+s12+$0x0], $0xffff  }
0x8e: {  	v7 =	vor.u32 $0xA, v1  }
0x8f: {  	v8 =	vld.idx.msk [tilespmem:v3+s12+$0x0], $0xffff  }
0x90: {  	[tilespmem:s28+$0xFFFFFA00] =	vst v4;
	v4 =	vor.u32 $0x1, v3  }
0x91: {  	v5 =	vld.idx.msk [tilespmem:v5+s12+$0x0], $0xffff  }
0x92: {  	[tilespmem:s26+$0xFFFFFC80] =	vst v6;
	v6 =	vor.u32 $0x6, v2  }
0x93: {  	s29 =	simm.s32 $0x5A20;
	v7 =	vld.idx.msk [tilespmem:v7+s12+$0x0], $0xffff  }
0x94: {  	[tilespmem:s29+$0xFFFFF800] =	vst v8;
	v8 =	vor.u32 $0xB, v1  }
0x95: {  	v4 =	vld.idx.msk [tilespmem:v4+s12+$0x0], $0xffff  }
0x96: {  	[tilespmem:s28+$0xFFFFFA80] =	vst v5;
	v5 =	vor.u32 $0x2, v3  }
0x97: {  	v6 =	vld.idx.msk [tilespmem:v6+s12+$0x0], $0xffff  }
0x98: {  	[tilespmem:s26+$0xFFFFFD00] =	vst v7;
	v7 =	vor.u32 $0x7, v2  }
0x99: {  	v8 =	vld.idx.msk [tilespmem:v8+s12+$0x0], $0xffff  }
0x9a: {  	[tilespmem:s29+$0xFFFFF880] =	vst v4;
	v4 =	vor.u32 $0xC, v1  }
0x9b: {  	v5 =	vld.idx.msk [tilespmem:v5+s12+$0x0], $0xffff  }
0x9c: {  	[tilespmem:s28+$0xFFFFFB00] =	vst v6;
	v6 =	vor.u32 $0x3, v3  }
0x9d: {  	v7 =	vld.idx.msk [tilespmem:v7+s12+$0x0], $0xffff  }
0x9e: {  	[tilespmem:s26+$0xFFFFFD80] =	vst v8;
	v8 =	vor.u32 $0x8, v2  }
0x9f: {  	v4 =	vld.idx.msk [tilespmem:v4+s12+$0x0], $0xffff  }
0xa0: {  	[tilespmem:s29+$0xFFFFF900] =	vst v5;
	v5 =	vor.u32 $0xD, v1  }
0xa1: {  	v6 =	vld.idx.msk [tilespmem:v6+s12+$0x0], $0xffff  }
0xa2: {  	[tilespmem:s28+$0xFFFFFB80] =	vst v7;
	v7 =	vor.u32 $0x4, v3  }
0xa3: {  	v8 =	vld.idx.msk [tilespmem:v8+s12+$0x0], $0xffff  }
0xa4: {  	s9 =	simm.s32 $0x30;
	v9 =	vor.u32 $0x9, v2;
	[tilespmem:s26+$0xFFFFFE00] =	vst v4  }
0xa5: {  	v4 =	vmov s9;
	v5 =	vld.idx.msk [tilespmem:v5+s12+$0x0], $0xffff  }
0xa6: {  	v4 =	vshll.u32 v4, $0x5;
	[tilespmem:s29+$0xFFFFF980] =	vst v6;
	v6 =	vor.u32 $0xE, v1  }
0xa7: {  	v4 =	vor.u32 v0, v4;
	v7 =	vld.idx.msk [tilespmem:v7+s12+$0x0], $0xffff  }
0xa8: {  	[tilespmem:s28+$0xFFFFFC00] =	vst v8;
	v8 =	vor.u32 $0x5, v3  }
0xa9: {  	v9 =	vld.idx.msk [tilespmem:v9+s12+$0x0], $0xffff  }
0xaa: {  	[tilespmem:s26+$0xFFFFFE80] =	vst v5;
	v5 =	vor.u32 $0xA, v2  }
0xab: {  	v6 =	vld.idx.msk [tilespmem:v6+s12+$0x0], $0xffff  }
0xac: {  	v10 =	vld.idx.msk [tilespmem:v4+s12+$0x0], $0xffff;
	[tilespmem:s29+$0xFFFFFA00] =	vst v7;
	v7 =	vor.u32 $0xF, v1  }
0xad: {  	v11 =	vor.u32 $0x1, v4;
	v8 =	vld.idx.msk [tilespmem:v8+s12+$0x0], $0xffff  }
0xae: {  	[tilespmem:s28+$0xFFFFFC80] =	vst v9;
	v9 =	vor.u32 $0x6, v3  }
0xaf: {  	v5 =	vld.idx.msk [tilespmem:v5+s12+$0x0], $0xffff  }
0xb0: {  	s30 =	simm.s32 $0x5A30;
	[tilespmem:s26+$0xFFFFFF00] =	vst v6;
	v6 =	vor.u32 $0xB, v2  }
0xb1: {  	[tilespmem:s30+$0xFFFFF800] =	vst v10;
	v7 =	vld.idx.msk [tilespmem:v7+s12+$0x0], $0xffff  }
0xb2: {  	v10 =	vld.idx.msk [tilespmem:v11+s12+$0x0], $0xffff;
	[tilespmem:s29+$0xFFFFFA80] =	vst v8;
	v8 =	vor.u32 $0x10, v1  }
0xb3: {  	v11 =	vor.u32 $0x2, v4;
	v9 =	vld.idx.msk [tilespmem:v9+s12+$0x0], $0xffff  }
0xb4: {  	[tilespmem:s28+$0xFFFFFD00] =	vst v5;
	v5 =	vor.u32 $0x7, v3  }
0xb5: {  	v6 =	vld.idx.msk [tilespmem:v6+s12+$0x0], $0xffff  }
0xb6: {  	[tilespmem:s26+$0xFFFFFF80] =	vst v7;
	v7 =	vor.u32 $0xC, v2  }
0xb7: {  	[tilespmem:s30+$0xFFFFF880] =	vst v10;
	v8 =	vld.idx.msk [tilespmem:v8+s12+$0x0], $0xffff  }
0xb8: {  	v10 =	vld.idx.msk [tilespmem:v11+s12+$0x0], $0xffff;
	[tilespmem:s29+$0xFFFFFB00] =	vst v9;
	v9 =	vor.u32 $0x11, v1  }
0xb9: {  	v11 =	vor.u32 $0x3, v4;
	v5 =	vld.idx.msk [tilespmem:v5+s12+$0x0], $0xffff  }
0xba: {  	[tilespmem:s28+$0xFFFFFD80] =	vst v6;
	v6 =	vor.u32 $0x8, v3  }
0xbb: {  	v7 =	vld.idx.msk [tilespmem:v7+s12+$0x0], $0xffff  }
0xbc: {  	[tilespmem:s26+$0x0] =	vst v8;
	v8 =	vor.u32 $0xD, v2  }
0xbd: {  	[tilespmem:s30+$0xFFFFF900] =	vst v10;
	v9 =	vld.idx.msk [tilespmem:v9+s12+$0x0], $0xffff  }
0xbe: {  	v10 =	vld.idx.msk [tilespmem:v11+s12+$0x0], $0xffff;
	[tilespmem:s29+$0xFFFFFB80] =	vst v5;
	v5 =	vor.u32 $0x12, v1  }
0xbf: {  	v11 =	vor.u32 $0x4, v4;
	v6 =	vld.idx.msk [tilespmem:v6+s12+$0x0], $0xffff  }
0xc0: {  	s1 =	simm.s32 $0x40;
	[tilespmem:s28+$0xFFFFFE00] =	vst v7;
	v7 =	vor.u32 $0x9, v3  }
0xc1: {  	v12 =	vmov s1;
	v8 =	vld.idx.msk [tilespmem:v8+s12+$0x0], $0xffff  }
0xc2: {  	[tilespmem:s26+$0x80] =	vst v9;
	v9 =	vshll.u32 v12, $0x5;
	v12 =	vor.u32 $0xE, v2  }
0xc3: {  	[tilespmem:s30+$0xFFFFF980] =	vst v10;
	v10 =	vld.idx.msk [tilespmem:v5+s12+$0x0], $0xffff;
	v5 =	vor.u32 v0, v9  }
0xc4: {  	v9 =	vld.idx.msk [tilespmem:v11+s12+$0x0], $0xffff;
	[tilespmem:s29+$0xFFFFFC00] =	vst v6;
	v6 =	vor.u32 $0x13, v1  }
0xc5: {  	v11 =	vor.u32 $0x5, v4;
	v7 =	vld.idx.msk [tilespmem:v7+s12+$0x0], $0xffff  }
0xc6: {  	[tilespmem:s28+$0xFFFFFE80] =	vst v8;
	v8 =	vor.u32 $0xA, v3  }
0xc7: {  	v12 =	vld.idx.msk [tilespmem:v12+s12+$0x0], $0xffff  }
0xc8: {  	v13 =	vld.idx.msk [tilespmem:v5+s12+$0x0], $0xffff;
	[tilespmem:s26+$0x100] =	vst v10;
	v10 =	vor.u32 $0xF, v2  }
0xc9: {  	[tilespmem:s30+$0xFFFFFA00] =	vst v9;
	v9 =	vor.u32 $0x1, v5;
	v6 =	vld.idx.msk [tilespmem:v6+s12+$0x0], $0xffff  }
0xca: {  	v11 =	vld.idx.msk [tilespmem:v11+s12+$0x0], $0xffff;
	[tilespmem:s29+$0xFFFFFC80] =	vst v7;
	v7 =	vor.u32 $0x14, v1  }
0xcb: {  	v14 =	vor.u32 $0x6, v4;
	v8 =	vld.idx.msk [tilespmem:v8+s12+$0x0], $0xffff  }
0xcc: {  	s31 =	simm.s32 $0x5A40;
	[tilespmem:s28+$0xFFFFFF00] =	vst v12;
	v12 =	vor.u32 $0xB, v3  }
0xcd: {  	[tilespmem:s31+$0xFFFFF800] =	vst v13;
	v10 =	vld.idx.msk [tilespmem:v10+s12+$0x0], $0xffff  }
0xce: {  	v9 =	vld.idx.msk [tilespmem:v9+s12+$0x0], $0xffff;
	[tilespmem:s26+$0x180] =	vst v6;
	v6 =	vor.u32 $0x10, v2  }
0xcf: {  	[tilespmem:s30+$0xFFFFFA80] =	vst v11;
	v11 =	vor.u32 $0x2, v5;
	v7 =	vld.idx.msk [tilespmem:v7+s12+$0x0], $0xffff  }
0xd0: {  	v13 =	vld.idx.msk [tilespmem:v14+s12+$0x0], $0xffff;
	[tilespmem:s29+$0xFFFFFD00] =	vst v8;
	v8 =	vor.u32 $0x15, v1  }
0xd1: {  	v14 =	vor.u32 $0x7, v4;
	v12 =	vld.idx.msk [tilespmem:v12+s12+$0x0], $0xffff  }
0xd2: {  	[tilespmem:s28+$0xFFFFFF80] =	vst v10;
	v10 =	vor.u32 $0xC, v3  }
0xd3: {  	[tilespmem:s31+$0xFFFFF880] =	vst v9;
	v6 =	vld.idx.msk [tilespmem:v6+s12+$0x0], $0xffff  }
0xd4: {  	v9 =	vld.idx.msk [tilespmem:v11+s12+$0x0], $0xffff;
	[tilespmem:s26+$0x200] =	vst v7;
	v7 =	vor.u32 $0x11, v2  }
0xd5: {  	[tilespmem:s30+$0xFFFFFB00] =	vst v13;
	v11 =	vor.u32 $0x3, v5;
	v8 =	vld.idx.msk [tilespmem:v8+s12+$0x0], $0xffff  }
0xd6: {  	v13 =	vld.idx.msk [tilespmem:v14+s12+$0x0], $0xffff;
	[tilespmem:s29+$0xFFFFFD80] =	vst v12;
	v12 =	vor.u32 $0x16, v1  }
0xd7: {  	v14 =	vor.u32 $0x8, v4;
	v10 =	vld.idx.msk [tilespmem:v10+s12+$0x0], $0xffff  }
0xd8: {  	[tilespmem:s28+$0x0] =	vst v6;
	v6 =	vor.u32 $0xD, v3  }
0xd9: {  	[tilespmem:s31+$0xFFFFF900] =	vst v9;
	v7 =	vld.idx.msk [tilespmem:v7+s12+$0x0], $0xffff  }
0xda: {  	v9 =	vld.idx.msk [tilespmem:v11+s12+$0x0], $0xffff;
	[tilespmem:s26+$0x280] =	vst v8;
	v8 =	vor.u32 $0x12, v2  }
0xdb: {  	[tilespmem:s30+$0xFFFFFB80] =	vst v13;
	v11 =	vld.idx.msk [tilespmem:v12+s12+$0x0], $0xffff;
	v12 =	vor.u32 $0x4, v5  }
0xdc: {  	s9 =	simm.s32 $0x50;
	v13 =	vld.idx.msk [tilespmem:v14+s12+$0x0], $0xffff;
	[tilespmem:s29+$0xFFFFFE00] =	vst v10;
	v10 =	vor.u32 $0x17, v1  }
0xdd: {  	v14 =	vor.u32 $0x9, v4;
	v15 =	vld.idx.msk [tilespmem:v6+s12+$0x0], $0xffff;
	v6 =	vmov s9  }
0xde: {  	[tilespmem:s28+$0x80] =	vst v7;
	v6 =	vshll.u32 v6, $0x5;
	v7 =	vor.u32 $0xE, v3  }
0xdf: {  	[tilespmem:s31+$0xFFFFF980] =	vst v9;
	v8 =	vld.idx.msk [tilespmem:v8+s12+$0x0], $0xffff;
	v6 =	vor.u32 v0, v6  }
0xe0: {  	v9 =	vld.idx.msk [tilespmem:v12+s12+$0x0], $0xffff;
	[tilespmem:s26+$0x300] =	vst v11;
	v11 =	vor.u32 $0x13, v2  }
0xe1: {  	[tilespmem:s30+$0xFFFFFC00] =	vst v13;
	v12 =	vor.u32 $0x5, v5;
	v10 =	vld.idx.msk [tilespmem:v10+s12+$0x0], $0xffff  }
0xe2: {  	v13 =	vld.idx.msk [tilespmem:v14+s12+$0x0], $0xffff;
	v14 =	vor.u32 $0x18, v1;
	[tilespmem:s29+$0xFFFFFE80] =	vst v15  }
0xe3: {  	v15 =	vor.u32 $0xA, v4;
	v7 =	vld.idx.msk [tilespmem:v7+s12+$0x0], $0xffff  }
0xe4: {  	v16 =	vld.idx.msk [tilespmem:v6+s12+$0x0], $0xffff;
	[tilespmem:s28+$0x100] =	vst v8;
	v8 =	vor.u32 $0xF, v3  }
0xe5: {  	[tilespmem:s31+$0xFFFFFA00] =	vst v9;
	v9 =	vld.idx.msk [tilespmem:v11+s12+$0x0], $0xffff;
	v11 =	vor.u32 $0x1, v6  }
0xe6: {  	v12 =	vld.idx.msk [tilespmem:v12+s12+$0x0], $0xffff;
	[tilespmem:s26+$0x380] =	vst v10;
	v10 =	vor.u32 $0x14, v2  }
0xe7: {  	[tilespmem:s30+$0xFFFFFC80] =	vst v13;
	v13 =	vld.idx.msk [tilespmem:v14+s12+$0x0], $0xffff;
	v14 =	vor.u32 $0x6, v5  }
0xe8: {  	s0 =	simm.s32 $0x5A50;
	v15 =	vld.idx.msk [tilespmem:v15+s12+$0x0], $0xffff;
	[tilespmem:s29+$0xFFFFFF00] =	vst v7;
	v7 =	vor.u32 $0x19, v1  }
0xe9: {  	[tilespmem:s0+$0xFFFFF800] =	vst v16;
	v8 =	vld.idx.msk [tilespmem:v8+s12+$0x0], $0xffff  }
0xea: {  	v16 =	vor.u32 $0xB, v4;
	v11 =	vld.idx.msk [tilespmem:v11+s12+$0x0], $0xffff;
	[tilespmem:s28+$0x180] =	vst v9  }
0xeb: {  	v9 =	vor.u32 $0x10, v3;
	[tilespmem:s31+$0xFFFFFA80] =	vst v12;
	v10 =	vld.idx.msk [tilespmem:v10+s12+$0x0], $0xffff  }
0xec: {  	v12 =	vor.u32 $0x2, v6;
	v14 =	vld.idx.msk [tilespmem:v14+s12+$0x0], $0xffff;
	[tilespmem:s26+$0x400] =	vst v13  }
0xed: {  	v13 =	vor.u32 $0x15, v2;
	[tilespmem:s30+$0xFFFFFD00] =	vst v15;
	v7 =	vld.idx.msk [tilespmem:v7+s12+$0x0], $0xffff  }
0xee: {  	[tilespmem:s29+$0xFFFFFF80] =	vst v8;
	v8 =	vor.u32 $0x1A, v1  }
0xef: {  	v15 =	vor.u32 $0x7, v5;
	v16 =	vld.idx.msk [tilespmem:v16+s12+$0x0], $0xffff;
	[tilespmem:s0+$0xFFFFF880] =	vst v11  }
0xf0: {  	v11 =	vor.u32 $0xC, v4;
	v9 =	vld.idx.msk [tilespmem:v9+s12+$0x0], $0xffff;
	[tilespmem:s28+$0x200] =	vst v10  }
0xf1: {  	v12 =	vld.idx.msk [tilespmem:v12+s12+$0x0], $0xffff;
	v10 =	vor.u32 $0x11, v3;
	[tilespmem:s31+$0xFFFFFB00] =	vst v14  }
0xf2: {  	v13 =	vld.idx.msk [tilespmem:v13+s12+$0x0], $0xffff;
	v14 =	vor.u32 $0x3, v6;
	[tilespmem:s26+$0x480] =	vst v7  }
0xf3: {  	v7 =	vor.u32 $0x16, v2;
	v17 =	vld.idx.msk [tilespmem:v8+s12+$0x0], $0xffff  }
0xf4: {  	v22 =	vor.u32 $0x1B, v1;
	v15 =	vld.idx.msk [tilespmem:v15+s12+$0x0], $0xffff;
	[tilespmem:s30+$0xFFFFFD80] =	vst v16  }
0xf5: {  	v18 =	vor.u32 $0x8, v5;
	v21 =	vld.idx.msk [tilespmem:v11+s12+$0x0], $0xffff;
	[tilespmem:s29+$0x0] =	vst v9  }
0xf6: {  	v23 =	vor.u32 $0xD, v4;
	[tilespmem:s0+$0xFFFFF900] =	vst v12;
	v16 =	vld.idx.msk [tilespmem:v10+s12+$0x0], $0xffff  }
0xf7: {  	v20 =	vld.idx.msk [tilespmem:v14+s12+$0x0], $0xffff;
	[tilespmem:s28+$0x280] =	vst v13  }
0xf8: {  	v14 =	vld.idx.msk [tilespmem:v7+s12+$0x0], $0xffff;
	[tilespmem:s26+$0x500] =	vst v17;
	v17 =	vor.u32 $0x12, v3  }
0xf9: {  	v8 =	vor.u32 $0x1C, v4;
	v11 =	vor.u32 $0x1C, v1;
	[tilespmem:s31+$0xFFFFFB80] =	vst v15;
	v13 =	vld.idx.msk [tilespmem:v22+s12+$0x0], $0xffff;
	v22 =	vor.u32 $0x4, v6  }
0xfa: {  	v9 =	vor.u32 $0x1C, v3;
	v12 =	vor.u32 $0x1C, v2;
	v15 =	vor.u32 $0x17, v2;
	v19 =	vld.idx.msk [tilespmem:v18+s12+$0x0], $0xffff;
	[tilespmem:s30+$0xFFFFFE00] =	vst v21  }
0xfb: {  	s1 =	simm.s32 $0x60;
	v10 =	vor.u32 $0x1C, v5;
	v7 =	vor.u32 $0x1C, v6;
	v21 =	vor.u32 $0x9, v5;
	v18 =	vld.idx.msk [tilespmem:v23+s12+$0x0], $0xffff  }
.LBB2_5:
0xfc: {  	v23 =	vmov s1;
	p1 =	sne.s32 s1, $0x70;
	s1 =	sadd.s32 $0x10, s1;
	[tilespmem:s29+$0x80] =	vst v16;
	s9 =	smov.u32 s30  }
0xfd: {  	s30 =	smov.u32 s31;
	s31 =	smov.u32 s0;
	v16 =	vshll.u32 v23, $0x5;
	[tilespmem:s0+$0xFFFFF980] =	vst v20;
	v20 =	vor.u32 $0xE, v4;
	v17 =	vld.idx.msk [tilespmem:v17+s12+$0x0], $0xffff  }
0xfe: {  	v16 =	vor.u32 v0, v16;
	v22 =	vld.idx.msk [tilespmem:v22+s12+$0x0], $0xffff;
	[tilespmem:s28+$0x300] =	vst v14  }
0xff: {  	v14 =	vor.u32 $0x1C, v16;
	[tilespmem:s30+$0xFFFFFC00] =	vst v19;
	v19 =	vor.u32 $0x13, v3;
	v15 =	vld.idx.msk [tilespmem:v15+s12+$0x0], $0xffff  }
0x100: {  	v23 =	vor.u32 $0x5, v6;
	v21 =	vld.idx.msk [tilespmem:v21+s12+$0x0], $0xffff;
	[tilespmem:s26+$0x580] =	vst v13  }
0x101: {  	v13 =	vor.u32 $0x18, v2;
	[tilespmem:s9+$0xFFFFFE80] =	vst v18;
	v18 =	vld.idx.msk [tilespmem:v11+s12+$0x0], $0xffff;
	v11 =	vmovc v12;
	v12 =	vmovc v9;
	v9 =	vmov v8;
	v8 =	vmov v10  }
0x102: {  	v24 =	vor.u32 $0xA, v5;
	v10 =	vmov v7;
	v7 =	vmov v14;
	v20 =	vld.idx.msk [tilespmem:v20+s12+$0x0], $0xffff  }
0x103: {  	v14 =	vld.idx.msk [tilespmem:v16+s12+$0x0], $0xffff;
	[tilespmem:s29+$0x100] =	vst v17;
	v17 =	vor.u32 $0x1D, v1  }
0x104: {  	[tilespmem:s0+$0xFFFFFA00] =	vst v22;
	v22 =	vor.u32 $0xF, v4;
	v19 =	vld.idx.msk [tilespmem:v19+s12+$0x0], $0xffff  }
0x105: {  	v25 =	vor.u32 $0x1, v16;
	v23 =	vld.idx.msk [tilespmem:v23+s12+$0x0], $0xffff;
	[tilespmem:s28+$0x380] =	vst v15  }
0x106: {  	v15 =	vor.u32 $0x14, v3;
	[tilespmem:s30+$0xFFFFFC80] =	vst v21;
	v13 =	vld.idx.msk [tilespmem:v13+s12+$0x0], $0xffff  }
0x107: {  	v21 =	vor.u32 $0x6, v6;
	v24 =	vld.idx.msk [tilespmem:v24+s12+$0x0], $0xffff;
	[tilespmem:s26+$0x600] =	vst v18  }
0x108: {  	s0 =	sadd.s32 $0x10, s0;
	v18 =	vor.u32 $0x19, v2;
	[tilespmem:s9+$0xFFFFFF00] =	vst v20;
	v17 =	vld.idx.msk [tilespmem:v17+s12+$0x0], $0xffff  }
0x109: {  	[tilespmem:s0+$0xFFFFF800] =	vst v14;
	v14 =	vor.u32 $0xB, v5;
	v20 =	vld.idx.msk [tilespmem:v22+s12+$0x0], $0xffff  }
0x10a: {  	v22 =	vld.idx.msk [tilespmem:v25+s12+$0x0], $0xffff;
	[tilespmem:s29+$0x180] =	vst v19;
	v19 =	vor.u32 $0x1E, v1  }
0x10b: {  	[tilespmem:s31+$0xFFFFFA80] =	vst v23;
	v23 =	vor.u32 $0x10, v4;
	v15 =	vld.idx.msk [tilespmem:v15+s12+$0x0], $0xffff  }
0x10c: {  	v25 =	vor.u32 $0x2, v16;
	v21 =	vld.idx.msk [tilespmem:v21+s12+$0x0], $0xffff;
	[tilespmem:s28+$0x400] =	vst v13  }
0x10d: {  	v13 =	vor.u32 $0x15, v3;
	[tilespmem:s30+$0xFFFFFD00] =	vst v24;
	v18 =	vld.idx.msk [tilespmem:v18+s12+$0x0], $0xffff  }
0x10e: {  	v24 =	vor.u32 $0x7, v6;
	v14 =	vld.idx.msk [tilespmem:v14+s12+$0x0], $0xffff;
	[tilespmem:s26+$0x680] =	vst v17  }
0x10f: {  	v17 =	vor.u32 $0x1A, v2;
	[tilespmem:s9+$0xFFFFFF80] =	vst v20;
	v19 =	vld.idx.msk [tilespmem:v19+s12+$0x0], $0xffff  }
0x110: {  	v20 =	vor.u32 $0xC, v5;
	[tilespmem:s0+$0xFFFFF880] =	vst v22;
	v22 =	vld.idx.msk [tilespmem:v23+s12+$0x0], $0xffff  }
0x111: {  	v23 =	vld.idx.msk [tilespmem:v25+s12+$0x0], $0xffff;
	[tilespmem:s29+$0x200] =	vst v15;
	v15 =	vor.u32 $0x1F, v1;
	v1 =	vmovc v2;
	v2 =	vmovc v3;
	v3 =	vmov v4;
	v4 =	vmov v5  }
0x112: {  	v5 =	vmov v6;
	v6 =	vmov v16;
	[tilespmem:s31+$0xFFFFFB00] =	vst v21;
	v21 =	vor.u32 $0x11, v3;
	v13 =	vld.idx.msk [tilespmem:v13+s12+$0x0], $0xffff  }
0x113: {  	v25 =	vor.u32 $0x3, v6;
	v24 =	vld.idx.msk [tilespmem:v24+s12+$0x0], $0xffff;
	[tilespmem:s28+$0x480] =	vst v18  }
0x114: {  	[tilespmem:s30+$0xFFFFFD80] =	vst v14;
	v14 =	vor.u32 $0x16, v2;
	v18 =	vld.idx.msk [tilespmem:v17+s12+$0x0], $0xffff  }
0x115: {  	v26 =	vor.u32 $0x8, v5;
	v27 =	vld.idx.msk [tilespmem:v20+s12+$0x0], $0xffff;
	[tilespmem:s26+$0x700] =	vst v19  }
0x116: {  	v28 =	vor.u32 $0x1B, v1;
	[tilespmem:s9+$0x0] =	vst v22;
	v29 =	vld.idx.msk [tilespmem:v15+s12+$0x0], $0xffff  }
0x117: {  	[tilespmem:s0+$0xFFFFF900] =	vst v23;
	v23 =	vor.u32 $0xD, v4;
	v16 =	vld.idx.msk [tilespmem:v21+s12+$0x0], $0xffff  }
.Ltmp1:
0x118: {  	v20 =	vld.idx.msk [tilespmem:v25+s12+$0x0], $0xffff;
	[tilespmem:s29+$0x280] =	vst v13;
	(pc) =	sbr.rel @p1 .LBB2_5-.Ltmp1, $4  }
0x119: {  	v17 =	vor.u32 $0x12, v3;
	[tilespmem:s31+$0xFFFFFB80] =	vst v24;
	v14 =	vld.idx.msk [tilespmem:v14+s12+$0x0], $0xffff  }
0x11a: {  	v22 =	vor.u32 $0x4, v6;
	v19 =	vld.idx.msk [tilespmem:v26+s12+$0x0], $0xffff;
	[tilespmem:s28+$0x500] =	vst v18  }
0x11b: {  	v15 =	vor.u32 $0x17, v2;
	[tilespmem:s30+$0xFFFFFE00] =	vst v27;
	v13 =	vld.idx.msk [tilespmem:v28+s12+$0x0], $0xffff  }
0x11c: {  	v21 =	vor.u32 $0x9, v5;
	v18 =	vld.idx.msk [tilespmem:v23+s12+$0x0], $0xffff;
	[tilespmem:s26+$0x780] =	vst v29;
	s26 =	smov.u32 s28;
	s28 =	smov.u32 s29;
	s29 =	smov.u32 s9  }
0x11d: {  	_ =	sdelay $0x2  }
0x11e: {  	[tilespmem:s0+$0xFFFFF980] =	vst v20  }
0x11f: {  	v20 =	vld.idx.msk [tilespmem:v22+s12+$0x0], $0xffff  }
0x120: {  	v58 =	vor.u32 $0x5, v6;
	_ =	sdelay $0x3  }
0x121: {  	[tilespmem:s0+$0xFFFFFA00] =	vst v20  }
0x122: {  	v20 =	vld.idx.msk [tilespmem:v58+s12+$0x0], $0xffff  }
0x123: {  	v59 =	vor.u32 $0x6, v6;
	_ =	sdelay $0x3  }
0x124: {  	[tilespmem:s0+$0xFFFFFA80] =	vst v20  }
0x125: {  	v20 =	vld.idx.msk [tilespmem:v59+s12+$0x0], $0xffff  }
0x126: {  	v60 =	vor.u32 $0x7, v6;
	_ =	sdelay $0x3  }
0x127: {  	[tilespmem:s0+$0xFFFFFB00] =	vst v20  }
0x128: {  	v20 =	vld.idx.msk [tilespmem:v60+s12+$0x0], $0xffff  }
0x129: {  	v61 =	vor.u32 $0x8, v6;
	_ =	sdelay $0x3  }
0x12a: {  	[tilespmem:s0+$0xFFFFFB80] =	vst v20  }
0x12b: {  	v20 =	vld.idx.msk [tilespmem:v61+s12+$0x0], $0xffff  }
0x12c: {  	v62 =	vor.u32 $0x9, v6;
	_ =	sdelay $0x2  }
0x12d: {  	[tilespmem:s31+$0xFFFFFC00] =	vst v19  }
0x12e: {  	v19 =	vld.idx.msk [tilespmem:v21+s12+$0x0], $0xffff;
	[tilespmem:s0+$0xFFFFFC00] =	vst v20  }
0x12f: {  	v63 =	vor.u32 $0xA, v5;
	v24 =	vld.idx.msk [tilespmem:v62+s12+$0x0], $0xffff  }
0x130: {  	v25 =	vor.u32 $0xA, v6;
	_ =	sdelay $0x2  }
0x131: {  	[tilespmem:s31+$0xFFFFFC80] =	vst v19  }
0x132: {  	v19 =	vld.idx.msk [tilespmem:v63+s12+$0x0], $0xffff;
	[tilespmem:s0+$0xFFFFFC80] =	vst v24  }
0x133: {  	v26 =	vor.u32 $0xB, v5;
	v21 =	vld.idx.msk [tilespmem:v25+s12+$0x0], $0xffff  }
0x134: {  	v27 =	vor.u32 $0xB, v6;
	_ =	sdelay $0x2  }
0x135: {  	[tilespmem:s31+$0xFFFFFD00] =	vst v19  }
0x136: {  	v19 =	vld.idx.msk [tilespmem:v26+s12+$0x0], $0xffff;
	[tilespmem:s0+$0xFFFFFD00] =	vst v21  }
0x137: {  	v28 =	vor.u32 $0xC, v5;
	v21 =	vld.idx.msk [tilespmem:v27+s12+$0x0], $0xffff  }
0x138: {  	v29 =	vor.u32 $0xC, v6;
	_ =	sdelay $0x2  }
0x139: {  	[tilespmem:s31+$0xFFFFFD80] =	vst v19  }
0x13a: {  	v19 =	vld.idx.msk [tilespmem:v28+s12+$0x0], $0xffff;
	[tilespmem:s0+$0xFFFFFD80] =	vst v21  }
0x13b: {  	v30 =	vor.u32 $0xD, v5;
	v21 =	vld.idx.msk [tilespmem:v29+s12+$0x0], $0xffff  }
0x13c: {  	v31 =	vor.u32 $0xD, v6;
	_ =	sdelay $0x2  }
0x13d: {  	v32 =	vor.u32 $0xE, v4;
	[tilespmem:s31+$0xFFFFFE00] =	vst v19  }
0x13e: {  	v20 =	vld.idx.msk [tilespmem:v30+s12+$0x0], $0xffff;
	[tilespmem:s0+$0xFFFFFE00] =	vst v21  }
0x13f: {  	v33 =	vor.u32 $0xE, v5;
	v22 =	vld.idx.msk [tilespmem:v31+s12+$0x0], $0xffff  }
0x140: {  	v23 =	vor.u32 $0xE, v6  }
0x141: {  	[tilespmem:s30+$0xFFFFFE80] =	vst v18  }
0x142: {  	v18 =	vld.idx.msk [tilespmem:v32+s12+$0x0], $0xffff  }
0x143: {  	v34 =	vor.u32 $0xF, v4;
	[tilespmem:s31+$0xFFFFFE80] =	vst v20  }
0x144: {  	v20 =	vld.idx.msk [tilespmem:v33+s12+$0x0], $0xffff;
	[tilespmem:s0+$0xFFFFFE80] =	vst v22  }
0x145: {  	v35 =	vor.u32 $0xF, v5;
	v22 =	vld.idx.msk [tilespmem:v23+s12+$0x0], $0xffff  }
0x146: {  	v36 =	vor.u32 $0xF, v6  }
0x147: {  	[tilespmem:s30+$0xFFFFFF00] =	vst v18  }
0x148: {  	v18 =	vld.idx.msk [tilespmem:v34+s12+$0x0], $0xffff  }
0x149: {  	v37 =	vor.u32 $0x10, v4;
	[tilespmem:s31+$0xFFFFFF00] =	vst v20  }
0x14a: {  	v20 =	vld.idx.msk [tilespmem:v35+s12+$0x0], $0xffff;
	[tilespmem:s0+$0xFFFFFF00] =	vst v22  }
0x14b: {  	v38 =	vor.u32 $0x10, v5;
	v22 =	vld.idx.msk [tilespmem:v36+s12+$0x0], $0xffff  }
0x14c: {  	v39 =	vor.u32 $0x10, v6  }
0x14d: {  	[tilespmem:s30+$0xFFFFFF80] =	vst v18  }
0x14e: {  	v18 =	vld.idx.msk [tilespmem:v37+s12+$0x0], $0xffff  }
0x14f: {  	v40 =	vor.u32 $0x11, v4;
	[tilespmem:s31+$0xFFFFFF80] =	vst v20  }
0x150: {  	v20 =	vld.idx.msk [tilespmem:v38+s12+$0x0], $0xffff;
	[tilespmem:s0+$0xFFFFFF80] =	vst v22  }
0x151: {  	v41 =	vor.u32 $0x11, v5;
	v22 =	vld.idx.msk [tilespmem:v39+s12+$0x0], $0xffff  }
0x152: {  	v42 =	vor.u32 $0x11, v6  }
0x153: {  	[tilespmem:s30+$0x0] =	vst v18  }
0x154: {  	v18 =	vld.idx.msk [tilespmem:v40+s12+$0x0], $0xffff  }
0x155: {  	v43 =	vor.u32 $0x12, v4;
	[tilespmem:s31+$0x0] =	vst v20  }
0x156: {  	v20 =	vld.idx.msk [tilespmem:v41+s12+$0x0], $0xffff;
	[tilespmem:s0+$0x0] =	vst v22  }
0x157: {  	v44 =	vor.u32 $0x12, v5;
	v22 =	vld.idx.msk [tilespmem:v42+s12+$0x0], $0xffff  }
0x158: {  	v45 =	vor.u32 $0x12, v6;
	[tilespmem:s29+$0x80] =	vst v16  }
0x159: {  	v16 =	vld.idx.msk [tilespmem:v17+s12+$0x0], $0xffff;
	[tilespmem:s30+$0x80] =	vst v18  }
0x15a: {  	v46 =	vor.u32 $0x13, v3;
	v18 =	vld.idx.msk [tilespmem:v43+s12+$0x0], $0xffff  }
0x15b: {  	v47 =	vor.u32 $0x13, v4;
	[tilespmem:s31+$0x80] =	vst v20  }
0x15c: {  	v20 =	vld.idx.msk [tilespmem:v44+s12+$0x0], $0xffff;
	[tilespmem:s0+$0x80] =	vst v22  }
0x15d: {  	v48 =	vor.u32 $0x13, v5;
	v22 =	vld.idx.msk [tilespmem:v45+s12+$0x0], $0xffff  }
0x15e: {  	v49 =	vor.u32 $0x13, v6;
	[tilespmem:s29+$0x100] =	vst v16  }
0x15f: {  	v16 =	vld.idx.msk [tilespmem:v46+s12+$0x0], $0xffff;
	[tilespmem:s30+$0x100] =	vst v18  }
0x160: {  	v50 =	vor.u32 $0x14, v3;
	v18 =	vld.idx.msk [tilespmem:v47+s12+$0x0], $0xffff  }
0x161: {  	v51 =	vor.u32 $0x14, v4;
	[tilespmem:s31+$0x100] =	vst v20  }
0x162: {  	v20 =	vld.idx.msk [tilespmem:v48+s12+$0x0], $0xffff;
	[tilespmem:s0+$0x100] =	vst v22  }
0x163: {  	v52 =	vor.u32 $0x14, v5;
	v22 =	vld.idx.msk [tilespmem:v49+s12+$0x0], $0xffff  }
0x164: {  	v53 =	vor.u32 $0x14, v6;
	[tilespmem:s29+$0x180] =	vst v16  }
0x165: {  	v16 =	vld.idx.msk [tilespmem:v50+s12+$0x0], $0xffff;
	[tilespmem:s30+$0x180] =	vst v18  }
0x166: {  	v54 =	vor.u32 $0x15, v3;
	v18 =	vld.idx.msk [tilespmem:v51+s12+$0x0], $0xffff  }
0x167: {  	v55 =	vor.u32 $0x15, v4;
	[tilespmem:s31+$0x180] =	vst v20  }
0x168: {  	v20 =	vld.idx.msk [tilespmem:v52+s12+$0x0], $0xffff;
	[tilespmem:s0+$0x180] =	vst v22  }
0x169: {  	v56 =	vor.u32 $0x15, v5;
	v22 =	vld.idx.msk [tilespmem:v53+s12+$0x0], $0xffff  }
0x16a: {  	v57 =	vor.u32 $0x15, v6;
	[tilespmem:s29+$0x200] =	vst v16  }
0x16b: {  	v16 =	vld.idx.msk [tilespmem:v54+s12+$0x0], $0xffff;
	[tilespmem:s30+$0x200] =	vst v18  }
0x16c: {  	v58 =	vor.u32 $0x16, v3;
	v18 =	vld.idx.msk [tilespmem:v55+s12+$0x0], $0xffff  }
0x16d: {  	v59 =	vor.u32 $0x16, v4;
	[tilespmem:s31+$0x200] =	vst v20  }
0x16e: {  	v20 =	vld.idx.msk [tilespmem:v56+s12+$0x0], $0xffff;
	[tilespmem:s0+$0x200] =	vst v22  }
0x16f: {  	v60 =	vor.u32 $0x16, v5;
	v22 =	vld.idx.msk [tilespmem:v57+s12+$0x0], $0xffff  }
0x170: {  	[tilespmem:s29+$0x280] =	vst v16;
	v61 =	vor.u32 $0x16, v6  }
0x171: {  	v16 =	vld.idx.msk [tilespmem:v58+s12+$0x0], $0xffff;
	[tilespmem:s30+$0x280] =	vst v18  }
0x172: {  	v62 =	vor.u32 $0x17, v3;
	v18 =	vld.idx.msk [tilespmem:v59+s12+$0x0], $0xffff  }
0x173: {  	v63 =	vor.u32 $0x17, v4;
	[tilespmem:s31+$0x280] =	vst v20  }
0x174: {  	v20 =	vld.idx.msk [tilespmem:v60+s12+$0x0], $0xffff;
	[tilespmem:s0+$0x280] =	vst v22  }
0x175: {  	v24 =	vor.u32 $0x17, v5;
	v22 =	vld.idx.msk [tilespmem:v61+s12+$0x0], $0xffff  }
0x176: {  	[tilespmem:s29+$0x300] =	vst v16;
	v25 =	vor.u32 $0x17, v6  }
0x177: {  	v17 =	vld.idx.msk [tilespmem:v62+s12+$0x0], $0xffff;
	[tilespmem:s30+$0x300] =	vst v18  }
0x178: {  	[tilespmem:s28+$0x300] =	vst v14;
	v27 =	vor.u32 $0x18, v3;
	v19 =	vld.idx.msk [tilespmem:v63+s12+$0x0], $0xffff  }
0x179: {  	v15 =	vld.idx.msk [tilespmem:v15+s12+$0x0], $0xffff;
	v28 =	vor.u32 $0x18, v4;
	[tilespmem:s31+$0x300] =	vst v20  }
0x17a: {  	v26 =	vor.u32 $0x18, v2;
	v21 =	vld.idx.msk [tilespmem:v24+s12+$0x0], $0xffff;
	[tilespmem:s0+$0x300] =	vst v22  }
0x17b: {  	v29 =	vor.u32 $0x18, v5;
	v14 =	vld.idx.msk [tilespmem:v25+s12+$0x0], $0xffff  }
0x17c: {  	v30 =	vor.u32 $0x18, v6;
	[tilespmem:s29+$0x380] =	vst v17  }
0x17d: {  	v18 =	vld.idx.msk [tilespmem:v27+s12+$0x0], $0xffff;
	[tilespmem:s30+$0x380] =	vst v19  }
0x17e: {  	v32 =	vor.u32 $0x19, v3;
	[tilespmem:s28+$0x380] =	vst v15;
	v20 =	vld.idx.msk [tilespmem:v28+s12+$0x0], $0xffff  }
0x17f: {  	v16 =	vld.idx.msk [tilespmem:v26+s12+$0x0], $0xffff;
	v33 =	vor.u32 $0x19, v4;
	[tilespmem:s31+$0x380] =	vst v21  }
0x180: {  	v31 =	vor.u32 $0x19, v2;
	v22 =	vld.idx.msk [tilespmem:v29+s12+$0x0], $0xffff;
	[tilespmem:s0+$0x380] =	vst v14  }
0x181: {  	v34 =	vor.u32 $0x19, v5;
	v15 =	vld.idx.msk [tilespmem:v30+s12+$0x0], $0xffff  }
0x182: {  	v35 =	vor.u32 $0x19, v6;
	[tilespmem:s29+$0x400] =	vst v18  }
0x183: {  	v19 =	vld.idx.msk [tilespmem:v32+s12+$0x0], $0xffff;
	[tilespmem:s30+$0x400] =	vst v20  }
0x184: {  	v37 =	vor.u32 $0x1A, v3;
	[tilespmem:s28+$0x400] =	vst v16;
	v21 =	vld.idx.msk [tilespmem:v33+s12+$0x0], $0xffff  }
0x185: {  	v38 =	vor.u32 $0x1A, v4;
	v17 =	vld.idx.msk [tilespmem:v31+s12+$0x0], $0xffff;
	[tilespmem:s31+$0x400] =	vst v22  }
0x186: {  	v36 =	vor.u32 $0x1A, v2;
	v14 =	vld.idx.msk [tilespmem:v34+s12+$0x0], $0xffff;
	[tilespmem:s0+$0x400] =	vst v15  }
0x187: {  	v39 =	vor.u32 $0x1A, v5;
	v16 =	vld.idx.msk [tilespmem:v35+s12+$0x0], $0xffff  }
0x188: {  	v40 =	vor.u32 $0x1A, v6;
	[tilespmem:s29+$0x480] =	vst v19  }
0x189: {  	v20 =	vld.idx.msk [tilespmem:v37+s12+$0x0], $0xffff;
	[tilespmem:s30+$0x480] =	vst v21  }
0x18a: {  	[tilespmem:s28+$0x480] =	vst v17;
	v42 =	vor.u32 $0x1B, v3;
	v22 =	vld.idx.msk [tilespmem:v38+s12+$0x0], $0xffff  }
0x18b: {  	v43 =	vor.u32 $0x1B, v4;
	v18 =	vld.idx.msk [tilespmem:v36+s12+$0x0], $0xffff;
	[tilespmem:s31+$0x480] =	vst v14  }
0x18c: {  	v41 =	vor.u32 $0x1B, v2;
	v15 =	vld.idx.msk [tilespmem:v39+s12+$0x0], $0xffff;
	[tilespmem:s0+$0x480] =	vst v16  }
0x18d: {  	v44 =	vor.u32 $0x1B, v5;
	v17 =	vld.idx.msk [tilespmem:v40+s12+$0x0], $0xffff  }
0x18e: {  	v45 =	vor.u32 $0x1B, v6;
	[tilespmem:s29+$0x500] =	vst v20  }
0x18f: {  	v20 =	vld.idx.msk [tilespmem:v42+s12+$0x0], $0xffff;
	[tilespmem:s30+$0x500] =	vst v22  }
0x190: {  	[tilespmem:s28+$0x500] =	vst v18;
	v14 =	vld.idx.msk [tilespmem:v43+s12+$0x0], $0xffff  }
0x191: {  	v19 =	vld.idx.msk [tilespmem:v41+s12+$0x0], $0xffff;
	[tilespmem:s31+$0x500] =	vst v15  }
0x192: {  	v15 =	vld.idx.msk [tilespmem:v44+s12+$0x0], $0xffff;
	[tilespmem:s0+$0x500] =	vst v17  }
0x193: {  	[tilespmem:s26+$0x580] =	vst v13;
	v46 =	vld.idx.msk [tilespmem:v45+s12+$0x0], $0xffff  }
0x194: {  	v11 =	vld.idx.msk [tilespmem:v11+s12+$0x0], $0xffff;
	[tilespmem:s29+$0x580] =	vst v20  }
0x195: {  	v47 =	vor.u32 $0x1D, v1;
	v9 =	vld.idx.msk [tilespmem:v9+s12+$0x0], $0xffff;
	[tilespmem:s30+$0x580] =	vst v14  }
0x196: {  	[tilespmem:s28+$0x580] =	vst v19;
	v49 =	vor.u32 $0x1D, v3;
	v8 =	vld.idx.msk [tilespmem:v8+s12+$0x0], $0xffff  }
0x197: {  	v50 =	vor.u32 $0x1D, v4;
	v12 =	vld.idx.msk [tilespmem:v12+s12+$0x0], $0xffff;
	[tilespmem:s31+$0x580] =	vst v15  }
0x198: {  	v48 =	vor.u32 $0x1D, v2;
	v10 =	vld.idx.msk [tilespmem:v10+s12+$0x0], $0xffff;
	[tilespmem:s0+$0x580] =	vst v46  }
0x199: {  	[tilespmem:s26+$0x600] =	vst v11;
	v51 =	vor.u32 $0x1D, v5;
	v7 =	vld.idx.msk [tilespmem:v7+s12+$0x0], $0xffff  }
0x19a: {  	v52 =	vld.idx.msk [tilespmem:v47+s12+$0x0], $0xffff;
	v53 =	vor.u32 $0x1D, v6;
	[tilespmem:s29+$0x600] =	vst v9  }
0x19b: {  	v54 =	vor.u32 $0x1E, v1;
	v14 =	vld.idx.msk [tilespmem:v49+s12+$0x0], $0xffff;
	[tilespmem:s30+$0x600] =	vst v8  }
0x19c: {  	v56 =	vor.u32 $0x1E, v3;
	[tilespmem:s28+$0x600] =	vst v12;
	v15 =	vld.idx.msk [tilespmem:v50+s12+$0x0], $0xffff  }
0x19d: {  	v57 =	vor.u32 $0x1E, v4;
	v17 =	vld.idx.msk [tilespmem:v48+s12+$0x0], $0xffff;
	[tilespmem:s31+$0x600] =	vst v10  }
0x19e: {  	v55 =	vor.u32 $0x1E, v2;
	v11 =	vld.idx.msk [tilespmem:v51+s12+$0x0], $0xffff;
	[tilespmem:s0+$0x600] =	vst v7  }
0x19f: {  	v58 =	vor.u32 $0x1E, v5;
	[tilespmem:s26+$0x680] =	vst v52;
	v12 =	vld.idx.msk [tilespmem:v53+s12+$0x0], $0xffff  }
0x1a0: {  	v59 =	vor.u32 $0x1E, v6;
	v13 =	vld.idx.msk [tilespmem:v54+s12+$0x0], $0xffff;
	[tilespmem:s29+$0x680] =	vst v14  }
0x1a1: {  	v1 =	vor.u32 $0x1F, v1;
	v8 =	vld.idx.msk [tilespmem:v56+s12+$0x0], $0xffff;
	[tilespmem:s30+$0x680] =	vst v15  }
0x1a2: {  	v3 =	vor.u32 $0x1F, v3;
	[tilespmem:s28+$0x680] =	vst v17;
	v10 =	vld.idx.msk [tilespmem:v57+s12+$0x0], $0xffff  }
0x1a3: {  	v60 =	vor.u32 $0x1F, v4;
	v9 =	vld.idx.msk [tilespmem:v55+s12+$0x0], $0xffff;
	[tilespmem:s31+$0x680] =	vst v11  }
0x1a4: {  	v2 =	vor.u32 $0x1F, v2;
	v7 =	vld.idx.msk [tilespmem:v58+s12+$0x0], $0xffff;
	[tilespmem:s0+$0x680] =	vst v12  }
0x1a5: {  	[tilespmem:s26+$0x700] =	vst v13;
	v61 =	vor.u32 $0x1F, v5;
	v62 =	vld.idx.msk [tilespmem:v59+s12+$0x0], $0xffff  }
0x1a6: {  	v63 =	vor.u32 $0x1F, v6;
	v1 =	vld.idx.msk [tilespmem:v1+s12+$0x0], $0xffff;
	[tilespmem:s29+$0x700] =	vst v8  }
0x1a7: {  	v3 =	vld.idx.msk [tilespmem:v3+s12+$0x0], $0xffff;
	[tilespmem:s30+$0x700] =	vst v10  }
0x1a8: {  	[tilespmem:s28+$0x700] =	vst v9;
	v4 =	vld.idx.msk [tilespmem:v60+s12+$0x0], $0xffff  }
0x1a9: {  	v2 =	vld.idx.msk [tilespmem:v2+s12+$0x0], $0xffff;
	[tilespmem:s31+$0x700] =	vst v7  }
0x1aa: {  	v5 =	vld.idx.msk [tilespmem:v61+s12+$0x0], $0xffff;
	[tilespmem:s0+$0x700] =	vst v62  }
0x1ab: {  	[tilespmem:s26+$0x780] =	vst v1;
	v1 =	vld.idx.msk [tilespmem:v63+s12+$0x0], $0xffff  }
0x1ac: {  	p1 =	sne.s32 s24, $0x18;
	[tilespmem:s29+$0x780] =	vst v3  }
.Ltmp2:
0x1ad: {  	s1 =	sshll.u32 s24, $0x12;
	[tilespmem:s30+$0x780] =	vst v4;
	(pc) =	sbr.rel @p1 .LBB2_8-.Ltmp2, $4  }
0x1ae: {  	s1 =	sor.u32 s6, s1;
	[tilespmem:s28+$0x780] =	vst v2  }
0x1af: {  	s1 =	sshrl.u32 s1, $0x3;
	[tilespmem:s31+$0x780] =	vst v5  }
0x1b0: {  	s31 =	sadd.s32 s2, s1;
	[tilespmem:s0+$0x780] =	vst v1  }
0x1b1: {  	[hbm4b:s31+s15] =	stream.strided.scatter [tilespmem:s17], [sflag:$0x3], $0x1000, s16, s15, $0x38;
	[tilespmem:$0x7200] =	vst v63  }
.Ltmp3:
0x1b2: {  	(pc) =	sbr.rel .LBB2_9-.Ltmp3, $4  }
0x1b3: {  	_ = 	snop  }
0x1b4: {  	_ =	swait.ge [sflag:s18], $0x1000  }
0x1b5: {  	[sflag:s18] =	ssyncset.done $0x0  }
0x1b6: {  	[sflag:s18] =	ssyncadd.s32 $0xFFFFF000  }
.LBB2_8:
0x1b7: {  	s0 =	sshll.u32 s24, $0x8  }
0x1b8: {  	s0 =	sand.u32 $0x3FFFFF00, s0  }
.Ltmp4:
0x1b9: {  	s0 =	sadd.s32 $0x1A00, s0;
	(pc) =	sbr.rel @p0 .LBB2_10-.Ltmp4, $4  }
0x1ba: {  	[tilespmem:s12], [sflag:$0x1] =	stream.indirect.gather [hbm4b:s4+s8], $0x20, s0, s8, $0xb8;
	[tilespmem:$0x7200] =	vst v63  }
0x1bb: {  	_ =	swait.ge [sflag:s18], $0x1000  }
0x1bc: {  	[sflag:s18] =	ssyncset.done $0x0  }
0x1bd: {  	[sflag:s18] =	ssyncadd.s32 $0xFFFFF000  }
.LBB2_9:
0x1be: {  	_ =	swait.ge [sflag:s19], $0x1000  }
0x1bf: {  	[sflag:s19] =	ssyncset.done $0x0  }
0x1c0: {  	[sflag:s19] =	ssyncadd.s32 $0xFFFFF000  }
.LBB2_10:
0x1c1: {  	s0 =	simm.s32 $0x0  }
0x1c2: {  	v1 =	vmov s0  }
0x1c3: {  	v1 =	vshll.u32 v1, $0x5  }
0x1c4: {  	v1 =	vor.u32 v0, v1;
	_ =	sdelay $0x4  }
0x1c5: {  	v2 =	vld.idx.msk [tilespmem:v1+s13+$0x0], $0xffff  }
0x1c6: {  	v3 =	vor.u32 $0x1, v1;
	_ =	sdelay $0x2  }
0x1c7: {  	s26 =	simm.s32 $0x6A00  }
0x1c8: {  	[tilespmem:s26+$0xFFFFF800] =	vst v2  }
0x1c9: {  	v2 =	vld.idx.msk [tilespmem:v3+s13+$0x0], $0xffff  }
0x1ca: {  	v3 =	vor.u32 $0x2, v1;
	_ =	sdelay $0x3  }
0x1cb: {  	[tilespmem:s26+$0xFFFFF880] =	vst v2  }
0x1cc: {  	v2 =	vld.idx.msk [tilespmem:v3+s13+$0x0], $0xffff  }
0x1cd: {  	v3 =	vor.u32 $0x3, v1;
	_ =	sdelay $0x3  }
0x1ce: {  	[tilespmem:s26+$0xFFFFF900] =	vst v2  }
0x1cf: {  	v2 =	vld.idx.msk [tilespmem:v3+s13+$0x0], $0xffff  }
0x1d0: {  	v3 =	vor.u32 $0x4, v1  }
0x1d1: {  	s9 =	simm.s32 $0x10  }
0x1d2: {  	v4 =	vmov s9  }
0x1d3: {  	v4 =	vshll.u32 v4, $0x5  }
0x1d4: {  	[tilespmem:s26+$0xFFFFF980] =	vst v2;
	v2 =	vor.u32 v0, v4  }
0x1d5: {  	v3 =	vld.idx.msk [tilespmem:v3+s13+$0x0], $0xffff  }
0x1d6: {  	v4 =	vor.u32 $0x5, v1;
	_ =	sdelay $0x2  }
0x1d7: {  	v5 =	vld.idx.msk [tilespmem:v2+s13+$0x0], $0xffff  }
0x1d8: {  	[tilespmem:s26+$0xFFFFFA00] =	vst v3;
	v3 =	vor.u32 $0x1, v2  }
0x1d9: {  	v4 =	vld.idx.msk [tilespmem:v4+s13+$0x0], $0xffff  }
0x1da: {  	v6 =	vor.u32 $0x6, v1  }
0x1db: {  	s28 =	simm.s32 $0x6A10  }
0x1dc: {  	[tilespmem:s28+$0xFFFFF800] =	vst v5  }
0x1dd: {  	v3 =	vld.idx.msk [tilespmem:v3+s13+$0x0], $0xffff  }
0x1de: {  	[tilespmem:s26+$0xFFFFFA80] =	vst v4;
	v4 =	vor.u32 $0x2, v2  }
0x1df: {  	v5 =	vld.idx.msk [tilespmem:v6+s13+$0x0], $0xffff  }
0x1e0: {  	v6 =	vor.u32 $0x7, v1;
	_ =	sdelay $0x1  }
0x1e1: {  	[tilespmem:s28+$0xFFFFF880] =	vst v3  }
0x1e2: {  	v3 =	vld.idx.msk [tilespmem:v4+s13+$0x0], $0xffff  }
0x1e3: {  	v4 =	vor.u32 $0x3, v2;
	[tilespmem:s26+$0xFFFFFB00] =	vst v5  }
0x1e4: {  	v5 =	vld.idx.msk [tilespmem:v6+s13+$0x0], $0xffff  }
0x1e5: {  	v6 =	vor.u32 $0x8, v1;
	_ =	sdelay $0x1  }
0x1e6: {  	[tilespmem:s28+$0xFFFFF900] =	vst v3  }
0x1e7: {  	v3 =	vld.idx.msk [tilespmem:v4+s13+$0x0], $0xffff  }
0x1e8: {  	v4 =	vor.u32 $0x4, v2;
	[tilespmem:s26+$0xFFFFFB80] =	vst v5  }
0x1e9: {  	s1 =	simm.s32 $0x20;
	v5 =	vld.idx.msk [tilespmem:v6+s13+$0x0], $0xffff  }
0x1ea: {  	v7 =	vmov s1;
	v6 =	vor.u32 $0x9, v1  }
0x1eb: {  	v7 =	vshll.u32 v7, $0x5  }
0x1ec: {  	[tilespmem:s28+$0xFFFFF980] =	vst v3;
	v3 =	vor.u32 v0, v7  }
0x1ed: {  	v4 =	vld.idx.msk [tilespmem:v4+s13+$0x0], $0xffff  }
0x1ee: {  	[tilespmem:s26+$0xFFFFFC00] =	vst v5;
	v5 =	vor.u32 $0x5, v2  }
0x1ef: {  	v6 =	vld.idx.msk [tilespmem:v6+s13+$0x0], $0xffff  }
0x1f0: {  	v7 =	vor.u32 $0xA, v1  }
0x1f1: {  	v8 =	vld.idx.msk [tilespmem:v3+s13+$0x0], $0xffff  }
0x1f2: {  	[tilespmem:s28+$0xFFFFFA00] =	vst v4;
	v4 =	vor.u32 $0x1, v3  }
0x1f3: {  	v5 =	vld.idx.msk [tilespmem:v5+s13+$0x0], $0xffff  }
0x1f4: {  	[tilespmem:s26+$0xFFFFFC80] =	vst v6;
	v6 =	vor.u32 $0x6, v2  }
0x1f5: {  	s29 =	simm.s32 $0x6A20;
	v7 =	vld.idx.msk [tilespmem:v7+s13+$0x0], $0xffff  }
0x1f6: {  	[tilespmem:s29+$0xFFFFF800] =	vst v8;
	v8 =	vor.u32 $0xB, v1  }
0x1f7: {  	v4 =	vld.idx.msk [tilespmem:v4+s13+$0x0], $0xffff  }
0x1f8: {  	[tilespmem:s28+$0xFFFFFA80] =	vst v5;
	v5 =	vor.u32 $0x2, v3  }
0x1f9: {  	v6 =	vld.idx.msk [tilespmem:v6+s13+$0x0], $0xffff  }
0x1fa: {  	[tilespmem:s26+$0xFFFFFD00] =	vst v7;
	v7 =	vor.u32 $0x7, v2  }
0x1fb: {  	v8 =	vld.idx.msk [tilespmem:v8+s13+$0x0], $0xffff  }
0x1fc: {  	[tilespmem:s29+$0xFFFFF880] =	vst v4;
	v4 =	vor.u32 $0xC, v1  }
0x1fd: {  	v5 =	vld.idx.msk [tilespmem:v5+s13+$0x0], $0xffff  }
0x1fe: {  	[tilespmem:s28+$0xFFFFFB00] =	vst v6;
	v6 =	vor.u32 $0x3, v3  }
0x1ff: {  	v7 =	vld.idx.msk [tilespmem:v7+s13+$0x0], $0xffff  }
0x200: {  	[tilespmem:s26+$0xFFFFFD80] =	vst v8;
	v8 =	vor.u32 $0x8, v2  }
0x201: {  	v4 =	vld.idx.msk [tilespmem:v4+s13+$0x0], $0xffff  }
0x202: {  	[tilespmem:s29+$0xFFFFF900] =	vst v5;
	v5 =	vor.u32 $0xD, v1  }
0x203: {  	v6 =	vld.idx.msk [tilespmem:v6+s13+$0x0], $0xffff  }
0x204: {  	[tilespmem:s28+$0xFFFFFB80] =	vst v7;
	v7 =	vor.u32 $0x4, v3  }
0x205: {  	v8 =	vld.idx.msk [tilespmem:v8+s13+$0x0], $0xffff  }
0x206: {  	s9 =	simm.s32 $0x30;
	v9 =	vor.u32 $0x9, v2;
	[tilespmem:s26+$0xFFFFFE00] =	vst v4  }
0x207: {  	v4 =	vmov s9;
	v5 =	vld.idx.msk [tilespmem:v5+s13+$0x0], $0xffff  }
0x208: {  	v4 =	vshll.u32 v4, $0x5;
	[tilespmem:s29+$0xFFFFF980] =	vst v6;
	v6 =	vor.u32 $0xE, v1  }
0x209: {  	v4 =	vor.u32 v0, v4;
	v7 =	vld.idx.msk [tilespmem:v7+s13+$0x0], $0xffff  }
0x20a: {  	[tilespmem:s28+$0xFFFFFC00] =	vst v8;
	v8 =	vor.u32 $0x5, v3  }
0x20b: {  	v9 =	vld.idx.msk [tilespmem:v9+s13+$0x0], $0xffff  }
0x20c: {  	[tilespmem:s26+$0xFFFFFE80] =	vst v5;
	v5 =	vor.u32 $0xA, v2  }
0x20d: {  	v6 =	vld.idx.msk [tilespmem:v6+s13+$0x0], $0xffff  }
0x20e: {  	v10 =	vld.idx.msk [tilespmem:v4+s13+$0x0], $0xffff;
	[tilespmem:s29+$0xFFFFFA00] =	vst v7;
	v7 =	vor.u32 $0xF, v1  }
0x20f: {  	v11 =	vor.u32 $0x1, v4;
	v8 =	vld.idx.msk [tilespmem:v8+s13+$0x0], $0xffff  }
0x210: {  	[tilespmem:s28+$0xFFFFFC80] =	vst v9;
	v9 =	vor.u32 $0x6, v3  }
0x211: {  	v5 =	vld.idx.msk [tilespmem:v5+s13+$0x0], $0xffff  }
0x212: {  	s30 =	simm.s32 $0x6A30;
	[tilespmem:s26+$0xFFFFFF00] =	vst v6;
	v6 =	vor.u32 $0xB, v2  }
0x213: {  	[tilespmem:s30+$0xFFFFF800] =	vst v10;
	v7 =	vld.idx.msk [tilespmem:v7+s13+$0x0], $0xffff  }
0x214: {  	v10 =	vld.idx.msk [tilespmem:v11+s13+$0x0], $0xffff;
	[tilespmem:s29+$0xFFFFFA80] =	vst v8;
	v8 =	vor.u32 $0x10, v1  }
0x215: {  	v11 =	vor.u32 $0x2, v4;
	v9 =	vld.idx.msk [tilespmem:v9+s13+$0x0], $0xffff  }
0x216: {  	[tilespmem:s28+$0xFFFFFD00] =	vst v5;
	v5 =	vor.u32 $0x7, v3  }
0x217: {  	v6 =	vld.idx.msk [tilespmem:v6+s13+$0x0], $0xffff  }
0x218: {  	[tilespmem:s26+$0xFFFFFF80] =	vst v7;
	v7 =	vor.u32 $0xC, v2  }
0x219: {  	[tilespmem:s30+$0xFFFFF880] =	vst v10;
	v8 =	vld.idx.msk [tilespmem:v8+s13+$0x0], $0xffff  }
0x21a: {  	v10 =	vld.idx.msk [tilespmem:v11+s13+$0x0], $0xffff;
	[tilespmem:s29+$0xFFFFFB00] =	vst v9;
	v9 =	vor.u32 $0x11, v1  }
0x21b: {  	v11 =	vor.u32 $0x3, v4;
	v5 =	vld.idx.msk [tilespmem:v5+s13+$0x0], $0xffff  }
0x21c: {  	[tilespmem:s28+$0xFFFFFD80] =	vst v6;
	v6 =	vor.u32 $0x8, v3  }
0x21d: {  	v7 =	vld.idx.msk [tilespmem:v7+s13+$0x0], $0xffff  }
0x21e: {  	[tilespmem:s26+$0x0] =	vst v8;
	v8 =	vor.u32 $0xD, v2  }
0x21f: {  	[tilespmem:s30+$0xFFFFF900] =	vst v10;
	v9 =	vld.idx.msk [tilespmem:v9+s13+$0x0], $0xffff  }
0x220: {  	v10 =	vld.idx.msk [tilespmem:v11+s13+$0x0], $0xffff;
	[tilespmem:s29+$0xFFFFFB80] =	vst v5;
	v5 =	vor.u32 $0x12, v1  }
0x221: {  	v11 =	vor.u32 $0x4, v4;
	v6 =	vld.idx.msk [tilespmem:v6+s13+$0x0], $0xffff  }
0x222: {  	s1 =	simm.s32 $0x40;
	[tilespmem:s28+$0xFFFFFE00] =	vst v7;
	v7 =	vor.u32 $0x9, v3  }
0x223: {  	v12 =	vmov s1;
	v8 =	vld.idx.msk [tilespmem:v8+s13+$0x0], $0xffff  }
0x224: {  	[tilespmem:s26+$0x80] =	vst v9;
	v9 =	vshll.u32 v12, $0x5;
	v12 =	vor.u32 $0xE, v2  }
0x225: {  	[tilespmem:s30+$0xFFFFF980] =	vst v10;
	v10 =	vld.idx.msk [tilespmem:v5+s13+$0x0], $0xffff;
	v5 =	vor.u32 v0, v9  }
0x226: {  	v9 =	vld.idx.msk [tilespmem:v11+s13+$0x0], $0xffff;
	[tilespmem:s29+$0xFFFFFC00] =	vst v6;
	v6 =	vor.u32 $0x13, v1  }
0x227: {  	v11 =	vor.u32 $0x5, v4;
	v7 =	vld.idx.msk [tilespmem:v7+s13+$0x0], $0xffff  }
0x228: {  	[tilespmem:s28+$0xFFFFFE80] =	vst v8;
	v8 =	vor.u32 $0xA, v3  }
0x229: {  	v12 =	vld.idx.msk [tilespmem:v12+s13+$0x0], $0xffff  }
0x22a: {  	v13 =	vld.idx.msk [tilespmem:v5+s13+$0x0], $0xffff;
	[tilespmem:s26+$0x100] =	vst v10;
	v10 =	vor.u32 $0xF, v2  }
0x22b: {  	[tilespmem:s30+$0xFFFFFA00] =	vst v9;
	v9 =	vor.u32 $0x1, v5;
	v6 =	vld.idx.msk [tilespmem:v6+s13+$0x0], $0xffff  }
0x22c: {  	v11 =	vld.idx.msk [tilespmem:v11+s13+$0x0], $0xffff;
	[tilespmem:s29+$0xFFFFFC80] =	vst v7;
	v7 =	vor.u32 $0x14, v1  }
0x22d: {  	v14 =	vor.u32 $0x6, v4;
	v8 =	vld.idx.msk [tilespmem:v8+s13+$0x0], $0xffff  }
0x22e: {  	s31 =	simm.s32 $0x6A40;
	[tilespmem:s28+$0xFFFFFF00] =	vst v12;
	v12 =	vor.u32 $0xB, v3  }
0x22f: {  	[tilespmem:s31+$0xFFFFF800] =	vst v13;
	v10 =	vld.idx.msk [tilespmem:v10+s13+$0x0], $0xffff  }
0x230: {  	v9 =	vld.idx.msk [tilespmem:v9+s13+$0x0], $0xffff;
	[tilespmem:s26+$0x180] =	vst v6;
	v6 =	vor.u32 $0x10, v2  }
0x231: {  	[tilespmem:s30+$0xFFFFFA80] =	vst v11;
	v11 =	vor.u32 $0x2, v5;
	v7 =	vld.idx.msk [tilespmem:v7+s13+$0x0], $0xffff  }
0x232: {  	v13 =	vld.idx.msk [tilespmem:v14+s13+$0x0], $0xffff;
	[tilespmem:s29+$0xFFFFFD00] =	vst v8;
	v8 =	vor.u32 $0x15, v1  }
0x233: {  	v14 =	vor.u32 $0x7, v4;
	v12 =	vld.idx.msk [tilespmem:v12+s13+$0x0], $0xffff  }
0x234: {  	[tilespmem:s28+$0xFFFFFF80] =	vst v10;
	v10 =	vor.u32 $0xC, v3  }
0x235: {  	[tilespmem:s31+$0xFFFFF880] =	vst v9;
	v6 =	vld.idx.msk [tilespmem:v6+s13+$0x0], $0xffff  }
0x236: {  	v9 =	vld.idx.msk [tilespmem:v11+s13+$0x0], $0xffff;
	[tilespmem:s26+$0x200] =	vst v7;
	v7 =	vor.u32 $0x11, v2  }
0x237: {  	[tilespmem:s30+$0xFFFFFB00] =	vst v13;
	v11 =	vor.u32 $0x3, v5;
	v8 =	vld.idx.msk [tilespmem:v8+s13+$0x0], $0xffff  }
0x238: {  	v13 =	vld.idx.msk [tilespmem:v14+s13+$0x0], $0xffff;
	[tilespmem:s29+$0xFFFFFD80] =	vst v12;
	v12 =	vor.u32 $0x16, v1  }
0x239: {  	v14 =	vor.u32 $0x8, v4;
	v10 =	vld.idx.msk [tilespmem:v10+s13+$0x0], $0xffff  }
0x23a: {  	[tilespmem:s28+$0x0] =	vst v6;
	v6 =	vor.u32 $0xD, v3  }
0x23b: {  	[tilespmem:s31+$0xFFFFF900] =	vst v9;
	v7 =	vld.idx.msk [tilespmem:v7+s13+$0x0], $0xffff  }
0x23c: {  	v9 =	vld.idx.msk [tilespmem:v11+s13+$0x0], $0xffff;
	[tilespmem:s26+$0x280] =	vst v8;
	v8 =	vor.u32 $0x12, v2  }
0x23d: {  	[tilespmem:s30+$0xFFFFFB80] =	vst v13;
	v11 =	vld.idx.msk [tilespmem:v12+s13+$0x0], $0xffff;
	v12 =	vor.u32 $0x4, v5  }
0x23e: {  	s9 =	simm.s32 $0x50;
	v13 =	vld.idx.msk [tilespmem:v14+s13+$0x0], $0xffff;
	[tilespmem:s29+$0xFFFFFE00] =	vst v10;
	v10 =	vor.u32 $0x17, v1  }
0x23f: {  	v14 =	vor.u32 $0x9, v4;
	v15 =	vld.idx.msk [tilespmem:v6+s13+$0x0], $0xffff;
	v6 =	vmov s9  }
0x240: {  	[tilespmem:s28+$0x80] =	vst v7;
	v6 =	vshll.u32 v6, $0x5;
	v7 =	vor.u32 $0xE, v3  }
0x241: {  	[tilespmem:s31+$0xFFFFF980] =	vst v9;
	v8 =	vld.idx.msk [tilespmem:v8+s13+$0x0], $0xffff;
	v6 =	vor.u32 v0, v6  }
0x242: {  	v9 =	vld.idx.msk [tilespmem:v12+s13+$0x0], $0xffff;
	[tilespmem:s26+$0x300] =	vst v11;
	v11 =	vor.u32 $0x13, v2  }
0x243: {  	[tilespmem:s30+$0xFFFFFC00] =	vst v13;
	v12 =	vor.u32 $0x5, v5;
	v10 =	vld.idx.msk [tilespmem:v10+s13+$0x0], $0xffff  }
0x244: {  	v13 =	vld.idx.msk [tilespmem:v14+s13+$0x0], $0xffff;
	v14 =	vor.u32 $0x18, v1;
	[tilespmem:s29+$0xFFFFFE80] =	vst v15  }
0x245: {  	v15 =	vor.u32 $0xA, v4;
	v7 =	vld.idx.msk [tilespmem:v7+s13+$0x0], $0xffff  }
0x246: {  	v16 =	vld.idx.msk [tilespmem:v6+s13+$0x0], $0xffff;
	[tilespmem:s28+$0x100] =	vst v8;
	v8 =	vor.u32 $0xF, v3  }
0x247: {  	[tilespmem:s31+$0xFFFFFA00] =	vst v9;
	v9 =	vld.idx.msk [tilespmem:v11+s13+$0x0], $0xffff;
	v11 =	vor.u32 $0x1, v6  }
0x248: {  	v12 =	vld.idx.msk [tilespmem:v12+s13+$0x0], $0xffff;
	[tilespmem:s26+$0x380] =	vst v10;
	v10 =	vor.u32 $0x14, v2  }
0x249: {  	[tilespmem:s30+$0xFFFFFC80] =	vst v13;
	v13 =	vld.idx.msk [tilespmem:v14+s13+$0x0], $0xffff;
	v14 =	vor.u32 $0x6, v5  }
0x24a: {  	s0 =	simm.s32 $0x6A50;
	v15 =	vld.idx.msk [tilespmem:v15+s13+$0x0], $0xffff;
	[tilespmem:s29+$0xFFFFFF00] =	vst v7;
	v7 =	vor.u32 $0x19, v1  }
0x24b: {  	[tilespmem:s0+$0xFFFFF800] =	vst v16;
	v8 =	vld.idx.msk [tilespmem:v8+s13+$0x0], $0xffff  }
0x24c: {  	v16 =	vor.u32 $0xB, v4;
	v11 =	vld.idx.msk [tilespmem:v11+s13+$0x0], $0xffff;
	[tilespmem:s28+$0x180] =	vst v9  }
0x24d: {  	v9 =	vor.u32 $0x10, v3;
	[tilespmem:s31+$0xFFFFFA80] =	vst v12;
	v10 =	vld.idx.msk [tilespmem:v10+s13+$0x0], $0xffff  }
0x24e: {  	v12 =	vor.u32 $0x2, v6;
	v14 =	vld.idx.msk [tilespmem:v14+s13+$0x0], $0xffff;
	[tilespmem:s26+$0x400] =	vst v13  }
0x24f: {  	v13 =	vor.u32 $0x15, v2;
	[tilespmem:s30+$0xFFFFFD00] =	vst v15;
	v7 =	vld.idx.msk [tilespmem:v7+s13+$0x0], $0xffff  }
0x250: {  	[tilespmem:s29+$0xFFFFFF80] =	vst v8;
	v8 =	vor.u32 $0x1A, v1  }
0x251: {  	v15 =	vor.u32 $0x7, v5;
	v16 =	vld.idx.msk [tilespmem:v16+s13+$0x0], $0xffff;
	[tilespmem:s0+$0xFFFFF880] =	vst v11  }
0x252: {  	v11 =	vor.u32 $0xC, v4;
	v9 =	vld.idx.msk [tilespmem:v9+s13+$0x0], $0xffff;
	[tilespmem:s28+$0x200] =	vst v10  }
0x253: {  	v12 =	vld.idx.msk [tilespmem:v12+s13+$0x0], $0xffff;
	v10 =	vor.u32 $0x11, v3;
	[tilespmem:s31+$0xFFFFFB00] =	vst v14  }
0x254: {  	v13 =	vld.idx.msk [tilespmem:v13+s13+$0x0], $0xffff;
	v14 =	vor.u32 $0x3, v6;
	[tilespmem:s26+$0x480] =	vst v7  }
0x255: {  	v7 =	vor.u32 $0x16, v2;
	v17 =	vld.idx.msk [tilespmem:v8+s13+$0x0], $0xffff  }
0x256: {  	v22 =	vor.u32 $0x1B, v1;
	v15 =	vld.idx.msk [tilespmem:v15+s13+$0x0], $0xffff;
	[tilespmem:s30+$0xFFFFFD80] =	vst v16  }
0x257: {  	v18 =	vor.u32 $0x8, v5;
	v21 =	vld.idx.msk [tilespmem:v11+s13+$0x0], $0xffff;
	[tilespmem:s29+$0x0] =	vst v9  }
0x258: {  	v23 =	vor.u32 $0xD, v4;
	[tilespmem:s0+$0xFFFFF900] =	vst v12;
	v16 =	vld.idx.msk [tilespmem:v10+s13+$0x0], $0xffff  }
0x259: {  	v20 =	vld.idx.msk [tilespmem:v14+s13+$0x0], $0xffff;
	[tilespmem:s28+$0x280] =	vst v13  }
0x25a: {  	v14 =	vld.idx.msk [tilespmem:v7+s13+$0x0], $0xffff;
	[tilespmem:s26+$0x500] =	vst v17;
	v17 =	vor.u32 $0x12, v3  }
0x25b: {  	v8 =	vor.u32 $0x1C, v4;
	v11 =	vor.u32 $0x1C, v1;
	[tilespmem:s31+$0xFFFFFB80] =	vst v15;
	v13 =	vld.idx.msk [tilespmem:v22+s13+$0x0], $0xffff;
	v22 =	vor.u32 $0x4, v6  }
0x25c: {  	v9 =	vor.u32 $0x1C, v3;
	v12 =	vor.u32 $0x1C, v2;
	v15 =	vor.u32 $0x17, v2;
	v19 =	vld.idx.msk [tilespmem:v18+s13+$0x0], $0xffff;
	[tilespmem:s30+$0xFFFFFE00] =	vst v21  }
0x25d: {  	s1 =	simm.s32 $0x60;
	v10 =	vor.u32 $0x1C, v5;
	v7 =	vor.u32 $0x1C, v6;
	v21 =	vor.u32 $0x9, v5;
	v18 =	vld.idx.msk [tilespmem:v23+s13+$0x0], $0xffff  }
.LBB2_11:
0x25e: {  	v23 =	vmov s1;
	p0 =	sne.s32 s1, $0x70;
	s1 =	sadd.s32 $0x10, s1;
	[tilespmem:s29+$0x80] =	vst v16;
	s9 =	smov.u32 s30  }
0x25f: {  	s30 =	smov.u32 s31;
	s31 =	smov.u32 s0;
	v16 =	vshll.u32 v23, $0x5;
	[tilespmem:s0+$0xFFFFF980] =	vst v20;
	v20 =	vor.u32 $0xE, v4;
	v17 =	vld.idx.msk [tilespmem:v17+s13+$0x0], $0xffff  }
0x260: {  	v16 =	vor.u32 v0, v16;
	v22 =	vld.idx.msk [tilespmem:v22+s13+$0x0], $0xffff;
	[tilespmem:s28+$0x300] =	vst v14  }
0x261: {  	v14 =	vor.u32 $0x1C, v16;
	[tilespmem:s30+$0xFFFFFC00] =	vst v19;
	v19 =	vor.u32 $0x13, v3;
	v15 =	vld.idx.msk [tilespmem:v15+s13+$0x0], $0xffff  }
0x262: {  	v23 =	vor.u32 $0x5, v6;
	v21 =	vld.idx.msk [tilespmem:v21+s13+$0x0], $0xffff;
	[tilespmem:s26+$0x580] =	vst v13  }
0x263: {  	v13 =	vor.u32 $0x18, v2;
	[tilespmem:s9+$0xFFFFFE80] =	vst v18;
	v18 =	vld.idx.msk [tilespmem:v11+s13+$0x0], $0xffff;
	v11 =	vmovc v12;
	v12 =	vmovc v9;
	v9 =	vmov v8;
	v8 =	vmov v10  }
0x264: {  	v24 =	vor.u32 $0xA, v5;
	v10 =	vmov v7;
	v7 =	vmov v14;
	v20 =	vld.idx.msk [tilespmem:v20+s13+$0x0], $0xffff  }
0x265: {  	v14 =	vld.idx.msk [tilespmem:v16+s13+$0x0], $0xffff;
	[tilespmem:s29+$0x100] =	vst v17;
	v17 =	vor.u32 $0x1D, v1  }
0x266: {  	[tilespmem:s0+$0xFFFFFA00] =	vst v22;
	v22 =	vor.u32 $0xF, v4;
	v19 =	vld.idx.msk [tilespmem:v19+s13+$0x0], $0xffff  }
0x267: {  	v25 =	vor.u32 $0x1, v16;
	v23 =	vld.idx.msk [tilespmem:v23+s13+$0x0], $0xffff;
	[tilespmem:s28+$0x380] =	vst v15  }
0x268: {  	v15 =	vor.u32 $0x14, v3;
	[tilespmem:s30+$0xFFFFFC80] =	vst v21;
	v13 =	vld.idx.msk [tilespmem:v13+s13+$0x0], $0xffff  }
0x269: {  	v21 =	vor.u32 $0x6, v6;
	v24 =	vld.idx.msk [tilespmem:v24+s13+$0x0], $0xffff;
	[tilespmem:s26+$0x600] =	vst v18  }
0x26a: {  	s0 =	sadd.s32 $0x10, s0;
	v18 =	vor.u32 $0x19, v2;
	[tilespmem:s9+$0xFFFFFF00] =	vst v20;
	v17 =	vld.idx.msk [tilespmem:v17+s13+$0x0], $0xffff  }
0x26b: {  	[tilespmem:s0+$0xFFFFF800] =	vst v14;
	v14 =	vor.u32 $0xB, v5;
	v20 =	vld.idx.msk [tilespmem:v22+s13+$0x0], $0xffff  }
0x26c: {  	v22 =	vld.idx.msk [tilespmem:v25+s13+$0x0], $0xffff;
	[tilespmem:s29+$0x180] =	vst v19;
	v19 =	vor.u32 $0x1E, v1  }
0x26d: {  	[tilespmem:s31+$0xFFFFFA80] =	vst v23;
	v23 =	vor.u32 $0x10, v4;
	v15 =	vld.idx.msk [tilespmem:v15+s13+$0x0], $0xffff  }
0x26e: {  	v25 =	vor.u32 $0x2, v16;
	v21 =	vld.idx.msk [tilespmem:v21+s13+$0x0], $0xffff;
	[tilespmem:s28+$0x400] =	vst v13  }
0x26f: {  	v13 =	vor.u32 $0x15, v3;
	[tilespmem:s30+$0xFFFFFD00] =	vst v24;
	v18 =	vld.idx.msk [tilespmem:v18+s13+$0x0], $0xffff  }
0x270: {  	v24 =	vor.u32 $0x7, v6;
	v14 =	vld.idx.msk [tilespmem:v14+s13+$0x0], $0xffff;
	[tilespmem:s26+$0x680] =	vst v17  }
0x271: {  	v17 =	vor.u32 $0x1A, v2;
	[tilespmem:s9+$0xFFFFFF80] =	vst v20;
	v19 =	vld.idx.msk [tilespmem:v19+s13+$0x0], $0xffff  }
0x272: {  	v20 =	vor.u32 $0xC, v5;
	[tilespmem:s0+$0xFFFFF880] =	vst v22;
	v22 =	vld.idx.msk [tilespmem:v23+s13+$0x0], $0xffff  }
0x273: {  	v23 =	vld.idx.msk [tilespmem:v25+s13+$0x0], $0xffff;
	[tilespmem:s29+$0x200] =	vst v15;
	v15 =	vor.u32 $0x1F, v1;
	v1 =	vmovc v2;
	v2 =	vmovc v3;
	v3 =	vmov v4;
	v4 =	vmov v5  }
0x274: {  	v5 =	vmov v6;
	v6 =	vmov v16;
	[tilespmem:s31+$0xFFFFFB00] =	vst v21;
	v21 =	vor.u32 $0x11, v3;
	v13 =	vld.idx.msk [tilespmem:v13+s13+$0x0], $0xffff  }
0x275: {  	v25 =	vor.u32 $0x3, v6;
	v24 =	vld.idx.msk [tilespmem:v24+s13+$0x0], $0xffff;
	[tilespmem:s28+$0x480] =	vst v18  }
0x276: {  	[tilespmem:s30+$0xFFFFFD80] =	vst v14;
	v14 =	vor.u32 $0x16, v2;
	v18 =	vld.idx.msk [tilespmem:v17+s13+$0x0], $0xffff  }
0x277: {  	v26 =	vor.u32 $0x8, v5;
	v27 =	vld.idx.msk [tilespmem:v20+s13+$0x0], $0xffff;
	[tilespmem:s26+$0x700] =	vst v19  }
0x278: {  	v28 =	vor.u32 $0x1B, v1;
	[tilespmem:s9+$0x0] =	vst v22;
	v29 =	vld.idx.msk [tilespmem:v15+s13+$0x0], $0xffff  }
0x279: {  	[tilespmem:s0+$0xFFFFF900] =	vst v23;
	v23 =	vor.u32 $0xD, v4;
	v16 =	vld.idx.msk [tilespmem:v21+s13+$0x0], $0xffff  }
.Ltmp5:
0x27a: {  	v20 =	vld.idx.msk [tilespmem:v25+s13+$0x0], $0xffff;
	[tilespmem:s29+$0x280] =	vst v13;
	(pc) =	sbr.rel @p0 .LBB2_11-.Ltmp5, $4  }
0x27b: {  	v17 =	vor.u32 $0x12, v3;
	[tilespmem:s31+$0xFFFFFB80] =	vst v24;
	v14 =	vld.idx.msk [tilespmem:v14+s13+$0x0], $0xffff  }
0x27c: {  	v22 =	vor.u32 $0x4, v6;
	v19 =	vld.idx.msk [tilespmem:v26+s13+$0x0], $0xffff;
	[tilespmem:s28+$0x500] =	vst v18  }
0x27d: {  	v15 =	vor.u32 $0x17, v2;
	[tilespmem:s30+$0xFFFFFE00] =	vst v27;
	v13 =	vld.idx.msk [tilespmem:v28+s13+$0x0], $0xffff  }
0x27e: {  	v21 =	vor.u32 $0x9, v5;
	v18 =	vld.idx.msk [tilespmem:v23+s13+$0x0], $0xffff;
	[tilespmem:s26+$0x780] =	vst v29;
	s26 =	smov.u32 s28;
	s28 =	smov.u32 s29;
	s29 =	smov.u32 s9  }
0x27f: {  	_ =	sdelay $0x2  }
0x280: {  	[tilespmem:s0+$0xFFFFF980] =	vst v20  }
0x281: {  	v20 =	vld.idx.msk [tilespmem:v22+s13+$0x0], $0xffff  }
0x282: {  	v58 =	vor.u32 $0x5, v6;
	_ =	sdelay $0x3  }
0x283: {  	[tilespmem:s0+$0xFFFFFA00] =	vst v20  }
0x284: {  	v20 =	vld.idx.msk [tilespmem:v58+s13+$0x0], $0xffff  }
0x285: {  	v59 =	vor.u32 $0x6, v6;
	_ =	sdelay $0x3  }
0x286: {  	[tilespmem:s0+$0xFFFFFA80] =	vst v20  }
0x287: {  	v20 =	vld.idx.msk [tilespmem:v59+s13+$0x0], $0xffff  }
0x288: {  	v60 =	vor.u32 $0x7, v6;
	_ =	sdelay $0x3  }
0x289: {  	[tilespmem:s0+$0xFFFFFB00] =	vst v20  }
0x28a: {  	v20 =	vld.idx.msk [tilespmem:v60+s13+$0x0], $0xffff  }
0x28b: {  	v61 =	vor.u32 $0x8, v6;
	_ =	sdelay $0x3  }
0x28c: {  	[tilespmem:s0+$0xFFFFFB80] =	vst v20  }
0x28d: {  	v20 =	vld.idx.msk [tilespmem:v61+s13+$0x0], $0xffff  }
0x28e: {  	v62 =	vor.u32 $0x9, v6;
	_ =	sdelay $0x2  }
0x28f: {  	[tilespmem:s31+$0xFFFFFC00] =	vst v19  }
0x290: {  	v19 =	vld.idx.msk [tilespmem:v21+s13+$0x0], $0xffff;
	[tilespmem:s0+$0xFFFFFC00] =	vst v20  }
0x291: {  	v63 =	vor.u32 $0xA, v5;
	v24 =	vld.idx.msk [tilespmem:v62+s13+$0x0], $0xffff  }
0x292: {  	v25 =	vor.u32 $0xA, v6;
	_ =	sdelay $0x2  }
0x293: {  	[tilespmem:s31+$0xFFFFFC80] =	vst v19  }
0x294: {  	v19 =	vld.idx.msk [tilespmem:v63+s13+$0x0], $0xffff;
	[tilespmem:s0+$0xFFFFFC80] =	vst v24  }
0x295: {  	v26 =	vor.u32 $0xB, v5;
	v21 =	vld.idx.msk [tilespmem:v25+s13+$0x0], $0xffff  }
0x296: {  	v27 =	vor.u32 $0xB, v6;
	_ =	sdelay $0x2  }
0x297: {  	[tilespmem:s31+$0xFFFFFD00] =	vst v19  }
0x298: {  	v19 =	vld.idx.msk [tilespmem:v26+s13+$0x0], $0xffff;
	[tilespmem:s0+$0xFFFFFD00] =	vst v21  }
0x299: {  	v28 =	vor.u32 $0xC, v5;
	v21 =	vld.idx.msk [tilespmem:v27+s13+$0x0], $0xffff  }
0x29a: {  	v29 =	vor.u32 $0xC, v6;
	_ =	sdelay $0x2  }
0x29b: {  	[tilespmem:s31+$0xFFFFFD80] =	vst v19  }
0x29c: {  	v19 =	vld.idx.msk [tilespmem:v28+s13+$0x0], $0xffff;
	[tilespmem:s0+$0xFFFFFD80] =	vst v21  }
0x29d: {  	v30 =	vor.u32 $0xD, v5;
	v21 =	vld.idx.msk [tilespmem:v29+s13+$0x0], $0xffff  }
0x29e: {  	v31 =	vor.u32 $0xD, v6;
	_ =	sdelay $0x2  }
0x29f: {  	v32 =	vor.u32 $0xE, v4;
	[tilespmem:s31+$0xFFFFFE00] =	vst v19  }
0x2a0: {  	v20 =	vld.idx.msk [tilespmem:v30+s13+$0x0], $0xffff;
	[tilespmem:s0+$0xFFFFFE00] =	vst v21  }
0x2a1: {  	v33 =	vor.u32 $0xE, v5;
	v22 =	vld.idx.msk [tilespmem:v31+s13+$0x0], $0xffff  }
0x2a2: {  	v23 =	vor.u32 $0xE, v6  }
0x2a3: {  	[tilespmem:s30+$0xFFFFFE80] =	vst v18  }
0x2a4: {  	v18 =	vld.idx.msk [tilespmem:v32+s13+$0x0], $0xffff  }
0x2a5: {  	v34 =	vor.u32 $0xF, v4;
	[tilespmem:s31+$0xFFFFFE80] =	vst v20  }
0x2a6: {  	v20 =	vld.idx.msk [tilespmem:v33+s13+$0x0], $0xffff;
	[tilespmem:s0+$0xFFFFFE80] =	vst v22  }
0x2a7: {  	v35 =	vor.u32 $0xF, v5;
	v22 =	vld.idx.msk [tilespmem:v23+s13+$0x0], $0xffff  }
0x2a8: {  	v36 =	vor.u32 $0xF, v6  }
0x2a9: {  	[tilespmem:s30+$0xFFFFFF00] =	vst v18  }
0x2aa: {  	v18 =	vld.idx.msk [tilespmem:v34+s13+$0x0], $0xffff  }
0x2ab: {  	v37 =	vor.u32 $0x10, v4;
	[tilespmem:s31+$0xFFFFFF00] =	vst v20  }
0x2ac: {  	v20 =	vld.idx.msk [tilespmem:v35+s13+$0x0], $0xffff;
	[tilespmem:s0+$0xFFFFFF00] =	vst v22  }
0x2ad: {  	v38 =	vor.u32 $0x10, v5;
	v22 =	vld.idx.msk [tilespmem:v36+s13+$0x0], $0xffff  }
0x2ae: {  	v39 =	vor.u32 $0x10, v6  }
0x2af: {  	[tilespmem:s30+$0xFFFFFF80] =	vst v18  }
0x2b0: {  	v18 =	vld.idx.msk [tilespmem:v37+s13+$0x0], $0xffff  }
0x2b1: {  	v40 =	vor.u32 $0x11, v4;
	[tilespmem:s31+$0xFFFFFF80] =	vst v20  }
0x2b2: {  	v20 =	vld.idx.msk [tilespmem:v38+s13+$0x0], $0xffff;
	[tilespmem:s0+$0xFFFFFF80] =	vst v22  }
0x2b3: {  	v41 =	vor.u32 $0x11, v5;
	v22 =	vld.idx.msk [tilespmem:v39+s13+$0x0], $0xffff  }
0x2b4: {  	v42 =	vor.u32 $0x11, v6  }
0x2b5: {  	[tilespmem:s30+$0x0] =	vst v18  }
0x2b6: {  	v18 =	vld.idx.msk [tilespmem:v40+s13+$0x0], $0xffff  }
0x2b7: {  	v43 =	vor.u32 $0x12, v4;
	[tilespmem:s31+$0x0] =	vst v20  }
0x2b8: {  	v20 =	vld.idx.msk [tilespmem:v41+s13+$0x0], $0xffff;
	[tilespmem:s0+$0x0] =	vst v22  }
0x2b9: {  	v44 =	vor.u32 $0x12, v5;
	v22 =	vld.idx.msk [tilespmem:v42+s13+$0x0], $0xffff  }
0x2ba: {  	v45 =	vor.u32 $0x12, v6;
	[tilespmem:s29+$0x80] =	vst v16  }
0x2bb: {  	v16 =	vld.idx.msk [tilespmem:v17+s13+$0x0], $0xffff;
	[tilespmem:s30+$0x80] =	vst v18  }
0x2bc: {  	v46 =	vor.u32 $0x13, v3;
	v18 =	vld.idx.msk [tilespmem:v43+s13+$0x0], $0xffff  }
0x2bd: {  	v47 =	vor.u32 $0x13, v4;
	[tilespmem:s31+$0x80] =	vst v20  }
0x2be: {  	v20 =	vld.idx.msk [tilespmem:v44+s13+$0x0], $0xffff;
	[tilespmem:s0+$0x80] =	vst v22  }
0x2bf: {  	v48 =	vor.u32 $0x13, v5;
	v22 =	vld.idx.msk [tilespmem:v45+s13+$0x0], $0xffff  }
0x2c0: {  	v49 =	vor.u32 $0x13, v6;
	[tilespmem:s29+$0x100] =	vst v16  }
0x2c1: {  	v16 =	vld.idx.msk [tilespmem:v46+s13+$0x0], $0xffff;
	[tilespmem:s30+$0x100] =	vst v18  }
0x2c2: {  	v50 =	vor.u32 $0x14, v3;
	v18 =	vld.idx.msk [tilespmem:v47+s13+$0x0], $0xffff  }
0x2c3: {  	v51 =	vor.u32 $0x14, v4;
	[tilespmem:s31+$0x100] =	vst v20  }
0x2c4: {  	v20 =	vld.idx.msk [tilespmem:v48+s13+$0x0], $0xffff;
	[tilespmem:s0+$0x100] =	vst v22  }
0x2c5: {  	v52 =	vor.u32 $0x14, v5;
	v22 =	vld.idx.msk [tilespmem:v49+s13+$0x0], $0xffff  }
0x2c6: {  	v53 =	vor.u32 $0x14, v6;
	[tilespmem:s29+$0x180] =	vst v16  }
0x2c7: {  	v16 =	vld.idx.msk [tilespmem:v50+s13+$0x0], $0xffff;
	[tilespmem:s30+$0x180] =	vst v18  }
0x2c8: {  	v54 =	vor.u32 $0x15, v3;
	v18 =	vld.idx.msk [tilespmem:v51+s13+$0x0], $0xffff  }
0x2c9: {  	v55 =	vor.u32 $0x15, v4;
	[tilespmem:s31+$0x180] =	vst v20  }
0x2ca: {  	v20 =	vld.idx.msk [tilespmem:v52+s13+$0x0], $0xffff;
	[tilespmem:s0+$0x180] =	vst v22  }
0x2cb: {  	v56 =	vor.u32 $0x15, v5;
	v22 =	vld.idx.msk [tilespmem:v53+s13+$0x0], $0xffff  }
0x2cc: {  	v57 =	vor.u32 $0x15, v6;
	[tilespmem:s29+$0x200] =	vst v16  }
0x2cd: {  	v16 =	vld.idx.msk [tilespmem:v54+s13+$0x0], $0xffff;
	[tilespmem:s30+$0x200] =	vst v18  }
0x2ce: {  	v58 =	vor.u32 $0x16, v3;
	v18 =	vld.idx.msk [tilespmem:v55+s13+$0x0], $0xffff  }
0x2cf: {  	v59 =	vor.u32 $0x16, v4;
	[tilespmem:s31+$0x200] =	vst v20  }
0x2d0: {  	v20 =	vld.idx.msk [tilespmem:v56+s13+$0x0], $0xffff;
	[tilespmem:s0+$0x200] =	vst v22  }
0x2d1: {  	v60 =	vor.u32 $0x16, v5;
	v22 =	vld.idx.msk [tilespmem:v57+s13+$0x0], $0xffff  }
0x2d2: {  	[tilespmem:s29+$0x280] =	vst v16;
	v61 =	vor.u32 $0x16, v6  }
0x2d3: {  	v16 =	vld.idx.msk [tilespmem:v58+s13+$0x0], $0xffff;
	[tilespmem:s30+$0x280] =	vst v18  }
0x2d4: {  	v62 =	vor.u32 $0x17, v3;
	v18 =	vld.idx.msk [tilespmem:v59+s13+$0x0], $0xffff  }
0x2d5: {  	v63 =	vor.u32 $0x17, v4;
	[tilespmem:s31+$0x280] =	vst v20  }
0x2d6: {  	v20 =	vld.idx.msk [tilespmem:v60+s13+$0x0], $0xffff;
	[tilespmem:s0+$0x280] =	vst v22  }
0x2d7: {  	v24 =	vor.u32 $0x17, v5;
	v22 =	vld.idx.msk [tilespmem:v61+s13+$0x0], $0xffff  }
0x2d8: {  	[tilespmem:s29+$0x300] =	vst v16;
	v25 =	vor.u32 $0x17, v6  }
0x2d9: {  	v17 =	vld.idx.msk [tilespmem:v62+s13+$0x0], $0xffff;
	[tilespmem:s30+$0x300] =	vst v18  }
0x2da: {  	[tilespmem:s28+$0x300] =	vst v14;
	v27 =	vor.u32 $0x18, v3;
	v19 =	vld.idx.msk [tilespmem:v63+s13+$0x0], $0xffff  }
0x2db: {  	v15 =	vld.idx.msk [tilespmem:v15+s13+$0x0], $0xffff;
	v28 =	vor.u32 $0x18, v4;
	[tilespmem:s31+$0x300] =	vst v20  }
0x2dc: {  	v26 =	vor.u32 $0x18, v2;
	v21 =	vld.idx.msk [tilespmem:v24+s13+$0x0], $0xffff;
	[tilespmem:s0+$0x300] =	vst v22  }
0x2dd: {  	v29 =	vor.u32 $0x18, v5;
	v14 =	vld.idx.msk [tilespmem:v25+s13+$0x0], $0xffff  }
0x2de: {  	v30 =	vor.u32 $0x18, v6;
	[tilespmem:s29+$0x380] =	vst v17  }
0x2df: {  	v18 =	vld.idx.msk [tilespmem:v27+s13+$0x0], $0xffff;
	[tilespmem:s30+$0x380] =	vst v19  }
0x2e0: {  	v32 =	vor.u32 $0x19, v3;
	[tilespmem:s28+$0x380] =	vst v15;
	v20 =	vld.idx.msk [tilespmem:v28+s13+$0x0], $0xffff  }
0x2e1: {  	v16 =	vld.idx.msk [tilespmem:v26+s13+$0x0], $0xffff;
	v33 =	vor.u32 $0x19, v4;
	[tilespmem:s31+$0x380] =	vst v21  }
0x2e2: {  	v31 =	vor.u32 $0x19, v2;
	v22 =	vld.idx.msk [tilespmem:v29+s13+$0x0], $0xffff;
	[tilespmem:s0+$0x380] =	vst v14  }
0x2e3: {  	v34 =	vor.u32 $0x19, v5;
	v15 =	vld.idx.msk [tilespmem:v30+s13+$0x0], $0xffff  }
0x2e4: {  	v35 =	vor.u32 $0x19, v6;
	[tilespmem:s29+$0x400] =	vst v18  }
0x2e5: {  	v19 =	vld.idx.msk [tilespmem:v32+s13+$0x0], $0xffff;
	[tilespmem:s30+$0x400] =	vst v20  }
0x2e6: {  	v37 =	vor.u32 $0x1A, v3;
	[tilespmem:s28+$0x400] =	vst v16;
	v21 =	vld.idx.msk [tilespmem:v33+s13+$0x0], $0xffff  }
0x2e7: {  	v38 =	vor.u32 $0x1A, v4;
	v17 =	vld.idx.msk [tilespmem:v31+s13+$0x0], $0xffff;
	[tilespmem:s31+$0x400] =	vst v22  }
0x2e8: {  	v36 =	vor.u32 $0x1A, v2;
	v14 =	vld.idx.msk [tilespmem:v34+s13+$0x0], $0xffff;
	[tilespmem:s0+$0x400] =	vst v15  }
0x2e9: {  	v39 =	vor.u32 $0x1A, v5;
	v16 =	vld.idx.msk [tilespmem:v35+s13+$0x0], $0xffff  }
0x2ea: {  	v40 =	vor.u32 $0x1A, v6;
	[tilespmem:s29+$0x480] =	vst v19  }
0x2eb: {  	v20 =	vld.idx.msk [tilespmem:v37+s13+$0x0], $0xffff;
	[tilespmem:s30+$0x480] =	vst v21  }
0x2ec: {  	[tilespmem:s28+$0x480] =	vst v17;
	v42 =	vor.u32 $0x1B, v3;
	v22 =	vld.idx.msk [tilespmem:v38+s13+$0x0], $0xffff  }
0x2ed: {  	v43 =	vor.u32 $0x1B, v4;
	v18 =	vld.idx.msk [tilespmem:v36+s13+$0x0], $0xffff;
	[tilespmem:s31+$0x480] =	vst v14  }
0x2ee: {  	v41 =	vor.u32 $0x1B, v2;
	v15 =	vld.idx.msk [tilespmem:v39+s13+$0x0], $0xffff;
	[tilespmem:s0+$0x480] =	vst v16  }
0x2ef: {  	v44 =	vor.u32 $0x1B, v5;
	v17 =	vld.idx.msk [tilespmem:v40+s13+$0x0], $0xffff  }
0x2f0: {  	v45 =	vor.u32 $0x1B, v6;
	[tilespmem:s29+$0x500] =	vst v20  }
0x2f1: {  	v20 =	vld.idx.msk [tilespmem:v42+s13+$0x0], $0xffff;
	[tilespmem:s30+$0x500] =	vst v22  }
0x2f2: {  	[tilespmem:s28+$0x500] =	vst v18;
	v14 =	vld.idx.msk [tilespmem:v43+s13+$0x0], $0xffff  }
0x2f3: {  	v19 =	vld.idx.msk [tilespmem:v41+s13+$0x0], $0xffff;
	[tilespmem:s31+$0x500] =	vst v15  }
0x2f4: {  	v15 =	vld.idx.msk [tilespmem:v44+s13+$0x0], $0xffff;
	[tilespmem:s0+$0x500] =	vst v17  }
0x2f5: {  	[tilespmem:s26+$0x580] =	vst v13;
	v46 =	vld.idx.msk [tilespmem:v45+s13+$0x0], $0xffff  }
0x2f6: {  	v11 =	vld.idx.msk [tilespmem:v11+s13+$0x0], $0xffff;
	[tilespmem:s29+$0x580] =	vst v20  }
0x2f7: {  	v47 =	vor.u32 $0x1D, v1;
	v9 =	vld.idx.msk [tilespmem:v9+s13+$0x0], $0xffff;
	[tilespmem:s30+$0x580] =	vst v14  }
0x2f8: {  	[tilespmem:s28+$0x580] =	vst v19;
	v49 =	vor.u32 $0x1D, v3;
	v8 =	vld.idx.msk [tilespmem:v8+s13+$0x0], $0xffff  }
0x2f9: {  	v50 =	vor.u32 $0x1D, v4;
	v12 =	vld.idx.msk [tilespmem:v12+s13+$0x0], $0xffff;
	[tilespmem:s31+$0x580] =	vst v15  }
0x2fa: {  	v48 =	vor.u32 $0x1D, v2;
	v10 =	vld.idx.msk [tilespmem:v10+s13+$0x0], $0xffff;
	[tilespmem:s0+$0x580] =	vst v46  }
0x2fb: {  	[tilespmem:s26+$0x600] =	vst v11;
	v51 =	vor.u32 $0x1D, v5;
	v7 =	vld.idx.msk [tilespmem:v7+s13+$0x0], $0xffff  }
0x2fc: {  	v52 =	vld.idx.msk [tilespmem:v47+s13+$0x0], $0xffff;
	v53 =	vor.u32 $0x1D, v6;
	[tilespmem:s29+$0x600] =	vst v9  }
0x2fd: {  	v54 =	vor.u32 $0x1E, v1;
	v14 =	vld.idx.msk [tilespmem:v49+s13+$0x0], $0xffff;
	[tilespmem:s30+$0x600] =	vst v8  }
0x2fe: {  	v56 =	vor.u32 $0x1E, v3;
	[tilespmem:s28+$0x600] =	vst v12;
	v15 =	vld.idx.msk [tilespmem:v50+s13+$0x0], $0xffff  }
0x2ff: {  	v57 =	vor.u32 $0x1E, v4;
	v17 =	vld.idx.msk [tilespmem:v48+s13+$0x0], $0xffff;
	[tilespmem:s31+$0x600] =	vst v10  }
0x300: {  	v55 =	vor.u32 $0x1E, v2;
	v11 =	vld.idx.msk [tilespmem:v51+s13+$0x0], $0xffff;
	[tilespmem:s0+$0x600] =	vst v7  }
0x301: {  	v58 =	vor.u32 $0x1E, v5;
	[tilespmem:s26+$0x680] =	vst v52;
	v12 =	vld.idx.msk [tilespmem:v53+s13+$0x0], $0xffff  }
0x302: {  	v59 =	vor.u32 $0x1E, v6;
	v13 =	vld.idx.msk [tilespmem:v54+s13+$0x0], $0xffff;
	[tilespmem:s29+$0x680] =	vst v14  }
0x303: {  	v1 =	vor.u32 $0x1F, v1;
	v8 =	vld.idx.msk [tilespmem:v56+s13+$0x0], $0xffff;
	[tilespmem:s30+$0x680] =	vst v15  }
0x304: {  	v3 =	vor.u32 $0x1F, v3;
	[tilespmem:s28+$0x680] =	vst v17;
	v10 =	vld.idx.msk [tilespmem:v57+s13+$0x0], $0xffff  }
0x305: {  	v60 =	vor.u32 $0x1F, v4;
	v9 =	vld.idx.msk [tilespmem:v55+s13+$0x0], $0xffff;
	[tilespmem:s31+$0x680] =	vst v11  }
0x306: {  	v2 =	vor.u32 $0x1F, v2;
	v7 =	vld.idx.msk [tilespmem:v58+s13+$0x0], $0xffff;
	[tilespmem:s0+$0x680] =	vst v12  }
0x307: {  	[tilespmem:s26+$0x700] =	vst v13;
	v61 =	vor.u32 $0x1F, v5;
	v62 =	vld.idx.msk [tilespmem:v59+s13+$0x0], $0xffff  }
0x308: {  	v63 =	vor.u32 $0x1F, v6;
	v1 =	vld.idx.msk [tilespmem:v1+s13+$0x0], $0xffff;
	[tilespmem:s29+$0x700] =	vst v8  }
0x309: {  	v3 =	vld.idx.msk [tilespmem:v3+s13+$0x0], $0xffff;
	[tilespmem:s30+$0x700] =	vst v10  }
0x30a: {  	[tilespmem:s28+$0x700] =	vst v9;
	v4 =	vld.idx.msk [tilespmem:v60+s13+$0x0], $0xffff  }
0x30b: {  	v2 =	vld.idx.msk [tilespmem:v2+s13+$0x0], $0xffff;
	[tilespmem:s31+$0x700] =	vst v7  }
0x30c: {  	v5 =	vld.idx.msk [tilespmem:v61+s13+$0x0], $0xffff;
	[tilespmem:s0+$0x700] =	vst v62  }
0x30d: {  	s24 =	sadd.s32 $0x1, s24;
	[tilespmem:s26+$0x780] =	vst v1;
	v1 =	vld.idx.msk [tilespmem:v63+s13+$0x0], $0xffff  }
0x30e: {  	p0 =	sne.s32 s24, $0x19;
	[tilespmem:s29+$0x780] =	vst v3  }
.Ltmp6:
0x30f: {  	s1 =	sshll.u32 s25, $0x11;
	[tilespmem:s30+$0x780] =	vst v4;
	(pc) =	sbr.rel @p0 .LBB2_4-.Ltmp6, $4  }
0x310: {  	s1 =	sor.u32 s6, s1;
	[tilespmem:s28+$0x780] =	vst v2  }
0x311: {  	s1 =	sshrl.u32 s1, $0x3;
	[tilespmem:s31+$0x780] =	vst v5  }
0x312: {  	s31 =	sadd.s32 s2, s1;
	[tilespmem:s0+$0x780] =	vst v1  }
0x313: {  	[hbm4b:s31+s15] =	stream.strided.scatter [tilespmem:s20], [sflag:$0x4], $0x1000, s16, s15, $0x38;
	[tilespmem:$0x7200] =	vst v63  }
0x314: {  	s22 =	sadd.s32 $0x1, s22  }
0x315: {  	_ =	swait.ge [sflag:s21], $0x1000;
	p0 =	sne.s32 s22, s7  }
.Ltmp7:
0x316: {  	[sflag:s21] =	ssyncset.done $0x0;
	(pc) =	sbr.rel @p0 .LBB2_1-.Ltmp7, $4  }
0x317: {  	[sflag:s21] =	ssyncadd.s32 $0xFFFFF000  }
0x318: {  	_ =	swait.ge [sflag:s19], $0x1000  }
0x319: {  	[sflag:s19] =	ssyncset.done $0x0  }
0x31a: {  	[sflag:s19] =	ssyncadd.s32 $0xFFFFF000  }
0x31b: {  	_ =	sfence.sel $0x180000  }
0x31c: {  	[bflag:$0x0] =	sbarrier.arrive $0xFFFF  }
0x31d: {  	_ =	strace $0x90000047  }
0x31e: {  	s0 =	stileid.u32;
	[bflag:$0x2] =	sbarrier.arrive $0xFFFF  }
0x31f: {  	p0 =	sne.s32 s0, $0x0;
	s0 =	rddreg [dreg:$0x2]  }
0x320: {  	s0 =	sadd.s32 @!p0 $0x100000, s0  }
0x321: {  	[sflag:s0] =	ssyncadd.tile.s32 @!p0 $0x1;
	_ =	shalt  }
.Lfunc_end2:
_tile_overlayer_lowered:
.L_overlay_start_2:
0x322: {  	(tag) =	ssettag $0x2  }
0x323: {  	s0 =	rddreg [dreg:$0x0];
	s2 =	stileid.u32  }
0x324: {  	s1 =	rddreg [dreg:$0x1];
	p0 =	sne.s32 s2, $0x0  }
0x325: {  	s3 =	rddreg [dreg:$0x2];
	[bflag:$0x3] =	sbarrier.arrive $0xFFFF;
	s2 =	simm.s32 @!p0 $0x1C05  }
0x326: {  	[timem:s3], [sflag:s2] =	dma.local @!p0 [hbm:s0], s1  }
0x327: {  	s0 =	simm.s32 @!p0 $0x5  }
0x328: {  	_ =	swait.ge @!p0 [sflag:s0], s1  }
0x329: {  	s1 =	ssub.s32 @!p0 $0x0, s1;
	[sflag:s0] =	ssyncset.done @!p0 $0x0  }
0x32a: {  	[sflag:s0] =	ssyncadd.s32 @!p0 s1  }
0x32b: {  	[bflag:$0x3] =	sbarrier.arrive $0xFFFF  }
0x32c: {  	_ =	shalt  }

</sc_bundles>
